<compile_context>
chip_gen: v7x
topology: tpu7x:2x2x1
jax: 0.10.2.dev20260603
libtpu: 0.0.44.dev20260713+nightly
codegen_flags: <defaults>
</compile_context>

<pallas_src>
import functools

import jax
import jax.numpy as jnp
from jax import lax
from jax.experimental import pallas as pl
from jax.experimental.pallas import tpu as pltpu
from jax.experimental.pallas import tpu_sc as plsc

N = 10000
E = 160000
D = 256
H = 512
C = 16

NP = 10240
W = 128
NWIN = E // W
NSUB = 16
ROWS_PER_TILE = NP // NSUB
RB = 512
GRID = NP // RB


def _sc_agg_body(K, with_deg, chunk_major, *refs):
    if with_deg:
        (table, src_hbm, dst_hbm, agg_out, deg_out,
         acc, deg_acc, srcva, dstva, gidxva, srcvb, dstvb, gidxvb,
         rowsa, rowsb, onesv, sema, semb, semia, semib) = refs
    else:
        (table, src_hbm, dst_hbm, agg_out,
         acc, deg_acc, srcva, dstva, gidxva, srcvb, dstvb, gidxvb,
         rowsa, rowsb, onesv, sema, semb, semia, semib) = refs
        deg_out = None

    cid = lax.axis_index("c")
    sid = lax.axis_index("s")
    passes = K // 2

    zeros16 = jnp.zeros((16,), jnp.float32)
    ones16 = jnp.ones((16,), jnp.float32)

    @pl.loop(0, W, step=16)
    def _(i):
        onesv[pl.ds(i, 16)] = ones16

    def zero_acc():
        @pl.loop(0, W)
        def _(r):
            @pl.loop(0, 128, step=16)
            def _(i):
                rowsa[r, pl.ds(i, 16)] = zeros16

        @pl.loop(0, ROWS_PER_TILE // W)
        def _(j):
            off = sid * ROWS_PER_TILE + j * W
            pltpu.sync_copy(rowsa, acc.at[pl.ds(off, W)])

    zero_acc()
    if with_deg:
        @pl.when(cid == 0)
        def _():
            @pl.loop(0, ROWS_PER_TILE // W)
            def _(j):
                off = sid * ROWS_PER_TILE + j * W
                pltpu.sync_copy(rowsa.at[0], deg_acc.at[pl.ds(off, W)])
    plsc.subcore_barrier()

    def start_idx(w, srcv, dstv, sem):
        base = w * W
        pltpu.async_copy(src_hbm.at[pl.ds(base, W)], srcv, sem)
        pltpu.async_copy(dst_hbm.at[pl.ds(base, W)], dstv, sem)

    def finish_idx(w, srcv, dstv, gidxv, sem, chunk):
        base = w * W
        pltpu.make_async_copy(src_hbm.at[pl.ds(base, W)], srcv, sem).wait()
        pltpu.make_async_copy(dst_hbm.at[pl.ds(base, W)], dstv, sem).wait()

        @pl.loop(0, W, step=16)
        def _(i):
            if chunk_major:
                gidxv[pl.ds(i, 16)] = srcv[pl.ds(i, 16)] + chunk * NP
            else:
                gidxv[pl.ds(i, 16)] = srcv[pl.ds(i, 16)] * K + chunk

    def start_gather(gidxv, rows, sem):
        pltpu.async_copy(table.at[gidxv], rows, sem)

    def wait_gather(gidxv, rows, sem):
        pltpu.make_async_copy(table.at[gidxv], rows, sem).wait()

    def scatter(kk, rows, dstv):
        pltpu.sync_copy(rows, acc.at[dstv], add=True)
        if with_deg and kk == 0:
            @pl.when(cid == 0)
            def _():
                pltpu.sync_copy(onesv, deg_acc.at[dstv], add=True)

    npairs = (NWIN // NSUB + 2) // 2

    for kk in range(passes):
        chunk = cid * passes + kk

        start_idx(sid, srcva, dstva, semia)
        finish_idx(sid, srcva, dstva, gidxva, semia, chunk)
        start_gather(gidxva, rowsa, sema)
        start_idx(sid + NSUB, srcvb, dstvb, semib)

        @pl.loop(0, npairs)
        def _(p):
            wa = sid + p * 2 * NSUB
            wb = wa + NSUB
            wa2 = wa + 2 * NSUB
            wb2 = wb + 2 * NSUB

            @pl.when(wb < NWIN)
            def _():
                finish_idx(wb, srcvb, dstvb, gidxvb, semib, chunk)

            @pl.when(wa < NWIN)
            def _():
                wait_gather(gidxva, rowsa, sema)

            @pl.when(wb < NWIN)
            def _():
                start_gather(gidxvb, rowsb, semb)

            @pl.when(wa < NWIN)
            def _():
                scatter(kk, rowsa, dstva)

            @pl.when(wa2 < NWIN)
            def _():
                start_idx(wa2, srcva, dstva, semia)
                finish_idx(wa2, srcva, dstva, gidxva, semia, chunk)
                start_gather(gidxva, rowsa, sema)

            @pl.when(wb < NWIN)
            def _():
                wait_gather(gidxvb, rowsb, semb)

            @pl.when(wb < NWIN)
            def _():
                scatter(kk, rowsb, dstvb)

            @pl.when(wb2 < NWIN)
            def _():
                start_idx(wb2, srcvb, dstvb, semib)

        plsc.subcore_barrier()

        @pl.loop(0, ROWS_PER_TILE // W)
        def _(j):
            off = sid * ROWS_PER_TILE + j * W
            pltpu.sync_copy(acc.at[pl.ds(off, W)],
                            agg_out.at[chunk, pl.ds(off, W)])
        if with_deg and kk == 0:
            @pl.when(cid == 0)
            def _():
                @pl.loop(0, ROWS_PER_TILE // W)
                def _(j):
                    off = sid * ROWS_PER_TILE + j * W
                    pltpu.sync_copy(deg_acc.at[pl.ds(off, W)],
                                    deg_out.at[pl.ds(off, W)])

        if kk + 1 < passes:
            zero_acc()
            plsc.subcore_barrier()


def _sc_agg(table, src, dst, K, with_deg, chunk_major=False):
    mesh = plsc.VectorSubcoreMesh(core_axis_name="c", subcore_axis_name="s")
    out_type = [jax.ShapeDtypeStruct((K, NP, 128), jnp.float32)]
    if with_deg:
        out_type.append(jax.ShapeDtypeStruct((NP,), jnp.float32))
    scratch = [
        pltpu.VMEM_SHARED((NP, 128), jnp.float32),
        pltpu.VMEM_SHARED((NP,), jnp.float32),
        pltpu.VMEM((W,), jnp.int32),
        pltpu.VMEM((W,), jnp.int32),
        pltpu.VMEM((W,), jnp.int32),
        pltpu.VMEM((W,), jnp.int32),
        pltpu.VMEM((W,), jnp.int32),
        pltpu.VMEM((W,), jnp.int32),
        pltpu.VMEM((W, 128), jnp.float32),
        pltpu.VMEM((W, 128), jnp.float32),
        pltpu.VMEM((W,), jnp.float32),
        pltpu.SemaphoreType.DMA,
        pltpu.SemaphoreType.DMA,
        pltpu.SemaphoreType.DMA,
        pltpu.SemaphoreType.DMA,
    ]
    body = functools.partial(_sc_agg_body, K, with_deg, chunk_major)
    fn = pl.kernel(body, out_type=out_type, mesh=mesh, scratch_types=scratch,
                   name=f"sc_sage_agg_k{K}")
    return fn(table, src, dst)


_DOT = functools.partial(
    lax.dot_general,
    dimension_numbers=(((1,), (1,)), ((), ())),
    preferred_element_type=jnp.float32,
)


def _dot3(a, b):
    a_hi = a.astype(jnp.bfloat16)
    a_lo = (a - a_hi.astype(jnp.float32)).astype(jnp.bfloat16)
    b_hi = b.astype(jnp.bfloat16)
    b_lo = (b - b_hi.astype(jnp.float32)).astype(jnp.bfloat16)
    return _DOT(a_hi, b_hi) + (_DOT(a_hi, b_lo) + _DOT(a_lo, b_hi))


def _tc_lin_r_body(x_ref, w_ref, o_ref):
    o_ref[...] = _dot3(x_ref[...], w_ref[...])


def _tc_lin_r(x, w):
    f = x.shape[1]
    h = w.shape[0]
    return pl.pallas_call(
        _tc_lin_r_body,
        grid=(GRID,),
        in_specs=[pl.BlockSpec((RB, f), lambda i: (i, 0)),
                  pl.BlockSpec((h, f), lambda i: (0, 0))],
        out_specs=pl.BlockSpec((RB, h), lambda i: (i, 0)),
        out_shape=jax.ShapeDtypeStruct((NP, h), jnp.float32),
    )(x, w)


def _tc_lin_rc_body(hc_ref, w_ref, o_ref):
    a = jnp.concatenate([hc_ref[k] for k in range(hc_ref.shape[0])], axis=1)
    o_ref[...] = _dot3(a, w_ref[...])


def _tc_lin_rc(hc, w):
    k = hc.shape[0]
    h = w.shape[0]
    return pl.pallas_call(
        _tc_lin_rc_body,
        grid=(GRID,),
        in_specs=[pl.BlockSpec((k, RB, 128), lambda i: (0, i, 0)),
                  pl.BlockSpec((h, k * 128), lambda i: (0, 0))],
        out_specs=pl.BlockSpec((RB, h), lambda i: (i, 0)),
        out_shape=jax.ShapeDtypeStruct((NP, h), jnp.float32),
    )(hc, w)


def _tc_layer_body(nchunks, emit_next, agg_ref, recip_ref, xr_ref, wl_ref,
                   b_ref, *rest):
    if emit_next:
        (hc_ref,) = rest
    else:
        wc_ref, bc_ref, o_ref = rest
    a = jnp.concatenate([agg_ref[k] for k in range(nchunks)], axis=1)
    z = _dot3(a, wl_ref[...])
    z = z * recip_ref[...] + xr_ref[...] + b_ref[...]
    h = jnp.maximum(z, 0.0)
    if emit_next:
        for k in range(4):
            hc_ref[k] = h[:, k * 128:(k + 1) * 128]
    else:
        o_ref[...] = _dot3(h, wc_ref[...]) + bc_ref[...]


def _tc_layer1(agg, recip, xr, wl, b):
    return pl.pallas_call(
        functools.partial(_tc_layer_body, 2, True),
        grid=(GRID,),
        in_specs=[pl.BlockSpec((2, RB, 128), lambda i: (0, i, 0)),
                  pl.BlockSpec((RB, 1), lambda i: (i, 0)),
                  pl.BlockSpec((RB, H), lambda i: (i, 0)),
                  pl.BlockSpec((H, D), lambda i: (0, 0)),
                  pl.BlockSpec((1, H), lambda i: (0, 0))],
        out_specs=pl.BlockSpec((4, RB, 128), lambda i: (0, i, 0)),
        out_shape=jax.ShapeDtypeStruct((4, NP, 128), jnp.float32),
    )(agg, recip, xr, wl, b)


def _tc_layer2(agg, recip, xr, wl, b, wc, bc):
    return pl.pallas_call(
        functools.partial(_tc_layer_body, 4, False),
        grid=(GRID,),
        in_specs=[pl.BlockSpec((4, RB, 128), lambda i: (0, i, 0)),
                  pl.BlockSpec((RB, 1), lambda i: (i, 0)),
                  pl.BlockSpec((RB, H), lambda i: (i, 0)),
                  pl.BlockSpec((H, H), lambda i: (0, 0)),
                  pl.BlockSpec((1, H), lambda i: (0, 0)),
                  pl.BlockSpec((C, H), lambda i: (0, 0)),
                  pl.BlockSpec((1, C), lambda i: (0, 0))],
        out_specs=pl.BlockSpec((RB, C), lambda i: (i, 0)),
        out_shape=jax.ShapeDtypeStruct((NP, C), jnp.float32),
    )(agg, recip, xr, wl, b, wc, bc)


def kernel(x, edge_index, W1_l, b1_l, W1_r, W2_l, b2_l, W2_r, Wc, bc):
    src = edge_index[0]
    dst = edge_index[1]
    x_p = jnp.zeros((NP, D), jnp.float32).at[:N].set(x)

    agg1, deg = _sc_agg(x_p.reshape(2 * NP, 128), src, dst, 2, True)
    recip = (1.0 / jnp.clip(deg, 1.0)).reshape(NP, 1)

    xr1 = _tc_lin_r(x_p, W1_r)
    h1c = _tc_layer1(agg1, recip, xr1, W1_l, b1_l.reshape(1, H))

    (agg2,) = _sc_agg(h1c.reshape(4 * NP, 128), src, dst, 4, False,
                      chunk_major=True)
    xr2 = _tc_lin_rc(h1c, W2_r)

    out = _tc_layer2(agg2, recip, xr2, W2_l, b2_l.reshape(1, H),
                     Wc, bc.reshape(1, C))
    return out[:N]

# --- scband reference (transcript-rebuilt; emitter-appended) ---
"""Pipeline reference for scband-graph-sagemodel-75737453298299 (READ-ONLY COPY).

The authoritative reference and input builder live on the scoring server;
editing this copy changes nothing except your own understanding.
"""

import jax, jax.numpy as jnp
import numpy as np

N = 10000
E = 160000
D = 256
H = 512
C = 16


def setup_inputs(seed: int = 0) -> dict:
    key = jax.random.key(seed)
    ks = jax.random.split(key, 12)
    x = jax.random.normal(ks[0], (N, D), dtype=jnp.float32)
    edge_index = jax.random.randint(ks[1], (2, E), 0, N)
    def lin(k, fan_out, fan_in):
        bound = 1.0 / np.sqrt(fan_in)
        return jax.random.uniform(k, (fan_out, fan_in), dtype=jnp.float32, minval=-bound, maxval=bound)
    def bias(k, fan_out, fan_in):
        bound = 1.0 / np.sqrt(fan_in)
        return jax.random.uniform(k, (fan_out,), dtype=jnp.float32, minval=-bound, maxval=bound)
    return {
        'x': x,
        'edge_index': edge_index,
        'W1_l': lin(ks[2], H, D), 'b1_l': bias(ks[3], H, D), 'W1_r': lin(ks[4], H, D),
        'W2_l': lin(ks[5], H, H), 'b2_l': bias(ks[6], H, H), 'W2_r': lin(ks[7], H, H),
        'Wc': lin(ks[8], C, H), 'bc': bias(ks[9], C, H),
    }


def _sage_conv(x, edge_index, W_l, b_l, W_r):
    # PyG SAGEConv with mean aggregation:
    # out = lin_l(mean_{j in N(i)} x_j) + lin_r(x_i)
    src = edge_index[0]
    dst = edge_index[1]
    msg = jnp.take(x, src, axis=0)
    agg_sum = jax.ops.segment_sum(msg, dst, num_segments=N)
    deg = jax.ops.segment_sum(jnp.ones((msg.shape[0],), x.dtype), dst, num_segments=N)
    agg = agg_sum / jnp.clip(deg, 1.0)[:, None]
    return agg @ W_l.T + b_l + x @ W_r.T


def reference(x, edge_index, W1_l, b1_l, W1_r, W2_l, b2_l, W2_r, Wc, bc):
    # eval mode: dropout is identity
    h = jax.nn.relu(_sage_conv(x, edge_index, W1_l, b1_l, W1_r))
    h = jax.nn.relu(_sage_conv(h, edge_index, W2_l, b2_l, W2_r))
    return h @ Wc.T + bc

if __name__ == "__main__":
    import jax
    _d = setup_inputs()
    print(jax.jit(kernel)(*tuple(_d.values())))

</pallas_src>

<mosaic_0001>
#map = affine_map<(d0, d1) -> (0, 0)>
#map1 = affine_map<(d0, d1) -> (0)>
#map2 = affine_map<(d0, d1) -> (0, 0, 0)>
module attributes {stable_mosaic.version = 14 : i64} {
  func.func @sc_sage_agg_k2(%arg0: i32, %arg1: i32, %arg2: memref<20480x128xf32, #tpu.memory_space<hbm>>, %arg3: memref<160000xi32, #tpu.memory_space<hbm>>, %arg4: memref<160000xi32, #tpu.memory_space<hbm>>, %arg5: memref<2x10240x128xf32, #tpu.memory_space<hbm>>, %arg6: memref<10240xf32, #tpu.memory_space<hbm>>, %arg7: memref<10240x128xf32, #tpu.memory_space<vmem_shared>>, %arg8: memref<10240xf32, #tpu.memory_space<vmem_shared>>, %arg9: memref<128xi32, #tpu.memory_space<vmem>>, %arg10: memref<128xi32, #tpu.memory_space<vmem>>, %arg11: memref<128xi32, #tpu.memory_space<vmem>>, %arg12: memref<128xi32, #tpu.memory_space<vmem>>, %arg13: memref<128xi32, #tpu.memory_space<vmem>>, %arg14: memref<128xi32, #tpu.memory_space<vmem>>, %arg15: memref<128x128xf32, #tpu.memory_space<vmem>>, %arg16: memref<128x128xf32, #tpu.memory_space<vmem>>, %arg17: memref<128xf32, #tpu.memory_space<vmem>>, %arg18: memref<!tpu.dma_semaphore, #tpu.memory_space<semaphore_mem>>, %arg19: memref<!tpu.dma_semaphore, #tpu.memory_space<semaphore_mem>>, %arg20: memref<!tpu.dma_semaphore, #tpu.memory_space<semaphore_mem>>, %arg21: memref<!tpu.dma_semaphore, #tpu.memory_space<semaphore_mem>>) attributes {dimension_semantics = [#tpu.dimension_semantics<core_parallel>, #tpu.dimension_semantics<subcore_parallel>], iteration_bounds = array<i64: 2, 16>, scalar_prefetch = 0 : i64, scratch_operands = 15 : i64, tpu.core_type = #tpu.core_type<sc_vector_subcore>, window_params = [{transform_indices = #map}, {transform_indices = #map1}, {transform_indices = #map1}, {transform_indices = #map2}, {transform_indices = #map1}]} {
    %broadcast_in_dim3A = arith.constant 0.000000e+00 : f32
    %broadcast_in_dim3A_0 = vector.broadcast %broadcast_in_dim3A : f32 to vector<16xf32>
    %broadcast_in_dim3A_1 = arith.constant 1.000000e+00 : f32
    %broadcast_in_dim3A_2 = vector.broadcast %broadcast_in_dim3A_1 : f32 to vector<16xf32>
    %scan3A = arith.constant 0 : i32
    %scan3A_3 = arith.constant 8 : i32
    %scan3A_4 = arith.addi %scan3A, %scan3A_3 : i32
    %scan3A_5 = arith.constant 1 : i32
    scf.for %scan3A_63 = %scan3A to %scan3A_4 step %scan3A_5  : i32 {
      %mul3A_64 = arith.constant 16 : i32
      %mul3A_65 = arith.muli %scan3A_63, %mul3A_64 : i32
      %add3A_66 = arith.constant 0 : i32
      %add3A_67 = arith.addi %add3A_66, %mul3A_65 : i32
      %swap3A = arith.index_cast %add3A_67 : i32 to index
      %swap3A_68 = tpu.vector_load %arg17[%swap3A] {strides = array<i32>} : memref<128xf32, #tpu.memory_space<vmem>>, vector<16xf32>,
      %swap3A_69 = vector.shape_cast %swap3A_68 : vector<16xf32> to vector<16xf32>
      %swap3A_70 = vector.shape_cast %broadcast_in_dim3A_2 : vector<16xf32> to vector<16xf32>
      tpu.vector_store %arg17[%swap3A], %swap3A_70 {strides = array<i32>} : memref<128xf32, #tpu.memory_space<vmem>>, vector<16xf32>,
    }
    %scan3A_6 = arith.constant 8 : i32
    %scan3A_7 = arith.constant 0 : i32
    %scan3A_8 = arith.constant 128 : i32
    %scan3A_9 = arith.addi %scan3A_7, %scan3A_8 : i32
    %scan3A_10 = arith.constant 1 : i32
    scf.for %scan3A_63 = %scan3A_7 to %scan3A_9 step %scan3A_10  : i32 {
      %mul3A_64 = arith.constant 1 : i32
      %mul3A_65 = arith.muli %scan3A_63, %mul3A_64 : i32
      %add3A_66 = arith.constant 0 : i32
      %add3A_67 = arith.addi %add3A_66, %mul3A_65 : i32
      %scan3A_68 = arith.constant 0 : i32
      %scan3A_69 = arith.constant 8 : i32
      %scan3A_70 = arith.addi %scan3A_68, %scan3A_69 : i32
      %scan3A_71 = arith.constant 1 : i32
      scf.for %scan3A_73 = %scan3A_68 to %scan3A_70 step %scan3A_71  : i32 {
        %mul3A_74 = arith.constant 16 : i32
        %mul3A_75 = arith.muli %scan3A_73, %mul3A_74 : i32
        %add3A_76 = arith.constant 0 : i32
        %add3A_77 = arith.addi %add3A_76, %mul3A_75 : i32
        %swap3A = arith.index_cast %add3A_67 : i32 to index
        %swap3A_78 = arith.index_cast %add3A_77 : i32 to index
        %swap3A_79 = tpu.vector_load %arg15[%swap3A, %swap3A_78] {strides = array<i32>} : memref<128x128xf32, #tpu.memory_space<vmem>>, vector<1x16xf32>,
        %swap3A_80 = vector.shape_cast %swap3A_79 : vector<1x16xf32> to vector<16xf32>
        %swap3A_81 = vector.shape_cast %broadcast_in_dim3A_0 : vector<16xf32> to vector<1x16xf32>
        tpu.vector_store %arg15[%swap3A, %swap3A_78], %swap3A_81 {strides = array<i32>} : memref<128x128xf32, #tpu.memory_space<vmem>>, vector<1x16xf32>,
      }
      %scan3A_72 = arith.constant 8 : i32
    }
    %scan3A_11 = arith.constant 128 : i32
    %scan3A_12 = arith.constant 0 : i32
    %scan3A_13 = arith.constant 5 : i32
    %scan3A_14 = arith.addi %scan3A_12, %scan3A_13 : i32
    %scan3A_15 = arith.constant 1 : i32
    scf.for %scan3A_63 = %scan3A_12 to %scan3A_14 step %scan3A_15  : i32 {
      %mul3A_64 = arith.constant 1 : i32
      %mul3A_65 = arith.muli %scan3A_63, %mul3A_64 : i32
      %add3A_66 = arith.constant 0 : i32
      %add3A_67 = arith.addi %add3A_66, %mul3A_65 : i32
      %mul3A_68 = arith.constant 640 : i32
      %mul3A_69 = arith.muli %arg1, %mul3A_68 : i32
      %mul3A_70 = arith.constant 128 : i32
      %mul3A_71 = arith.muli %add3A_67, %mul3A_70 : i32
      %add3A_72 = arith.addi %mul3A_69, %mul3A_71 : i32
      "tpu.region"() ({
        %run_scoped3A = tpu.sem_alloc : memref<!tpu.dma_semaphore, #tpu.memory_space<semaphore_mem>>
        %dma_start3A_73 = arith.constant 0 : i32
        %dma_start3A_74 = tpu.memref_slice %arg7[%add3A_72, %dma_start3A_73] : memref<10240x128xf32, #tpu.memory_space<vmem_shared>> -> memref<128x128xf32, #tpu.memory_space<vmem_shared>>
        %dma_start3A_75 = arith.constant 0 : i32
        %dma_start3A_76 = tpu.memref_slice %arg7[%add3A_72, %dma_start3A_75] : memref<10240x128xf32, #tpu.memory_space<vmem_shared>> -> memref<128x128xf32, #tpu.memory_space<vmem_shared>>
        tpu.enqueue_dma source(%arg15 : memref<128x128xf32, #tpu.memory_space<vmem>>) target(%dma_start3A_76 : memref<128x128xf32, #tpu.memory_space<vmem_shared>>) target_semaphore(%run_scoped3A : memref<!tpu.dma_semaphore, #tpu.memory_space<semaphore_mem>>)
        %dma_wait3A_77 = arith.constant 0 : i32
        %dma_wait3A_78 = tpu.memref_slice %arg7[%add3A_72, %dma_wait3A_77] : memref<10240x128xf32, #tpu.memory_space<vmem_shared>> -> memref<128x128xf32, #tpu.memory_space<vmem_shared>>
        %dma_wait3A_79 = arith.constant 0 : i32
        %dma_wait3A_80 = tpu.memref_slice %arg7[%add3A_72, %dma_wait3A_79] : memref<10240x128xf32, #tpu.memory_space<vmem_shared>> -> memref<128x128xf32, #tpu.memory_space<vmem_shared>>
        tpu.wait_dma2 semaphore(%run_scoped3A : memref<!tpu.dma_semaphore, #tpu.memory_space<semaphore_mem>>) src(%arg15 : memref<128x128xf32, #tpu.memory_space<vmem>>) dst(%dma_wait3A_80 : memref<128x128xf32, #tpu.memory_space<vmem_shared>>)
        tpu.yield
      }) : () -> ()
    }
    %scan3A_16 = arith.constant 5 : i32
    %eq3A = arith.constant 0 : i32
    %eq3A_17 = arith.cmpi eq, %arg0, %eq3A : i32
    %convert_element_type3A = arith.extui %eq3A_17 : i1 to i32
    %cond3A = arith.constant 0 : i32
    %cond3A_18 = arith.cmpi ne, %convert_element_type3A, %cond3A : i32
    scf.if %cond3A_18 {
      %scan3A_63 = arith.constant 0 : i32
      %scan3A_64 = arith.constant 5 : i32
      %scan3A_65 = arith.addi %scan3A_63, %scan3A_64 : i32
      %scan3A_66 = arith.constant 1 : i32
      scf.for %scan3A_68 = %scan3A_63 to %scan3A_65 step %scan3A_66  : i32 {
        %mul3A_69 = arith.constant 1 : i32
        %mul3A_70 = arith.muli %scan3A_68, %mul3A_69 : i32
        %add3A_71 = arith.constant 0 : i32
        %add3A_72 = arith.addi %add3A_71, %mul3A_70 : i32
        %mul3A_73 = arith.constant 640 : i32
        %mul3A_74 = arith.muli %arg1, %mul3A_73 : i32
        %mul3A_75 = arith.constant 128 : i32
        %mul3A_76 = arith.muli %add3A_72, %mul3A_75 : i32
        %add3A_77 = arith.addi %mul3A_74, %mul3A_76 : i32
        %run_scoped3A = arith.constant 0 : i32
        "tpu.region"() ({
          %run_scoped3A_78 = tpu.sem_alloc : memref<!tpu.dma_semaphore, #tpu.memory_space<semaphore_mem>>
          %dma_start3A_79 = arith.constant 0 : i32
          %dma_start3A_80 = tpu.memref_slice %arg15[%run_scoped3A, %dma_start3A_79] : memref<128x128xf32, #tpu.memory_space<vmem>> -> memref<1x128xf32, #tpu.memory_space<vmem>>
          %dma_start3A_81 = tpu.memref_squeeze %dma_start3A_80 : memref<1x128xf32, #tpu.memory_space<vmem>> -> memref<128xf32, #tpu.memory_space<vmem>>
          %dma_start3A_82 = tpu.memref_slice %arg8[%add3A_77] : memref<10240xf32, #tpu.memory_space<vmem_shared>> -> memref<128xf32, #tpu.memory_space<vmem_shared>>
          %dma_start3A_83 = tpu.memref_slice %arg8[%add3A_77] : memref<10240xf32, #tpu.memory_space<vmem_shared>> -> memref<128xf32, #tpu.memory_space<vmem_shared>>
          %dma_start3A_84 = arith.constant 0 : i32
          %dma_start3A_85 = tpu.memref_slice %arg15[%run_scoped3A, %dma_start3A_84] : memref<128x128xf32, #tpu.memory_space<vmem>> -> memref<1x128xf32, #tpu.memory_space<vmem>>
          %dma_start3A_86 = tpu.memref_squeeze %dma_start3A_85 : memref<1x128xf32, #tpu.memory_space<vmem>> -> memref<128xf32, #tpu.memory_space<vmem>>
          tpu.enqueue_dma source(%dma_start3A_86 : memref<128xf32, #tpu.memory_space<vmem>>) target(%dma_start3A_83 : memref<128xf32, #tpu.memory_space<vmem_shared>>) target_semaphore(%run_scoped3A_78 : memref<!tpu.dma_semaphore, #tpu.memory_space<semaphore_mem>>)
          %dma_wait3A_87 = arith.constant 0 : i32
          %dma_wait3A_88 = tpu.memref_slice %arg15[%run_scoped3A, %dma_wait3A_87] : memref<128x128xf32, #tpu.memory_space<vmem>> -> memref<1x128xf32, #tpu.memory_space<vmem>>
          %dma_wait3A_89 = tpu.memref_squeeze %dma_wait3A_88 : memref<1x128xf32, #tpu.memory_space<vmem>> -> memref<128xf32, #tpu.memory_space<vmem>>
          %dma_wait3A_90 = tpu.memref_slice %arg8[%add3A_77] : memref<10240xf32, #tpu.memory_space<vmem_shared>> -> memref<128xf32, #tpu.memory_space<vmem_shared>>
          %dma_wait3A_91 = tpu.memref_slice %arg8[%add3A_77] : memref<10240xf32, #tpu.memory_space<vmem_shared>> -> memref<128xf32, #tpu.memory_space<vmem_shared>>
          %dma_wait3A_92 = arith.constant 0 : i32
          %dma_wait3A_93 = tpu.memref_slice %arg15[%run_scoped3A, %dma_wait3A_92] : memref<128x128xf32, #tpu.memory_space<vmem>> -> memref<1x128xf32, #tpu.memory_space<vmem>>
          %dma_wait3A_94 = tpu.memref_squeeze %dma_wait3A_93 : memref<1x128xf32, #tpu.memory_space<vmem>> -> memref<128xf32, #tpu.memory_space<vmem>>
          tpu.wait_dma2 semaphore(%run_scoped3A_78 : memref<!tpu.dma_semaphore, #tpu.memory_space<semaphore_mem>>) src(%dma_wait3A_94 : memref<128xf32, #tpu.memory_space<vmem>>) dst(%dma_wait3A_91 : memref<128xf32, #tpu.memory_space<vmem_shared>>)
          tpu.yield
        }) : () -> ()
      }
      %scan3A_67 = arith.constant 5 : i32
    } else {
    }
    %barrier3A = arith.constant 0 : index
    tpu.barrier barrier_id(%barrier3A)
    %mul3A = arith.constant 1 : i32
    %mul3A_19 = arith.muli %arg0, %mul3A : i32
    %add3A = arith.constant 0 : i32
    %add3A_20 = arith.addi %mul3A_19, %add3A : i32
    %mul3A_21 = arith.constant 128 : i32
    %mul3A_22 = arith.muli %arg1, %mul3A_21 : i32
    %dma_start3A = tpu.memref_slice %arg3[%mul3A_22] : memref<160000xi32, #tpu.memory_space<hbm>> -> memref<128xi32, #tpu.memory_space<hbm>>
    %dma_start3A_23 = tpu.memref_slice %arg3[%mul3A_22] : memref<160000xi32, #tpu.memory_space<hbm>> -> memref<128xi32, #tpu.memory_space<hbm>>
    tpu.enqueue_dma source(%dma_start3A_23 : memref<128xi32, #tpu.memory_space<hbm>>) target(%arg9 : memref<128xi32, #tpu.memory_space<vmem>>) target_semaphore(%arg20 : memref<!tpu.dma_semaphore, #tpu.memory_space<semaphore_mem>>)
    %dma_start3A_24 = tpu.memref_slice %arg4[%mul3A_22] : memref<160000xi32, #tpu.memory_space<hbm>> -> memref<128xi32, #tpu.memory_space<hbm>>
    %dma_start3A_25 = tpu.memref_slice %arg4[%mul3A_22] : memref<160000xi32, #tpu.memory_space<hbm>> -> memref<128xi32, #tpu.memory_space<hbm>>
    tpu.enqueue_dma source(%dma_start3A_25 : memref<128xi32, #tpu.memory_space<hbm>>) target(%arg10 : memref<128xi32, #tpu.memory_space<vmem>>) target_semaphore(%arg20 : memref<!tpu.dma_semaphore, #tpu.memory_space<semaphore_mem>>)
    %mul3A_26 = arith.constant 128 : i32
    %mul3A_27 = arith.muli %arg1, %mul3A_26 : i32
    %dma_wait3A = tpu.memref_slice %arg3[%mul3A_27] : memref<160000xi32, #tpu.memory_space<hbm>> -> memref<128xi32, #tpu.memory_space<hbm>>
    %dma_wait3A_28 = tpu.memref_slice %arg3[%mul3A_27] : memref<160000xi32, #tpu.memory_space<hbm>> -> memref<128xi32, #tpu.memory_space<hbm>>
    tpu.wait_dma2 semaphore(%arg20 : memref<!tpu.dma_semaphore, #tpu.memory_space<semaphore_mem>>) src(%dma_wait3A_28 : memref<128xi32, #tpu.memory_space<hbm>>) dst(%arg9 : memref<128xi32, #tpu.memory_space<vmem>>)
    %dma_wait3A_29 = tpu.memref_slice %arg4[%mul3A_27] : memref<160000xi32, #tpu.memory_space<hbm>> -> memref<128xi32, #tpu.memory_space<hbm>>
    %dma_wait3A_30 = tpu.memref_slice %arg4[%mul3A_27] : memref<160000xi32, #tpu.memory_space<hbm>> -> memref<128xi32, #tpu.memory_space<hbm>>
    tpu.wait_dma2 semaphore(%arg20 : memref<!tpu.dma_semaphore, #tpu.memory_space<semaphore_mem>>) src(%dma_wait3A_30 : memref<128xi32, #tpu.memory_space<hbm>>) dst(%arg10 : memref<128xi32, #tpu.memory_space<vmem>>)
    %scan3A_31 = arith.constant 0 : i32
    %scan3A_32 = arith.constant 8 : i32
    %scan3A_33 = arith.addi %scan3A_31, %scan3A_32 : i32
    %scan3A_34 = arith.constant 1 : i32
    scf.for %scan3A_63 = %scan3A_31 to %scan3A_33 step %scan3A_34  : i32 {
      %mul3A_64 = arith.constant 16 : i32
      %mul3A_65 = arith.muli %scan3A_63, %mul3A_64 : i32
      %add3A_66 = arith.constant 0 : i32
      %add3A_67 = arith.addi %add3A_66, %mul3A_65 : i32
      %get3A = arith.index_cast %add3A_67 : i32 to index
      %get3A_68 = tpu.vector_load %arg9[%get3A] {strides = array<i32>} : memref<128xi32, #tpu.memory_space<vmem>>, vector<16xi32>,
      %get3A_69 = vector.shape_cast %get3A_68 : vector<16xi32> to vector<16xi32>
      %mul3A_70 = arith.constant 2 : i32
      %mul3A_71 = vector.broadcast %mul3A_70 : i32 to vector<16xi32>
      %mul3A_72 = arith.muli %get3A_69, %mul3A_71 : vector<16xi32>
      %add3A_73 = vector.broadcast %add3A_20 : i32 to vector<16xi32>
      %add3A_74 = arith.addi %mul3A_72, %add3A_73 : vector<16xi32>
      %swap3A = arith.index_cast %add3A_67 : i32 to index
      %swap3A_75 = tpu.vector_load %arg11[%swap3A] {strides = array<i32>} : memref<128xi32, #tpu.memory_space<vmem>>, vector<16xi32>,
      %swap3A_76 = vector.shape_cast %swap3A_75 : vector<16xi32> to vector<16xi32>
      %swap3A_77 = vector.shape_cast %add3A_74 : vector<16xi32> to vector<16xi32>
      tpu.vector_store %arg11[%swap3A], %swap3A_77 {strides = array<i32>} : memref<128xi32, #tpu.memory_space<vmem>>, vector<16xi32>,
    }
    %scan3A_35 = arith.constant 8 : i32
    %dma_start3A_36 = arith.constant 0 : i32
    %dma_start3A_37 = arith.constant 0 : i32
    %dma_start3A_38 = tpu.memref_slice %arg2[%dma_start3A_36, %dma_start3A_37] : memref<20480x128xf32, #tpu.memory_space<hbm>> -> memref<20480x128xf32, #tpu.memory_space<hbm>>
    tpu.enqueue_indirect_dma source(%dma_start3A_38 : memref<20480x128xf32, #tpu.memory_space<hbm>>) target(%arg15 : memref<128x128xf32, #tpu.memory_space<vmem>>) offsets(%arg11 : memref<128xi32, #tpu.memory_space<vmem>>) semaphore(%arg18 : memref<!tpu.dma_semaphore, #tpu.memory_space<semaphore_mem>>)
    %add3A_39 = arith.constant 16 : i32
    %add3A_40 = arith.addi %arg1, %add3A_39 : i32
    %mul3A_41 = arith.constant 128 : i32
    %mul3A_42 = arith.muli %add3A_40, %mul3A_41 : i32
    %dma_start3A_43 = tpu.memref_slice %arg3[%mul3A_42] : memref<160000xi32, #tpu.memory_space<hbm>> -> memref<128xi32, #tpu.memory_space<hbm>>
    %dma_start3A_44 = tpu.memref_slice %arg3[%mul3A_42] : memref<160000xi32, #tpu.memory_space<hbm>> -> memref<128xi32, #tpu.memory_space<hbm>>
    tpu.enqueue_dma source(%dma_start3A_44 : memref<128xi32, #tpu.memory_space<hbm>>) target(%arg12 : memref<128xi32, #tpu.memory_space<vmem>>) target_semaphore(%arg21 : memref<!tpu.dma_semaphore, #tpu.memory_space<semaphore_mem>>)
    %dma_start3A_45 = tpu.memref_slice %arg4[%mul3A_42] : memref<160000xi32, #tpu.memory_space<hbm>> -> memref<128xi32, #tpu.memory_space<hbm>>
    %dma_start3A_46 = tpu.memref_slice %arg4[%mul3A_42] : memref<160000xi32, #tpu.memory_space<hbm>> -> memref<128xi32, #tpu.memory_space<hbm>>
    tpu.enqueue_dma source(%dma_start3A_46 : memref<128xi32, #tpu.memory_space<hbm>>) target(%arg13 : memref<128xi32, #tpu.memory_space<vmem>>) target_semaphore(%arg21 : memref<!tpu.dma_semaphore, #tpu.memory_space<semaphore_mem>>)
    %scan3A_47 = arith.constant 0 : i32
    %scan3A_48 = arith.constant 40 : i32
    %scan3A_49 = arith.addi %scan3A_47, %scan3A_48 : i32
    %scan3A_50 = arith.constant 1 : i32
    scf.for %scan3A_63 = %scan3A_47 to %scan3A_49 step %scan3A_50  : i32 {
      %mul3A_64 = arith.constant 1 : i32
      %mul3A_65 = arith.muli %scan3A_63, %mul3A_64 : i32
      %add3A_66 = arith.constant 0 : i32
      %add3A_67 = arith.addi %add3A_66, %mul3A_65 : i32
      %mul3A_68 = arith.constant 2 : i32
      %mul3A_69 = arith.muli %add3A_67, %mul3A_68 : i32
      %mul3A_70 = arith.constant 16 : i32
      %mul3A_71 = arith.muli %mul3A_69, %mul3A_70 : i32
      %add3A_72 = arith.addi %arg1, %mul3A_71 : i32
      %add3A_73 = arith.constant 16 : i32
      %add3A_74 = arith.addi %add3A_72, %add3A_73 : i32
      %add3A_75 = arith.constant 32 : i32
      %add3A_76 = arith.addi %add3A_72, %add3A_75 : i32
      %add3A_77 = arith.constant 32 : i32
      %add3A_78 = arith.addi %add3A_74, %add3A_77 : i32
      %lt3A = arith.constant 1250 : i32
      %lt3A_79 = arith.cmpi slt, %add3A_74, %lt3A : i32
      %convert_element_type3A_80 = arith.extui %lt3A_79 : i1 to i32
      %cond3A_81 = arith.constant 0 : i32
      %cond3A_82 = arith.cmpi ne, %convert_element_type3A_80, %cond3A_81 : i32
      scf.if %cond3A_82 {
        %mul3A_118 = arith.constant 128 : i32
        %mul3A_119 = arith.muli %add3A_74, %mul3A_118 : i32
        %dma_wait3A_120 = tpu.memref_slice %arg3[%mul3A_119] : memref<160000xi32, #tpu.memory_space<hbm>> -> memref<128xi32, #tpu.memory_space<hbm>>
        %dma_wait3A_121 = tpu.memref_slice %arg3[%mul3A_119] : memref<160000xi32, #tpu.memory_space<hbm>> -> memref<128xi32, #tpu.memory_space<hbm>>
        tpu.wait_dma2 semaphore(%arg21 : memref<!tpu.dma_semaphore, #tpu.memory_space<semaphore_mem>>) src(%dma_wait3A_121 : memref<128xi32, #tpu.memory_space<hbm>>) dst(%arg12 : memref<128xi32, #tpu.memory_space<vmem>>)
        %dma_wait3A_122 = tpu.memref_slice %arg4[%mul3A_119] : memref<160000xi32, #tpu.memory_space<hbm>> -> memref<128xi32, #tpu.memory_space<hbm>>
        %dma_wait3A_123 = tpu.memref_slice %arg4[%mul3A_119] : memref<160000xi32, #tpu.memory_space<hbm>> -> memref<128xi32, #tpu.memory_space<hbm>>
        tpu.wait_dma2 semaphore(%arg21 : memref<!tpu.dma_semaphore, #tpu.memory_space<semaphore_mem>>) src(%dma_wait3A_123 : memref<128xi32, #tpu.memory_space<hbm>>) dst(%arg13 : memref<128xi32, #tpu.memory_space<vmem>>)
        %scan3A_124 = arith.constant 0 : i32
        %scan3A_125 = arith.constant 8 : i32
        %scan3A_126 = arith.addi %scan3A_124, %scan3A_125 : i32
        %scan3A_127 = arith.constant 1 : i32
        scf.for %scan3A_129 = %scan3A_124 to %scan3A_126 step %scan3A_127  : i32 {
          %mul3A_130 = arith.constant 16 : i32
          %mul3A_131 = arith.muli %scan3A_129, %mul3A_130 : i32
          %add3A_132 = arith.constant 0 : i32
          %add3A_133 = arith.addi %add3A_132, %mul3A_131 : i32
          %get3A = arith.index_cast %add3A_133 : i32 to index
          %get3A_134 = tpu.vector_load %arg12[%get3A] {strides = array<i32>} : memref<128xi32, #tpu.memory_space<vmem>>, vector<16xi32>,
          %get3A_135 = vector.shape_cast %get3A_134 : vector<16xi32> to vector<16xi32>
          %mul3A_136 = arith.constant 2 : i32
          %mul3A_137 = vector.broadcast %mul3A_136 : i32 to vector<16xi32>
          %mul3A_138 = arith.muli %get3A_135, %mul3A_137 : vector<16xi32>
          %add3A_139 = vector.broadcast %add3A_20 : i32 to vector<16xi32>
          %add3A_140 = arith.addi %mul3A_138, %add3A_139 : vector<16xi32>
          %swap3A = arith.index_cast %add3A_133 : i32 to index
          %swap3A_141 = tpu.vector_load %arg14[%swap3A] {strides = array<i32>} : memref<128xi32, #tpu.memory_space<vmem>>, vector<16xi32>,
          %swap3A_142 = vector.shape_cast %swap3A_141 : vector<16xi32> to vector<16xi32>
          %swap3A_143 = vector.shape_cast %add3A_140 : vector<16xi32> to vector<16xi32>
          tpu.vector_store %arg14[%swap3A], %swap3A_143 {strides = array<i32>} : memref<128xi32, #tpu.memory_space<vmem>>, vector<16xi32>,
        }
        %scan3A_128 = arith.constant 8 : i32
      } else {
      }
      %lt3A_83 = arith.constant 1250 : i32
      %lt3A_84 = arith.cmpi slt, %add3A_72, %lt3A_83 : i32
      %convert_element_type3A_85 = arith.extui %lt3A_84 : i1 to i32
      %cond3A_86 = arith.constant 0 : i32
      %cond3A_87 = arith.cmpi ne, %convert_element_type3A_85, %cond3A_86 : i32
      scf.if %cond3A_87 {
        %dma_wait3A_118 = arith.constant 0 : i32
        %dma_wait3A_119 = arith.constant 0 : i32
        %dma_wait3A_120 = tpu.memref_slice %arg2[%dma_wait3A_118, %dma_wait3A_119] : memref<20480x128xf32, #tpu.memory_space<hbm>> -> memref<20480x128xf32, #tpu.memory_space<hbm>>
        tpu.wait_indirect_dma semaphore(%arg18 : memref<!tpu.dma_semaphore, #tpu.memory_space<semaphore_mem>>) src(%dma_wait3A_120 : memref<20480x128xf32, #tpu.memory_space<hbm>>) dst(%arg15 : memref<128x128xf32, #tpu.memory_space<vmem>>)
      } else {
      }
      %lt3A_88 = arith.constant 1250 : i32
      %lt3A_89 = arith.cmpi slt, %add3A_74, %lt3A_88 : i32
      %convert_element_type3A_90 = arith.extui %lt3A_89 : i1 to i32
      %cond3A_91 = arith.constant 0 : i32
      %cond3A_92 = arith.cmpi ne, %convert_element_type3A_90, %cond3A_91 : i32
      scf.if %cond3A_92 {
        %dma_start3A_118 = arith.constant 0 : i32
        %dma_start3A_119 = arith.constant 0 : i32
        %dma_start3A_120 = tpu.memref_slice %arg2[%dma_start3A_118, %dma_start3A_119] : memref<20480x128xf32, #tpu.memory_space<hbm>> -> memref<20480x128xf32, #tpu.memory_space<hbm>>
        tpu.enqueue_indirect_dma source(%dma_start3A_120 : memref<20480x128xf32, #tpu.memory_space<hbm>>) target(%arg16 : memref<128x128xf32, #tpu.memory_space<vmem>>) offsets(%arg14 : memref<128xi32, #tpu.memory_space<vmem>>) semaphore(%arg19 : memref<!tpu.dma_semaphore, #tpu.memory_space<semaphore_mem>>)
      } else {
      }
      %lt3A_93 = arith.constant 1250 : i32
      %lt3A_94 = arith.cmpi slt, %add3A_72, %lt3A_93 : i32
      %convert_element_type3A_95 = arith.extui %lt3A_94 : i1 to i32
      %cond3A_96 = arith.constant 0 : i32
      %cond3A_97 = arith.cmpi ne, %convert_element_type3A_95, %cond3A_96 : i32
      scf.if %cond3A_97 {
        "tpu.region"() ({
          %run_scoped3A = tpu.sem_alloc : memref<!tpu.dma_semaphore, #tpu.memory_space<semaphore_mem>>
          %dma_start3A_123 = arith.constant 0 : i32
          %dma_start3A_124 = arith.constant 0 : i32
          %dma_start3A_125 = tpu.memref_slice %arg7[%dma_start3A_123, %dma_start3A_124] : memref<10240x128xf32, #tpu.memory_space<vmem_shared>> -> memref<10240x128xf32, #tpu.memory_space<vmem_shared>>
          tpu.enqueue_indirect_dma source(%arg15 : memref<128x128xf32, #tpu.memory_space<vmem>>) target(%dma_start3A_125 : memref<10240x128xf32, #tpu.memory_space<vmem_shared>>) offsets(%arg10 : memref<128xi32, #tpu.memory_space<vmem>>) semaphore(%run_scoped3A : memref<!tpu.dma_semaphore, #tpu.memory_space<semaphore_mem>>) {add = true}
          %dma_wait3A_126 = arith.constant 0 : i32
          %dma_wait3A_127 = arith.constant 0 : i32
          %dma_wait3A_128 = tpu.memref_slice %arg7[%dma_wait3A_126, %dma_wait3A_127] : memref<10240x128xf32, #tpu.memory_space<vmem_shared>> -> memref<10240x128xf32, #tpu.memory_space<vmem_shared>>
          tpu.wait_indirect_dma semaphore(%run_scoped3A : memref<!tpu.dma_semaphore, #tpu.memory_space<semaphore_mem>>) src(%arg15 : memref<128x128xf32, #tpu.memory_space<vmem>>) dst(%dma_wait3A_128 : memref<10240x128xf32, #tpu.memory_space<vmem_shared>>)
          tpu.yield
        }) : () -> ()
        %eq3A_118 = arith.constant 0 : i32
        %eq3A_119 = arith.cmpi eq, %arg0, %eq3A_118 : i32
        %convert_element_type3A_120 = arith.extui %eq3A_119 : i1 to i32
        %cond3A_121 = arith.constant 0 : i32
        %cond3A_122 = arith.cmpi ne, %convert_element_type3A_120, %cond3A_121 : i32
        scf.if %cond3A_122 {
          "tpu.region"() ({
            %run_scoped3A = tpu.sem_alloc : memref<!tpu.dma_semaphore, #tpu.memory_space<semaphore_mem>>
            %dma_start3A_123 = arith.constant 0 : i32
            %dma_start3A_124 = tpu.memref_slice %arg8[%dma_start3A_123] : memref<10240xf32, #tpu.memory_space<vmem_shared>> -> memref<10240xf32, #tpu.memory_space<vmem_shared>>
            tpu.enqueue_indirect_dma source(%arg17 : memref<128xf32, #tpu.memory_space<vmem>>) target(%dma_start3A_124 : memref<10240xf32, #tpu.memory_space<vmem_shared>>) offsets(%arg10 : memref<128xi32, #tpu.memory_space<vmem>>) semaphore(%run_scoped3A : memref<!tpu.dma_semaphore, #tpu.memory_space<semaphore_mem>>) {add = true}
            %dma_wait3A_125 = arith.constant 0 : i32
            %dma_wait3A_126 = tpu.memref_slice %arg8[%dma_wait3A_125] : memref<10240xf32, #tpu.memory_space<vmem_shared>> -> memref<10240xf32, #tpu.memory_space<vmem_shared>>
            tpu.wait_indirect_dma semaphore(%run_scoped3A : memref<!tpu.dma_semaphore, #tpu.memory_space<semaphore_mem>>) src(%arg17 : memref<128xf32, #tpu.memory_space<vmem>>) dst(%dma_wait3A_126 : memref<10240xf32, #tpu.memory_space<vmem_shared>>)
            tpu.yield
          }) : () -> ()
        } else {
        }
      } else {
      }
      %lt3A_98 = arith.constant 1250 : i32
      %lt3A_99 = arith.cmpi slt, %add3A_76, %lt3A_98 : i32
      %convert_element_type3A_100 = arith.extui %lt3A_99 : i1 to i32
      %cond3A_101 = arith.constant 0 : i32
      %cond3A_102 = arith.cmpi ne, %convert_element_type3A_100, %cond3A_101 : i32
      scf.if %cond3A_102 {
        %mul3A_118 = arith.constant 128 : i32
        %mul3A_119 = arith.muli %add3A_76, %mul3A_118 : i32
        %dma_start3A_120 = tpu.memref_slice %arg3[%mul3A_119] : memref<160000xi32, #tpu.memory_space<hbm>> -> memref<128xi32, #tpu.memory_space<hbm>>
        %dma_start3A_121 = tpu.memref_slice %arg3[%mul3A_119] : memref<160000xi32, #tpu.memory_space<hbm>> -> memref<128xi32, #tpu.memory_space<hbm>>
        tpu.enqueue_dma source(%dma_start3A_121 : memref<128xi32, #tpu.memory_space<hbm>>) target(%arg9 : memref<128xi32, #tpu.memory_space<vmem>>) target_semaphore(%arg20 : memref<!tpu.dma_semaphore, #tpu.memory_space<semaphore_mem>>)
        %dma_start3A_122 = tpu.memref_slice %arg4[%mul3A_119] : memref<160000xi32, #tpu.memory_space<hbm>> -> memref<128xi32, #tpu.memory_space<hbm>>
        %dma_start3A_123 = tpu.memref_slice %arg4[%mul3A_119] : memref<160000xi32, #tpu.memory_space<hbm>> -> memref<128xi32, #tpu.memory_space<hbm>>
        tpu.enqueue_dma source(%dma_start3A_123 : memref<128xi32, #tpu.memory_space<hbm>>) target(%arg10 : memref<128xi32, #tpu.memory_space<vmem>>) target_semaphore(%arg20 : memref<!tpu.dma_semaphore, #tpu.memory_space<semaphore_mem>>)
        %mul3A_124 = arith.constant 128 : i32
        %mul3A_125 = arith.muli %add3A_76, %mul3A_124 : i32
        %dma_wait3A_126 = tpu.memref_slice %arg3[%mul3A_125] : memref<160000xi32, #tpu.memory_space<hbm>> -> memref<128xi32, #tpu.memory_space<hbm>>
        %dma_wait3A_127 = tpu.memref_slice %arg3[%mul3A_125] : memref<160000xi32, #tpu.memory_space<hbm>> -> memref<128xi32, #tpu.memory_space<hbm>>
        tpu.wait_dma2 semaphore(%arg20 : memref<!tpu.dma_semaphore, #tpu.memory_space<semaphore_mem>>) src(%dma_wait3A_127 : memref<128xi32, #tpu.memory_space<hbm>>) dst(%arg9 : memref<128xi32, #tpu.memory_space<vmem>>)
        %dma_wait3A_128 = tpu.memref_slice %arg4[%mul3A_125] : memref<160000xi32, #tpu.memory_space<hbm>> -> memref<128xi32, #tpu.memory_space<hbm>>
        %dma_wait3A_129 = tpu.memref_slice %arg4[%mul3A_125] : memref<160000xi32, #tpu.memory_space<hbm>> -> memref<128xi32, #tpu.memory_space<hbm>>
        tpu.wait_dma2 semaphore(%arg20 : memref<!tpu.dma_semaphore, #tpu.memory_space<semaphore_mem>>) src(%dma_wait3A_129 : memref<128xi32, #tpu.memory_space<hbm>>) dst(%arg10 : memref<128xi32, #tpu.memory_space<vmem>>)
        %scan3A_130 = arith.constant 0 : i32
        %scan3A_131 = arith.constant 8 : i32
        %scan3A_132 = arith.addi %scan3A_130, %scan3A_131 : i32
        %scan3A_133 = arith.constant 1 : i32
        scf.for %scan3A_138 = %scan3A_130 to %scan3A_132 step %scan3A_133  : i32 {
          %mul3A_139 = arith.constant 16 : i32
          %mul3A_140 = arith.muli %scan3A_138, %mul3A_139 : i32
          %add3A_141 = arith.constant 0 : i32
          %add3A_142 = arith.addi %add3A_141, %mul3A_140 : i32
          %get3A = arith.index_cast %add3A_142 : i32 to index
          %get3A_143 = tpu.vector_load %arg9[%get3A] {strides = array<i32>} : memref<128xi32, #tpu.memory_space<vmem>>, vector<16xi32>,
          %get3A_144 = vector.shape_cast %get3A_143 : vector<16xi32> to vector<16xi32>
          %mul3A_145 = arith.constant 2 : i32
          %mul3A_146 = vector.broadcast %mul3A_145 : i32 to vector<16xi32>
          %mul3A_147 = arith.muli %get3A_144, %mul3A_146 : vector<16xi32>
          %add3A_148 = vector.broadcast %add3A_20 : i32 to vector<16xi32>
          %add3A_149 = arith.addi %mul3A_147, %add3A_148 : vector<16xi32>
          %swap3A = arith.index_cast %add3A_142 : i32 to index
          %swap3A_150 = tpu.vector_load %arg11[%swap3A] {strides = array<i32>} : memref<128xi32, #tpu.memory_space<vmem>>, vector<16xi32>,
          %swap3A_151 = vector.shape_cast %swap3A_150 : vector<16xi32> to vector<16xi32>
          %swap3A_152 = vector.shape_cast %add3A_149 : vector<16xi32> to vector<16xi32>
          tpu.vector_store %arg11[%swap3A], %swap3A_152 {strides = array<i32>} : memref<128xi32, #tpu.memory_space<vmem>>, vector<16xi32>,
        }
        %scan3A_134 = arith.constant 8 : i32
        %dma_start3A_135 = arith.constant 0 : i32
        %dma_start3A_136 = arith.constant 0 : i32
        %dma_start3A_137 = tpu.memref_slice %arg2[%dma_start3A_135, %dma_start3A_136] : memref<20480x128xf32, #tpu.memory_space<hbm>> -> memref<20480x128xf32, #tpu.memory_space<hbm>>
        tpu.enqueue_indirect_dma source(%dma_start3A_137 : memref<20480x128xf32, #tpu.memory_space<hbm>>) target(%arg15 : memref<128x128xf32, #tpu.memory_space<vmem>>) offsets(%arg11 : memref<128xi32, #tpu.memory_space<vmem>>) semaphore(%arg18 : memref<!tpu.dma_semaphore, #tpu.memory_space<semaphore_mem>>)
      } else {
      }
      %lt3A_103 = arith.constant 1250 : i32
      %lt3A_104 = arith.cmpi slt, %add3A_74, %lt3A_103 : i32
      %convert_element_type3A_105 = arith.extui %lt3A_104 : i1 to i32
      %cond3A_106 = arith.constant 0 : i32
      %cond3A_107 = arith.cmpi ne, %convert_element_type3A_105, %cond3A_106 : i32
      scf.if %cond3A_107 {
        %dma_wait3A_118 = arith.constant 0 : i32
        %dma_wait3A_119 = arith.constant 0 : i32
        %dma_wait3A_120 = tpu.memref_slice %arg2[%dma_wait3A_118, %dma_wait3A_119] : memref<20480x128xf32, #tpu.memory_space<hbm>> -> memref<20480x128xf32, #tpu.memory_space<hbm>>
        tpu.wait_indirect_dma semaphore(%arg19 : memref<!tpu.dma_semaphore, #tpu.memory_space<semaphore_mem>>) src(%dma_wait3A_120 : memref<20480x128xf32, #tpu.memory_space<hbm>>) dst(%arg16 : memref<128x128xf32, #tpu.memory_space<vmem>>)
      } else {
      }
      %lt3A_108 = arith.constant 1250 : i32
      %lt3A_109 = arith.cmpi slt, %add3A_74, %lt3A_108 : i32
      %convert_element_type3A_110 = arith.extui %lt3A_109 : i1 to i32
      %cond3A_111 = arith.constant 0 : i32
      %cond3A_112 = arith.cmpi ne, %convert_element_type3A_110, %cond3A_111 : i32
      scf.if %cond3A_112 {
        "tpu.region"() ({
          %run_scoped3A = tpu.sem_alloc : memref<!tpu.dma_semaphore, #tpu.memory_space<semaphore_mem>>
          %dma_start3A_123 = arith.constant 0 : i32
          %dma_start3A_124 = arith.constant 0 : i32
          %dma_start3A_125 = tpu.memref_slice %arg7[%dma_start3A_123, %dma_start3A_124] : memref<10240x128xf32, #tpu.memory_space<vmem_shared>> -> memref<10240x128xf32, #tpu.memory_space<vmem_shared>>
          tpu.enqueue_indirect_dma source(%arg16 : memref<128x128xf32, #tpu.memory_space<vmem>>) target(%dma_start3A_125 : memref<10240x128xf32, #tpu.memory_space<vmem_shared>>) offsets(%arg13 : memref<128xi32, #tpu.memory_space<vmem>>) semaphore(%run_scoped3A : memref<!tpu.dma_semaphore, #tpu.memory_space<semaphore_mem>>) {add = true}
          %dma_wait3A_126 = arith.constant 0 : i32
          %dma_wait3A_127 = arith.constant 0 : i32
          %dma_wait3A_128 = tpu.memref_slice %arg7[%dma_wait3A_126, %dma_wait3A_127] : memref<10240x128xf32, #tpu.memory_space<vmem_shared>> -> memref<10240x128xf32, #tpu.memory_space<vmem_shared>>
          tpu.wait_indirect_dma semaphore(%run_scoped3A : memref<!tpu.dma_semaphore, #tpu.memory_space<semaphore_mem>>) src(%arg16 : memref<128x128xf32, #tpu.memory_space<vmem>>) dst(%dma_wait3A_128 : memref<10240x128xf32, #tpu.memory_space<vmem_shared>>)
          tpu.yield
        }) : () -> ()
        %eq3A_118 = arith.constant 0 : i32
        %eq3A_119 = arith.cmpi eq, %arg0, %eq3A_118 : i32
        %convert_element_type3A_120 = arith.extui %eq3A_119 : i1 to i32
        %cond3A_121 = arith.constant 0 : i32
        %cond3A_122 = arith.cmpi ne, %convert_element_type3A_120, %cond3A_121 : i32
        scf.if %cond3A_122 {
          "tpu.region"() ({
            %run_scoped3A = tpu.sem_alloc : memref<!tpu.dma_semaphore, #tpu.memory_space<semaphore_mem>>
            %dma_start3A_123 = arith.constant 0 : i32
            %dma_start3A_124 = tpu.memref_slice %arg8[%dma_start3A_123] : memref<10240xf32, #tpu.memory_space<vmem_shared>> -> memref<10240xf32, #tpu.memory_space<vmem_shared>>
            tpu.enqueue_indirect_dma source(%arg17 : memref<128xf32, #tpu.memory_space<vmem>>) target(%dma_start3A_124 : memref<10240xf32, #tpu.memory_space<vmem_shared>>) offsets(%arg13 : memref<128xi32, #tpu.memory_space<vmem>>) semaphore(%run_scoped3A : memref<!tpu.dma_semaphore, #tpu.memory_space<semaphore_mem>>) {add = true}
            %dma_wait3A_125 = arith.constant 0 : i32
            %dma_wait3A_126 = tpu.memref_slice %arg8[%dma_wait3A_125] : memref<10240xf32, #tpu.memory_space<vmem_shared>> -> memref<10240xf32, #tpu.memory_space<vmem_shared>>
            tpu.wait_indirect_dma semaphore(%run_scoped3A : memref<!tpu.dma_semaphore, #tpu.memory_space<semaphore_mem>>) src(%arg17 : memref<128xf32, #tpu.memory_space<vmem>>) dst(%dma_wait3A_126 : memref<10240xf32, #tpu.memory_space<vmem_shared>>)
            tpu.yield
          }) : () -> ()
        } else {
        }
      } else {
      }
      %lt3A_113 = arith.constant 1250 : i32
      %lt3A_114 = arith.cmpi slt, %add3A_78, %lt3A_113 : i32
      %convert_element_type3A_115 = arith.extui %lt3A_114 : i1 to i32
      %cond3A_116 = arith.constant 0 : i32
      %cond3A_117 = arith.cmpi ne, %convert_element_type3A_115, %cond3A_116 : i32
      scf.if %cond3A_117 {
        %mul3A_118 = arith.constant 128 : i32
        %mul3A_119 = arith.muli %add3A_78, %mul3A_118 : i32
        %dma_start3A_120 = tpu.memref_slice %arg3[%mul3A_119] : memref<160000xi32, #tpu.memory_space<hbm>> -> memref<128xi32, #tpu.memory_space<hbm>>
        %dma_start3A_121 = tpu.memref_slice %arg3[%mul3A_119] : memref<160000xi32, #tpu.memory_space<hbm>> -> memref<128xi32, #tpu.memory_space<hbm>>
        tpu.enqueue_dma source(%dma_start3A_121 : memref<128xi32, #tpu.memory_space<hbm>>) target(%arg12 : memref<128xi32, #tpu.memory_space<vmem>>) target_semaphore(%arg21 : memref<!tpu.dma_semaphore, #tpu.memory_space<semaphore_mem>>)
        %dma_start3A_122 = tpu.memref_slice %arg4[%mul3A_119] : memref<160000xi32, #tpu.memory_space<hbm>> -> memref<128xi32, #tpu.memory_space<hbm>>
        %dma_start3A_123 = tpu.memref_slice %arg4[%mul3A_119] : memref<160000xi32, #tpu.memory_space<hbm>> -> memref<128xi32, #tpu.memory_space<hbm>>
        tpu.enqueue_dma source(%dma_start3A_123 : memref<128xi32, #tpu.memory_space<hbm>>) target(%arg13 : memref<128xi32, #tpu.memory_space<vmem>>) target_semaphore(%arg21 : memref<!tpu.dma_semaphore, #tpu.memory_space<semaphore_mem>>)
      } else {
      }
    }
    %scan3A_51 = arith.constant 40 : i32
    %barrier3A_52 = arith.constant 0 : index
    tpu.barrier barrier_id(%barrier3A_52)
    %scan3A_53 = arith.constant 0 : i32
    %scan3A_54 = arith.constant 5 : i32
    %scan3A_55 = arith.addi %scan3A_53, %scan3A_54 : i32
    %scan3A_56 = arith.constant 1 : i32
    scf.for %scan3A_63 = %scan3A_53 to %scan3A_55 step %scan3A_56  : i32 {
      %mul3A_64 = arith.constant 1 : i32
      %mul3A_65 = arith.muli %scan3A_63, %mul3A_64 : i32
      %add3A_66 = arith.constant 0 : i32
      %add3A_67 = arith.addi %add3A_66, %mul3A_65 : i32
      %mul3A_68 = arith.constant 640 : i32
      %mul3A_69 = arith.muli %arg1, %mul3A_68 : i32
      %mul3A_70 = arith.constant 128 : i32
      %mul3A_71 = arith.muli %add3A_67, %mul3A_70 : i32
      %add3A_72 = arith.addi %mul3A_69, %mul3A_71 : i32
      "tpu.region"() ({
        %run_scoped3A = tpu.sem_alloc : memref<!tpu.dma_semaphore, #tpu.memory_space<semaphore_mem>>
        %dma_start3A_73 = arith.constant 0 : i32
        %dma_start3A_74 = tpu.memref_slice %arg5[%add3A_20, %add3A_72, %dma_start3A_73] : memref<2x10240x128xf32, #tpu.memory_space<hbm>> -> memref<1x128x128xf32, #tpu.memory_space<hbm>>
        %dma_start3A_75 = tpu.memref_squeeze %dma_start3A_74 : memref<1x128x128xf32, #tpu.memory_space<hbm>> -> memref<128x128xf32, #tpu.memory_space<hbm>>
        %dma_start3A_76 = arith.constant 0 : i32
        %dma_start3A_77 = tpu.memref_slice %arg7[%add3A_72, %dma_start3A_76] : memref<10240x128xf32, #tpu.memory_space<vmem_shared>> -> memref<128x128xf32, #tpu.memory_space<vmem_shared>>
        tpu.enqueue_dma source(%dma_start3A_77 : memref<128x128xf32, #tpu.memory_space<vmem_shared>>) target(%dma_start3A_75 : memref<128x128xf32, #tpu.memory_space<hbm>>) target_semaphore(%run_scoped3A : memref<!tpu.dma_semaphore, #tpu.memory_space<semaphore_mem>>)
        %dma_wait3A_78 = arith.constant 0 : i32
        %dma_wait3A_79 = tpu.memref_slice %arg5[%add3A_20, %add3A_72, %dma_wait3A_78] : memref<2x10240x128xf32, #tpu.memory_space<hbm>> -> memref<1x128x128xf32, #tpu.memory_space<hbm>>
        %dma_wait3A_80 = tpu.memref_squeeze %dma_wait3A_79 : memref<1x128x128xf32, #tpu.memory_space<hbm>> -> memref<128x128xf32, #tpu.memory_space<hbm>>
        %dma_wait3A_81 = arith.constant 0 : i32
        %dma_wait3A_82 = tpu.memref_slice %arg7[%add3A_72, %dma_wait3A_81] : memref<10240x128xf32, #tpu.memory_space<vmem_shared>> -> memref<128x128xf32, #tpu.memory_space<vmem_shared>>
        tpu.wait_dma2 semaphore(%run_scoped3A : memref<!tpu.dma_semaphore, #tpu.memory_space<semaphore_mem>>) src(%dma_wait3A_82 : memref<128x128xf32, #tpu.memory_space<vmem_shared>>) dst(%dma_wait3A_80 : memref<128x128xf32, #tpu.memory_space<hbm>>)
        tpu.yield
      }) : () -> ()
    }
    %scan3A_57 = arith.constant 5 : i32
    %eq3A_58 = arith.constant 0 : i32
    %eq3A_59 = arith.cmpi eq, %arg0, %eq3A_58 : i32
    %convert_element_type3A_60 = arith.extui %eq3A_59 : i1 to i32
    %cond3A_61 = arith.constant 0 : i32
    %cond3A_62 = arith.cmpi ne, %convert_element_type3A_60, %cond3A_61 : i32
    scf.if %cond3A_62 {
      %scan3A_63 = arith.constant 0 : i32
      %scan3A_64 = arith.constant 5 : i32
      %scan3A_65 = arith.addi %scan3A_63, %scan3A_64 : i32
      %scan3A_66 = arith.constant 1 : i32
      scf.for %scan3A_68 = %scan3A_63 to %scan3A_65 step %scan3A_66  : i32 {
        %mul3A_69 = arith.constant 1 : i32
        %mul3A_70 = arith.muli %scan3A_68, %mul3A_69 : i32
        %add3A_71 = arith.constant 0 : i32
        %add3A_72 = arith.addi %add3A_71, %mul3A_70 : i32
        %mul3A_73 = arith.constant 640 : i32
        %mul3A_74 = arith.muli %arg1, %mul3A_73 : i32
        %mul3A_75 = arith.constant 128 : i32
        %mul3A_76 = arith.muli %add3A_72, %mul3A_75 : i32
        %add3A_77 = arith.addi %mul3A_74, %mul3A_76 : i32
        "tpu.region"() ({
          %run_scoped3A = tpu.sem_alloc : memref<!tpu.dma_semaphore, #tpu.memory_space<semaphore_mem>>
          %dma_start3A_78 = tpu.memref_slice %arg6[%add3A_77] : memref<10240xf32, #tpu.memory_space<hbm>> -> memref<128xf32, #tpu.memory_space<hbm>>
          %dma_start3A_79 = tpu.memref_slice %arg8[%add3A_77] : memref<10240xf32, #tpu.memory_space<vmem_shared>> -> memref<128xf32, #tpu.memory_space<vmem_shared>>
          tpu.enqueue_dma source(%dma_start3A_79 : memref<128xf32, #tpu.memory_space<vmem_shared>>) target(%dma_start3A_78 : memref<128xf32, #tpu.memory_space<hbm>>) target_semaphore(%run_scoped3A : memref<!tpu.dma_semaphore, #tpu.memory_space<semaphore_mem>>)
          %dma_wait3A_80 = tpu.memref_slice %arg6[%add3A_77] : memref<10240xf32, #tpu.memory_space<hbm>> -> memref<128xf32, #tpu.memory_space<hbm>>
          %dma_wait3A_81 = tpu.memref_slice %arg8[%add3A_77] : memref<10240xf32, #tpu.memory_space<vmem_shared>> -> memref<128xf32, #tpu.memory_space<vmem_shared>>
          tpu.wait_dma2 semaphore(%run_scoped3A : memref<!tpu.dma_semaphore, #tpu.memory_space<semaphore_mem>>) src(%dma_wait3A_81 : memref<128xf32, #tpu.memory_space<vmem_shared>>) dst(%dma_wait3A_80 : memref<128xf32, #tpu.memory_space<hbm>>)
          tpu.yield
        }) : () -> ()
      }
      %scan3A_67 = arith.constant 5 : i32
    } else {
    }
    return
  }
}

#map = affine_map<(d0, d1) -> (0, 0)>
#map1 = affine_map<(d0, d1) -> (0)>
#map2 = affine_map<(d0, d1) -> (0, 0, 0)>
module attributes {stable_mosaic.version = 14 : i64} {
  func.func @sc_sage_agg_k4(%arg0: i32, %arg1: i32, %arg2: memref<40960x128xf32, #tpu.memory_space<hbm>>, %arg3: memref<160000xi32, #tpu.memory_space<hbm>>, %arg4: memref<160000xi32, #tpu.memory_space<hbm>>, %arg5: memref<4x10240x128xf32, #tpu.memory_space<hbm>>, %arg6: memref<10240x128xf32, #tpu.memory_space<vmem_shared>>, %arg7: memref<10240xf32, #tpu.memory_space<vmem_shared>>, %arg8: memref<128xi32, #tpu.memory_space<vmem>>, %arg9: memref<128xi32, #tpu.memory_space<vmem>>, %arg10: memref<128xi32, #tpu.memory_space<vmem>>, %arg11: memref<128xi32, #tpu.memory_space<vmem>>, %arg12: memref<128xi32, #tpu.memory_space<vmem>>, %arg13: memref<128xi32, #tpu.memory_space<vmem>>, %arg14: memref<128x128xf32, #tpu.memory_space<vmem>>, %arg15: memref<128x128xf32, #tpu.memory_space<vmem>>, %arg16: memref<128xf32, #tpu.memory_space<vmem>>, %arg17: memref<!tpu.dma_semaphore, #tpu.memory_space<semaphore_mem>>, %arg18: memref<!tpu.dma_semaphore, #tpu.memory_space<semaphore_mem>>, %arg19: memref<!tpu.dma_semaphore, #tpu.memory_space<semaphore_mem>>, %arg20: memref<!tpu.dma_semaphore, #tpu.memory_space<semaphore_mem>>) attributes {dimension_semantics = [#tpu.dimension_semantics<core_parallel>, #tpu.dimension_semantics<subcore_parallel>], iteration_bounds = array<i64: 2, 16>, scalar_prefetch = 0 : i64, scratch_operands = 15 : i64, tpu.core_type = #tpu.core_type<sc_vector_subcore>, window_params = [{transform_indices = #map}, {transform_indices = #map1}, {transform_indices = #map1}, {transform_indices = #map2}]} {
    %broadcast_in_dim3A = arith.constant 0.000000e+00 : f32
    %broadcast_in_dim3A_0 = vector.broadcast %broadcast_in_dim3A : f32 to vector<16xf32>
    %broadcast_in_dim3A_1 = arith.constant 1.000000e+00 : f32
    %broadcast_in_dim3A_2 = vector.broadcast %broadcast_in_dim3A_1 : f32 to vector<16xf32>
    %scan3A = arith.constant 0 : i32
    %scan3A_3 = arith.constant 8 : i32
    %scan3A_4 = arith.addi %scan3A, %scan3A_3 : i32
    %scan3A_5 = arith.constant 1 : i32
    scf.for %scan3A_110 = %scan3A to %scan3A_4 step %scan3A_5  : i32 {
      %mul3A_111 = arith.constant 16 : i32
      %mul3A_112 = arith.muli %scan3A_110, %mul3A_111 : i32
      %add3A_113 = arith.constant 0 : i32
      %add3A_114 = arith.addi %add3A_113, %mul3A_112 : i32
      %swap3A = arith.index_cast %add3A_114 : i32 to index
      %swap3A_115 = tpu.vector_load %arg16[%swap3A] {strides = array<i32>} : memref<128xf32, #tpu.memory_space<vmem>>, vector<16xf32>,
      %swap3A_116 = vector.shape_cast %swap3A_115 : vector<16xf32> to vector<16xf32>
      %swap3A_117 = vector.shape_cast %broadcast_in_dim3A_2 : vector<16xf32> to vector<16xf32>
      tpu.vector_store %arg16[%swap3A], %swap3A_117 {strides = array<i32>} : memref<128xf32, #tpu.memory_space<vmem>>, vector<16xf32>,
    }
    %scan3A_6 = arith.constant 8 : i32
    %scan3A_7 = arith.constant 0 : i32
    %scan3A_8 = arith.constant 128 : i32
    %scan3A_9 = arith.addi %scan3A_7, %scan3A_8 : i32
    %scan3A_10 = arith.constant 1 : i32
    scf.for %scan3A_110 = %scan3A_7 to %scan3A_9 step %scan3A_10  : i32 {
      %mul3A_111 = arith.constant 1 : i32
      %mul3A_112 = arith.muli %scan3A_110, %mul3A_111 : i32
      %add3A_113 = arith.constant 0 : i32
      %add3A_114 = arith.addi %add3A_113, %mul3A_112 : i32
      %scan3A_115 = arith.constant 0 : i32
      %scan3A_116 = arith.constant 8 : i32
      %scan3A_117 = arith.addi %scan3A_115, %scan3A_116 : i32
      %scan3A_118 = arith.constant 1 : i32
      scf.for %scan3A_120 = %scan3A_115 to %scan3A_117 step %scan3A_118  : i32 {
        %mul3A_121 = arith.constant 16 : i32
        %mul3A_122 = arith.muli %scan3A_120, %mul3A_121 : i32
        %add3A_123 = arith.constant 0 : i32
        %add3A_124 = arith.addi %add3A_123, %mul3A_122 : i32
        %swap3A = arith.index_cast %add3A_114 : i32 to index
        %swap3A_125 = arith.index_cast %add3A_124 : i32 to index
        %swap3A_126 = tpu.vector_load %arg14[%swap3A, %swap3A_125] {strides = array<i32>} : memref<128x128xf32, #tpu.memory_space<vmem>>, vector<1x16xf32>,
        %swap3A_127 = vector.shape_cast %swap3A_126 : vector<1x16xf32> to vector<16xf32>
        %swap3A_128 = vector.shape_cast %broadcast_in_dim3A_0 : vector<16xf32> to vector<1x16xf32>
        tpu.vector_store %arg14[%swap3A, %swap3A_125], %swap3A_128 {strides = array<i32>} : memref<128x128xf32, #tpu.memory_space<vmem>>, vector<1x16xf32>,
      }
      %scan3A_119 = arith.constant 8 : i32
    }
    %scan3A_11 = arith.constant 128 : i32
    %scan3A_12 = arith.constant 0 : i32
    %scan3A_13 = arith.constant 5 : i32
    %scan3A_14 = arith.addi %scan3A_12, %scan3A_13 : i32
    %scan3A_15 = arith.constant 1 : i32
    scf.for %scan3A_110 = %scan3A_12 to %scan3A_14 step %scan3A_15  : i32 {
      %mul3A_111 = arith.constant 1 : i32
      %mul3A_112 = arith.muli %scan3A_110, %mul3A_111 : i32
      %add3A_113 = arith.constant 0 : i32
      %add3A_114 = arith.addi %add3A_113, %mul3A_112 : i32
      %mul3A_115 = arith.constant 640 : i32
      %mul3A_116 = arith.muli %arg1, %mul3A_115 : i32
      %mul3A_117 = arith.constant 128 : i32
      %mul3A_118 = arith.muli %add3A_114, %mul3A_117 : i32
      %add3A_119 = arith.addi %mul3A_116, %mul3A_118 : i32
      "tpu.region"() ({
        %run_scoped3A = tpu.sem_alloc : memref<!tpu.dma_semaphore, #tpu.memory_space<semaphore_mem>>
        %dma_start3A_120 = arith.constant 0 : i32
        %dma_start3A_121 = tpu.memref_slice %arg6[%add3A_119, %dma_start3A_120] : memref<10240x128xf32, #tpu.memory_space<vmem_shared>> -> memref<128x128xf32, #tpu.memory_space<vmem_shared>>
        %dma_start3A_122 = arith.constant 0 : i32
        %dma_start3A_123 = tpu.memref_slice %arg6[%add3A_119, %dma_start3A_122] : memref<10240x128xf32, #tpu.memory_space<vmem_shared>> -> memref<128x128xf32, #tpu.memory_space<vmem_shared>>
        tpu.enqueue_dma source(%arg14 : memref<128x128xf32, #tpu.memory_space<vmem>>) target(%dma_start3A_123 : memref<128x128xf32, #tpu.memory_space<vmem_shared>>) target_semaphore(%run_scoped3A : memref<!tpu.dma_semaphore, #tpu.memory_space<semaphore_mem>>)
        %dma_wait3A_124 = arith.constant 0 : i32
        %dma_wait3A_125 = tpu.memref_slice %arg6[%add3A_119, %dma_wait3A_124] : memref<10240x128xf32, #tpu.memory_space<vmem_shared>> -> memref<128x128xf32, #tpu.memory_space<vmem_shared>>
        %dma_wait3A_126 = arith.constant 0 : i32
        %dma_wait3A_127 = tpu.memref_slice %arg6[%add3A_119, %dma_wait3A_126] : memref<10240x128xf32, #tpu.memory_space<vmem_shared>> -> memref<128x128xf32, #tpu.memory_space<vmem_shared>>
        tpu.wait_dma2 semaphore(%run_scoped3A : memref<!tpu.dma_semaphore, #tpu.memory_space<semaphore_mem>>) src(%arg14 : memref<128x128xf32, #tpu.memory_space<vmem>>) dst(%dma_wait3A_127 : memref<128x128xf32, #tpu.memory_space<vmem_shared>>)
        tpu.yield
      }) : () -> ()
    }
    %scan3A_16 = arith.constant 5 : i32
    %barrier3A = arith.constant 0 : index
    tpu.barrier barrier_id(%barrier3A)
    %mul3A = arith.constant 2 : i32
    %mul3A_17 = arith.muli %arg0, %mul3A : i32
    %add3A = arith.constant 0 : i32
    %add3A_18 = arith.addi %mul3A_17, %add3A : i32
    %mul3A_19 = arith.constant 128 : i32
    %mul3A_20 = arith.muli %arg1, %mul3A_19 : i32
    %dma_start3A = tpu.memref_slice %arg3[%mul3A_20] : memref<160000xi32, #tpu.memory_space<hbm>> -> memref<128xi32, #tpu.memory_space<hbm>>
    %dma_start3A_21 = tpu.memref_slice %arg3[%mul3A_20] : memref<160000xi32, #tpu.memory_space<hbm>> -> memref<128xi32, #tpu.memory_space<hbm>>
    tpu.enqueue_dma source(%dma_start3A_21 : memref<128xi32, #tpu.memory_space<hbm>>) target(%arg8 : memref<128xi32, #tpu.memory_space<vmem>>) target_semaphore(%arg19 : memref<!tpu.dma_semaphore, #tpu.memory_space<semaphore_mem>>)
    %dma_start3A_22 = tpu.memref_slice %arg4[%mul3A_20] : memref<160000xi32, #tpu.memory_space<hbm>> -> memref<128xi32, #tpu.memory_space<hbm>>
    %dma_start3A_23 = tpu.memref_slice %arg4[%mul3A_20] : memref<160000xi32, #tpu.memory_space<hbm>> -> memref<128xi32, #tpu.memory_space<hbm>>
    tpu.enqueue_dma source(%dma_start3A_23 : memref<128xi32, #tpu.memory_space<hbm>>) target(%arg9 : memref<128xi32, #tpu.memory_space<vmem>>) target_semaphore(%arg19 : memref<!tpu.dma_semaphore, #tpu.memory_space<semaphore_mem>>)
    %mul3A_24 = arith.constant 128 : i32
    %mul3A_25 = arith.muli %arg1, %mul3A_24 : i32
    %dma_wait3A = tpu.memref_slice %arg3[%mul3A_25] : memref<160000xi32, #tpu.memory_space<hbm>> -> memref<128xi32, #tpu.memory_space<hbm>>
    %dma_wait3A_26 = tpu.memref_slice %arg3[%mul3A_25] : memref<160000xi32, #tpu.memory_space<hbm>> -> memref<128xi32, #tpu.memory_space<hbm>>
    tpu.wait_dma2 semaphore(%arg19 : memref<!tpu.dma_semaphore, #tpu.memory_space<semaphore_mem>>) src(%dma_wait3A_26 : memref<128xi32, #tpu.memory_space<hbm>>) dst(%arg8 : memref<128xi32, #tpu.memory_space<vmem>>)
    %dma_wait3A_27 = tpu.memref_slice %arg4[%mul3A_25] : memref<160000xi32, #tpu.memory_space<hbm>> -> memref<128xi32, #tpu.memory_space<hbm>>
    %dma_wait3A_28 = tpu.memref_slice %arg4[%mul3A_25] : memref<160000xi32, #tpu.memory_space<hbm>> -> memref<128xi32, #tpu.memory_space<hbm>>
    tpu.wait_dma2 semaphore(%arg19 : memref<!tpu.dma_semaphore, #tpu.memory_space<semaphore_mem>>) src(%dma_wait3A_28 : memref<128xi32, #tpu.memory_space<hbm>>) dst(%arg9 : memref<128xi32, #tpu.memory_space<vmem>>)
    %scan3A_29 = arith.constant 0 : i32
    %scan3A_30 = arith.constant 8 : i32
    %scan3A_31 = arith.addi %scan3A_29, %scan3A_30 : i32
    %scan3A_32 = arith.constant 1 : i32
    scf.for %scan3A_110 = %scan3A_29 to %scan3A_31 step %scan3A_32  : i32 {
      %mul3A_111 = arith.constant 16 : i32
      %mul3A_112 = arith.muli %scan3A_110, %mul3A_111 : i32
      %add3A_113 = arith.constant 0 : i32
      %add3A_114 = arith.addi %add3A_113, %mul3A_112 : i32
      %get3A = arith.index_cast %add3A_114 : i32 to index
      %get3A_115 = tpu.vector_load %arg8[%get3A] {strides = array<i32>} : memref<128xi32, #tpu.memory_space<vmem>>, vector<16xi32>,
      %get3A_116 = vector.shape_cast %get3A_115 : vector<16xi32> to vector<16xi32>
      %mul3A_117 = arith.constant 10240 : i32
      %mul3A_118 = arith.muli %add3A_18, %mul3A_117 : i32
      %add3A_119 = vector.broadcast %mul3A_118 : i32 to vector<16xi32>
      %add3A_120 = arith.addi %get3A_116, %add3A_119 : vector<16xi32>
      %swap3A = arith.index_cast %add3A_114 : i32 to index
      %swap3A_121 = tpu.vector_load %arg10[%swap3A] {strides = array<i32>} : memref<128xi32, #tpu.memory_space<vmem>>, vector<16xi32>,
      %swap3A_122 = vector.shape_cast %swap3A_121 : vector<16xi32> to vector<16xi32>
      %swap3A_123 = vector.shape_cast %add3A_120 : vector<16xi32> to vector<16xi32>
      tpu.vector_store %arg10[%swap3A], %swap3A_123 {strides = array<i32>} : memref<128xi32, #tpu.memory_space<vmem>>, vector<16xi32>,
    }
    %scan3A_33 = arith.constant 8 : i32
    %dma_start3A_34 = arith.constant 0 : i32
    %dma_start3A_35 = arith.constant 0 : i32
    %dma_start3A_36 = tpu.memref_slice %arg2[%dma_start3A_34, %dma_start3A_35] : memref<40960x128xf32, #tpu.memory_space<hbm>> -> memref<40960x128xf32, #tpu.memory_space<hbm>>
    tpu.enqueue_indirect_dma source(%dma_start3A_36 : memref<40960x128xf32, #tpu.memory_space<hbm>>) target(%arg14 : memref<128x128xf32, #tpu.memory_space<vmem>>) offsets(%arg10 : memref<128xi32, #tpu.memory_space<vmem>>) semaphore(%arg17 : memref<!tpu.dma_semaphore, #tpu.memory_space<semaphore_mem>>)
    %add3A_37 = arith.constant 16 : i32
    %add3A_38 = arith.addi %arg1, %add3A_37 : i32
    %mul3A_39 = arith.constant 128 : i32
    %mul3A_40 = arith.muli %add3A_38, %mul3A_39 : i32
    %dma_start3A_41 = tpu.memref_slice %arg3[%mul3A_40] : memref<160000xi32, #tpu.memory_space<hbm>> -> memref<128xi32, #tpu.memory_space<hbm>>
    %dma_start3A_42 = tpu.memref_slice %arg3[%mul3A_40] : memref<160000xi32, #tpu.memory_space<hbm>> -> memref<128xi32, #tpu.memory_space<hbm>>
    tpu.enqueue_dma source(%dma_start3A_42 : memref<128xi32, #tpu.memory_space<hbm>>) target(%arg11 : memref<128xi32, #tpu.memory_space<vmem>>) target_semaphore(%arg20 : memref<!tpu.dma_semaphore, #tpu.memory_space<semaphore_mem>>)
    %dma_start3A_43 = tpu.memref_slice %arg4[%mul3A_40] : memref<160000xi32, #tpu.memory_space<hbm>> -> memref<128xi32, #tpu.memory_space<hbm>>
    %dma_start3A_44 = tpu.memref_slice %arg4[%mul3A_40] : memref<160000xi32, #tpu.memory_space<hbm>> -> memref<128xi32, #tpu.memory_space<hbm>>
    tpu.enqueue_dma source(%dma_start3A_44 : memref<128xi32, #tpu.memory_space<hbm>>) target(%arg12 : memref<128xi32, #tpu.memory_space<vmem>>) target_semaphore(%arg20 : memref<!tpu.dma_semaphore, #tpu.memory_space<semaphore_mem>>)
    %scan3A_45 = arith.constant 0 : i32
    %scan3A_46 = arith.constant 40 : i32
    %scan3A_47 = arith.addi %scan3A_45, %scan3A_46 : i32
    %scan3A_48 = arith.constant 1 : i32
    scf.for %scan3A_110 = %scan3A_45 to %scan3A_47 step %scan3A_48  : i32 {
      %mul3A_111 = arith.constant 1 : i32
      %mul3A_112 = arith.muli %scan3A_110, %mul3A_111 : i32
      %add3A_113 = arith.constant 0 : i32
      %add3A_114 = arith.addi %add3A_113, %mul3A_112 : i32
      %mul3A_115 = arith.constant 2 : i32
      %mul3A_116 = arith.muli %add3A_114, %mul3A_115 : i32
      %mul3A_117 = arith.constant 16 : i32
      %mul3A_118 = arith.muli %mul3A_116, %mul3A_117 : i32
      %add3A_119 = arith.addi %arg1, %mul3A_118 : i32
      %add3A_120 = arith.constant 16 : i32
      %add3A_121 = arith.addi %add3A_119, %add3A_120 : i32
      %add3A_122 = arith.constant 32 : i32
      %add3A_123 = arith.addi %add3A_119, %add3A_122 : i32
      %add3A_124 = arith.constant 32 : i32
      %add3A_125 = arith.addi %add3A_121, %add3A_124 : i32
      %lt3A = arith.constant 1250 : i32
      %lt3A_126 = arith.cmpi slt, %add3A_121, %lt3A : i32
      %convert_element_type3A = arith.extui %lt3A_126 : i1 to i32
      %cond3A = arith.constant 0 : i32
      %cond3A_127 = arith.cmpi ne, %convert_element_type3A, %cond3A : i32
      scf.if %cond3A_127 {
        %mul3A_163 = arith.constant 128 : i32
        %mul3A_164 = arith.muli %add3A_121, %mul3A_163 : i32
        %dma_wait3A_165 = tpu.memref_slice %arg3[%mul3A_164] : memref<160000xi32, #tpu.memory_space<hbm>> -> memref<128xi32, #tpu.memory_space<hbm>>
        %dma_wait3A_166 = tpu.memref_slice %arg3[%mul3A_164] : memref<160000xi32, #tpu.memory_space<hbm>> -> memref<128xi32, #tpu.memory_space<hbm>>
        tpu.wait_dma2 semaphore(%arg20 : memref<!tpu.dma_semaphore, #tpu.memory_space<semaphore_mem>>) src(%dma_wait3A_166 : memref<128xi32, #tpu.memory_space<hbm>>) dst(%arg11 : memref<128xi32, #tpu.memory_space<vmem>>)
        %dma_wait3A_167 = tpu.memref_slice %arg4[%mul3A_164] : memref<160000xi32, #tpu.memory_space<hbm>> -> memref<128xi32, #tpu.memory_space<hbm>>
        %dma_wait3A_168 = tpu.memref_slice %arg4[%mul3A_164] : memref<160000xi32, #tpu.memory_space<hbm>> -> memref<128xi32, #tpu.memory_space<hbm>>
        tpu.wait_dma2 semaphore(%arg20 : memref<!tpu.dma_semaphore, #tpu.memory_space<semaphore_mem>>) src(%dma_wait3A_168 : memref<128xi32, #tpu.memory_space<hbm>>) dst(%arg12 : memref<128xi32, #tpu.memory_space<vmem>>)
        %scan3A_169 = arith.constant 0 : i32
        %scan3A_170 = arith.constant 8 : i32
        %scan3A_171 = arith.addi %scan3A_169, %scan3A_170 : i32
        %scan3A_172 = arith.constant 1 : i32
        scf.for %scan3A_174 = %scan3A_169 to %scan3A_171 step %scan3A_172  : i32 {
          %mul3A_175 = arith.constant 16 : i32
          %mul3A_176 = arith.muli %scan3A_174, %mul3A_175 : i32
          %add3A_177 = arith.constant 0 : i32
          %add3A_178 = arith.addi %add3A_177, %mul3A_176 : i32
          %get3A = arith.index_cast %add3A_178 : i32 to index
          %get3A_179 = tpu.vector_load %arg11[%get3A] {strides = array<i32>} : memref<128xi32, #tpu.memory_space<vmem>>, vector<16xi32>,
          %get3A_180 = vector.shape_cast %get3A_179 : vector<16xi32> to vector<16xi32>
          %mul3A_181 = arith.constant 10240 : i32
          %mul3A_182 = arith.muli %add3A_18, %mul3A_181 : i32
          %add3A_183 = vector.broadcast %mul3A_182 : i32 to vector<16xi32>
          %add3A_184 = arith.addi %get3A_180, %add3A_183 : vector<16xi32>
          %swap3A = arith.index_cast %add3A_178 : i32 to index
          %swap3A_185 = tpu.vector_load %arg13[%swap3A] {strides = array<i32>} : memref<128xi32, #tpu.memory_space<vmem>>, vector<16xi32>,
          %swap3A_186 = vector.shape_cast %swap3A_185 : vector<16xi32> to vector<16xi32>
          %swap3A_187 = vector.shape_cast %add3A_184 : vector<16xi32> to vector<16xi32>
          tpu.vector_store %arg13[%swap3A], %swap3A_187 {strides = array<i32>} : memref<128xi32, #tpu.memory_space<vmem>>, vector<16xi32>,
        }
        %scan3A_173 = arith.constant 8 : i32
      } else {
      }
      %lt3A_128 = arith.constant 1250 : i32
      %lt3A_129 = arith.cmpi slt, %add3A_119, %lt3A_128 : i32
      %convert_element_type3A_130 = arith.extui %lt3A_129 : i1 to i32
      %cond3A_131 = arith.constant 0 : i32
      %cond3A_132 = arith.cmpi ne, %convert_element_type3A_130, %cond3A_131 : i32
      scf.if %cond3A_132 {
        %dma_wait3A_163 = arith.constant 0 : i32
        %dma_wait3A_164 = arith.constant 0 : i32
        %dma_wait3A_165 = tpu.memref_slice %arg2[%dma_wait3A_163, %dma_wait3A_164] : memref<40960x128xf32, #tpu.memory_space<hbm>> -> memref<40960x128xf32, #tpu.memory_space<hbm>>
        tpu.wait_indirect_dma semaphore(%arg17 : memref<!tpu.dma_semaphore, #tpu.memory_space<semaphore_mem>>) src(%dma_wait3A_165 : memref<40960x128xf32, #tpu.memory_space<hbm>>) dst(%arg14 : memref<128x128xf32, #tpu.memory_space<vmem>>)
      } else {
      }
      %lt3A_133 = arith.constant 1250 : i32
      %lt3A_134 = arith.cmpi slt, %add3A_121, %lt3A_133 : i32
      %convert_element_type3A_135 = arith.extui %lt3A_134 : i1 to i32
      %cond3A_136 = arith.constant 0 : i32
      %cond3A_137 = arith.cmpi ne, %convert_element_type3A_135, %cond3A_136 : i32
      scf.if %cond3A_137 {
        %dma_start3A_163 = arith.constant 0 : i32
        %dma_start3A_164 = arith.constant 0 : i32
        %dma_start3A_165 = tpu.memref_slice %arg2[%dma_start3A_163, %dma_start3A_164] : memref<40960x128xf32, #tpu.memory_space<hbm>> -> memref<40960x128xf32, #tpu.memory_space<hbm>>
        tpu.enqueue_indirect_dma source(%dma_start3A_165 : memref<40960x128xf32, #tpu.memory_space<hbm>>) target(%arg15 : memref<128x128xf32, #tpu.memory_space<vmem>>) offsets(%arg13 : memref<128xi32, #tpu.memory_space<vmem>>) semaphore(%arg18 : memref<!tpu.dma_semaphore, #tpu.memory_space<semaphore_mem>>)
      } else {
      }
      %lt3A_138 = arith.constant 1250 : i32
      %lt3A_139 = arith.cmpi slt, %add3A_119, %lt3A_138 : i32
      %convert_element_type3A_140 = arith.extui %lt3A_139 : i1 to i32
      %cond3A_141 = arith.constant 0 : i32
      %cond3A_142 = arith.cmpi ne, %convert_element_type3A_140, %cond3A_141 : i32
      scf.if %cond3A_142 {
        "tpu.region"() ({
          %run_scoped3A = tpu.sem_alloc : memref<!tpu.dma_semaphore, #tpu.memory_space<semaphore_mem>>
          %dma_start3A_163 = arith.constant 0 : i32
          %dma_start3A_164 = arith.constant 0 : i32
          %dma_start3A_165 = tpu.memref_slice %arg6[%dma_start3A_163, %dma_start3A_164] : memref<10240x128xf32, #tpu.memory_space<vmem_shared>> -> memref<10240x128xf32, #tpu.memory_space<vmem_shared>>
          tpu.enqueue_indirect_dma source(%arg14 : memref<128x128xf32, #tpu.memory_space<vmem>>) target(%dma_start3A_165 : memref<10240x128xf32, #tpu.memory_space<vmem_shared>>) offsets(%arg9 : memref<128xi32, #tpu.memory_space<vmem>>) semaphore(%run_scoped3A : memref<!tpu.dma_semaphore, #tpu.memory_space<semaphore_mem>>) {add = true}
          %dma_wait3A_166 = arith.constant 0 : i32
          %dma_wait3A_167 = arith.constant 0 : i32
          %dma_wait3A_168 = tpu.memref_slice %arg6[%dma_wait3A_166, %dma_wait3A_167] : memref<10240x128xf32, #tpu.memory_space<vmem_shared>> -> memref<10240x128xf32, #tpu.memory_space<vmem_shared>>
          tpu.wait_indirect_dma semaphore(%run_scoped3A : memref<!tpu.dma_semaphore, #tpu.memory_space<semaphore_mem>>) src(%arg14 : memref<128x128xf32, #tpu.memory_space<vmem>>) dst(%dma_wait3A_168 : memref<10240x128xf32, #tpu.memory_space<vmem_shared>>)
          tpu.yield
        }) : () -> ()
      } else {
      }
      %lt3A_143 = arith.constant 1250 : i32
      %lt3A_144 = arith.cmpi slt, %add3A_123, %lt3A_143 : i32
      %convert_element_type3A_145 = arith.extui %lt3A_144 : i1 to i32
      %cond3A_146 = arith.constant 0 : i32
      %cond3A_147 = arith.cmpi ne, %convert_element_type3A_145, %cond3A_146 : i32
      scf.if %cond3A_147 {
        %mul3A_163 = arith.constant 128 : i32
        %mul3A_164 = arith.muli %add3A_123, %mul3A_163 : i32
        %dma_start3A_165 = tpu.memref_slice %arg3[%mul3A_164] : memref<160000xi32, #tpu.memory_space<hbm>> -> memref<128xi32, #tpu.memory_space<hbm>>
        %dma_start3A_166 = tpu.memref_slice %arg3[%mul3A_164] : memref<160000xi32, #tpu.memory_space<hbm>> -> memref<128xi32, #tpu.memory_space<hbm>>
        tpu.enqueue_dma source(%dma_start3A_166 : memref<128xi32, #tpu.memory_space<hbm>>) target(%arg8 : memref<128xi32, #tpu.memory_space<vmem>>) target_semaphore(%arg19 : memref<!tpu.dma_semaphore, #tpu.memory_space<semaphore_mem>>)
        %dma_start3A_167 = tpu.memref_slice %arg4[%mul3A_164] : memref<160000xi32, #tpu.memory_space<hbm>> -> memref<128xi32, #tpu.memory_space<hbm>>
        %dma_start3A_168 = tpu.memref_slice %arg4[%mul3A_164] : memref<160000xi32, #tpu.memory_space<hbm>> -> memref<128xi32, #tpu.memory_space<hbm>>
        tpu.enqueue_dma source(%dma_start3A_168 : memref<128xi32, #tpu.memory_space<hbm>>) target(%arg9 : memref<128xi32, #tpu.memory_space<vmem>>) target_semaphore(%arg19 : memref<!tpu.dma_semaphore, #tpu.memory_space<semaphore_mem>>)
        %mul3A_169 = arith.constant 128 : i32
        %mul3A_170 = arith.muli %add3A_123, %mul3A_169 : i32
        %dma_wait3A_171 = tpu.memref_slice %arg3[%mul3A_170] : memref<160000xi32, #tpu.memory_space<hbm>> -> memref<128xi32, #tpu.memory_space<hbm>>
        %dma_wait3A_172 = tpu.memref_slice %arg3[%mul3A_170] : memref<160000xi32, #tpu.memory_space<hbm>> -> memref<128xi32, #tpu.memory_space<hbm>>
        tpu.wait_dma2 semaphore(%arg19 : memref<!tpu.dma_semaphore, #tpu.memory_space<semaphore_mem>>) src(%dma_wait3A_172 : memref<128xi32, #tpu.memory_space<hbm>>) dst(%arg8 : memref<128xi32, #tpu.memory_space<vmem>>)
        %dma_wait3A_173 = tpu.memref_slice %arg4[%mul3A_170] : memref<160000xi32, #tpu.memory_space<hbm>> -> memref<128xi32, #tpu.memory_space<hbm>>
        %dma_wait3A_174 = tpu.memref_slice %arg4[%mul3A_170] : memref<160000xi32, #tpu.memory_space<hbm>> -> memref<128xi32, #tpu.memory_space<hbm>>
        tpu.wait_dma2 semaphore(%arg19 : memref<!tpu.dma_semaphore, #tpu.memory_space<semaphore_mem>>) src(%dma_wait3A_174 : memref<128xi32, #tpu.memory_space<hbm>>) dst(%arg9 : memref<128xi32, #tpu.memory_space<vmem>>)
        %scan3A_175 = arith.constant 0 : i32
        %scan3A_176 = arith.constant 8 : i32
        %scan3A_177 = arith.addi %scan3A_175, %scan3A_176 : i32
        %scan3A_178 = arith.constant 1 : i32
        scf.for %scan3A_183 = %scan3A_175 to %scan3A_177 step %scan3A_178  : i32 {
          %mul3A_184 = arith.constant 16 : i32
          %mul3A_185 = arith.muli %scan3A_183, %mul3A_184 : i32
          %add3A_186 = arith.constant 0 : i32
          %add3A_187 = arith.addi %add3A_186, %mul3A_185 : i32
          %get3A = arith.index_cast %add3A_187 : i32 to index
          %get3A_188 = tpu.vector_load %arg8[%get3A] {strides = array<i32>} : memref<128xi32, #tpu.memory_space<vmem>>, vector<16xi32>,
          %get3A_189 = vector.shape_cast %get3A_188 : vector<16xi32> to vector<16xi32>
          %mul3A_190 = arith.constant 10240 : i32
          %mul3A_191 = arith.muli %add3A_18, %mul3A_190 : i32
          %add3A_192 = vector.broadcast %mul3A_191 : i32 to vector<16xi32>
          %add3A_193 = arith.addi %get3A_189, %add3A_192 : vector<16xi32>
          %swap3A = arith.index_cast %add3A_187 : i32 to index
          %swap3A_194 = tpu.vector_load %arg10[%swap3A] {strides = array<i32>} : memref<128xi32, #tpu.memory_space<vmem>>, vector<16xi32>,
          %swap3A_195 = vector.shape_cast %swap3A_194 : vector<16xi32> to vector<16xi32>
          %swap3A_196 = vector.shape_cast %add3A_193 : vector<16xi32> to vector<16xi32>
          tpu.vector_store %arg10[%swap3A], %swap3A_196 {strides = array<i32>} : memref<128xi32, #tpu.memory_space<vmem>>, vector<16xi32>,
        }
        %scan3A_179 = arith.constant 8 : i32
        %dma_start3A_180 = arith.constant 0 : i32
        %dma_start3A_181 = arith.constant 0 : i32
        %dma_start3A_182 = tpu.memref_slice %arg2[%dma_start3A_180, %dma_start3A_181] : memref<40960x128xf32, #tpu.memory_space<hbm>> -> memref<40960x128xf32, #tpu.memory_space<hbm>>
        tpu.enqueue_indirect_dma source(%dma_start3A_182 : memref<40960x128xf32, #tpu.memory_space<hbm>>) target(%arg14 : memref<128x128xf32, #tpu.memory_space<vmem>>) offsets(%arg10 : memref<128xi32, #tpu.memory_space<vmem>>) semaphore(%arg17 : memref<!tpu.dma_semaphore, #tpu.memory_space<semaphore_mem>>)
      } else {
      }
      %lt3A_148 = arith.constant 1250 : i32
      %lt3A_149 = arith.cmpi slt, %add3A_121, %lt3A_148 : i32
      %convert_element_type3A_150 = arith.extui %lt3A_149 : i1 to i32
      %cond3A_151 = arith.constant 0 : i32
      %cond3A_152 = arith.cmpi ne, %convert_element_type3A_150, %cond3A_151 : i32
      scf.if %cond3A_152 {
        %dma_wait3A_163 = arith.constant 0 : i32
        %dma_wait3A_164 = arith.constant 0 : i32
        %dma_wait3A_165 = tpu.memref_slice %arg2[%dma_wait3A_163, %dma_wait3A_164] : memref<40960x128xf32, #tpu.memory_space<hbm>> -> memref<40960x128xf32, #tpu.memory_space<hbm>>
        tpu.wait_indirect_dma semaphore(%arg18 : memref<!tpu.dma_semaphore, #tpu.memory_space<semaphore_mem>>) src(%dma_wait3A_165 : memref<40960x128xf32, #tpu.memory_space<hbm>>) dst(%arg15 : memref<128x128xf32, #tpu.memory_space<vmem>>)
      } else {
      }
      %lt3A_153 = arith.constant 1250 : i32
      %lt3A_154 = arith.cmpi slt, %add3A_121, %lt3A_153 : i32
      %convert_element_type3A_155 = arith.extui %lt3A_154 : i1 to i32
      %cond3A_156 = arith.constant 0 : i32
      %cond3A_157 = arith.cmpi ne, %convert_element_type3A_155, %cond3A_156 : i32
      scf.if %cond3A_157 {
        "tpu.region"() ({
          %run_scoped3A = tpu.sem_alloc : memref<!tpu.dma_semaphore, #tpu.memory_space<semaphore_mem>>
          %dma_start3A_163 = arith.constant 0 : i32
          %dma_start3A_164 = arith.constant 0 : i32
          %dma_start3A_165 = tpu.memref_slice %arg6[%dma_start3A_163, %dma_start3A_164] : memref<10240x128xf32, #tpu.memory_space<vmem_shared>> -> memref<10240x128xf32, #tpu.memory_space<vmem_shared>>
          tpu.enqueue_indirect_dma source(%arg15 : memref<128x128xf32, #tpu.memory_space<vmem>>) target(%dma_start3A_165 : memref<10240x128xf32, #tpu.memory_space<vmem_shared>>) offsets(%arg12 : memref<128xi32, #tpu.memory_space<vmem>>) semaphore(%run_scoped3A : memref<!tpu.dma_semaphore, #tpu.memory_space<semaphore_mem>>) {add = true}
          %dma_wait3A_166 = arith.constant 0 : i32
          %dma_wait3A_167 = arith.constant 0 : i32
          %dma_wait3A_168 = tpu.memref_slice %arg6[%dma_wait3A_166, %dma_wait3A_167] : memref<10240x128xf32, #tpu.memory_space<vmem_shared>> -> memref<10240x128xf32, #tpu.memory_space<vmem_shared>>
          tpu.wait_indirect_dma semaphore(%run_scoped3A : memref<!tpu.dma_semaphore, #tpu.memory_space<semaphore_mem>>) src(%arg15 : memref<128x128xf32, #tpu.memory_space<vmem>>) dst(%dma_wait3A_168 : memref<10240x128xf32, #tpu.memory_space<vmem_shared>>)
          tpu.yield
        }) : () -> ()
      } else {
      }
      %lt3A_158 = arith.constant 1250 : i32
      %lt3A_159 = arith.cmpi slt, %add3A_125, %lt3A_158 : i32
      %convert_element_type3A_160 = arith.extui %lt3A_159 : i1 to i32
      %cond3A_161 = arith.constant 0 : i32
      %cond3A_162 = arith.cmpi ne, %convert_element_type3A_160, %cond3A_161 : i32
      scf.if %cond3A_162 {
        %mul3A_163 = arith.constant 128 : i32
        %mul3A_164 = arith.muli %add3A_125, %mul3A_163 : i32
        %dma_start3A_165 = tpu.memref_slice %arg3[%mul3A_164] : memref<160000xi32, #tpu.memory_space<hbm>> -> memref<128xi32, #tpu.memory_space<hbm>>
        %dma_start3A_166 = tpu.memref_slice %arg3[%mul3A_164] : memref<160000xi32, #tpu.memory_space<hbm>> -> memref<128xi32, #tpu.memory_space<hbm>>
        tpu.enqueue_dma source(%dma_start3A_166 : memref<128xi32, #tpu.memory_space<hbm>>) target(%arg11 : memref<128xi32, #tpu.memory_space<vmem>>) target_semaphore(%arg20 : memref<!tpu.dma_semaphore, #tpu.memory_space<semaphore_mem>>)
        %dma_start3A_167 = tpu.memref_slice %arg4[%mul3A_164] : memref<160000xi32, #tpu.memory_space<hbm>> -> memref<128xi32, #tpu.memory_space<hbm>>
        %dma_start3A_168 = tpu.memref_slice %arg4[%mul3A_164] : memref<160000xi32, #tpu.memory_space<hbm>> -> memref<128xi32, #tpu.memory_space<hbm>>
        tpu.enqueue_dma source(%dma_start3A_168 : memref<128xi32, #tpu.memory_space<hbm>>) target(%arg12 : memref<128xi32, #tpu.memory_space<vmem>>) target_semaphore(%arg20 : memref<!tpu.dma_semaphore, #tpu.memory_space<semaphore_mem>>)
      } else {
      }
    }
    %scan3A_49 = arith.constant 40 : i32
    %barrier3A_50 = arith.constant 0 : index
    tpu.barrier barrier_id(%barrier3A_50)
    %scan3A_51 = arith.constant 0 : i32
    %scan3A_52 = arith.constant 5 : i32
    %scan3A_53 = arith.addi %scan3A_51, %scan3A_52 : i32
    %scan3A_54 = arith.constant 1 : i32
    scf.for %scan3A_110 = %scan3A_51 to %scan3A_53 step %scan3A_54  : i32 {
      %mul3A_111 = arith.constant 1 : i32
      %mul3A_112 = arith.muli %scan3A_110, %mul3A_111 : i32
      %add3A_113 = arith.constant 0 : i32
      %add3A_114 = arith.addi %add3A_113, %mul3A_112 : i32
      %mul3A_115 = arith.constant 640 : i32
      %mul3A_116 = arith.muli %arg1, %mul3A_115 : i32
      %mul3A_117 = arith.constant 128 : i32
      %mul3A_118 = arith.muli %add3A_114, %mul3A_117 : i32
      %add3A_119 = arith.addi %mul3A_116, %mul3A_118 : i32
      "tpu.region"() ({
        %run_scoped3A = tpu.sem_alloc : memref<!tpu.dma_semaphore, #tpu.memory_space<semaphore_mem>>
        %dma_start3A_120 = arith.constant 0 : i32
        %dma_start3A_121 = tpu.memref_slice %arg5[%add3A_18, %add3A_119, %dma_start3A_120] : memref<4x10240x128xf32, #tpu.memory_space<hbm>> -> memref<1x128x128xf32, #tpu.memory_space<hbm>>
        %dma_start3A_122 = tpu.memref_squeeze %dma_start3A_121 : memref<1x128x128xf32, #tpu.memory_space<hbm>> -> memref<128x128xf32, #tpu.memory_space<hbm>>
        %dma_start3A_123 = arith.constant 0 : i32
        %dma_start3A_124 = tpu.memref_slice %arg6[%add3A_119, %dma_start3A_123] : memref<10240x128xf32, #tpu.memory_space<vmem_shared>> -> memref<128x128xf32, #tpu.memory_space<vmem_shared>>
        tpu.enqueue_dma source(%dma_start3A_124 : memref<128x128xf32, #tpu.memory_space<vmem_shared>>) target(%dma_start3A_122 : memref<128x128xf32, #tpu.memory_space<hbm>>) target_semaphore(%run_scoped3A : memref<!tpu.dma_semaphore, #tpu.memory_space<semaphore_mem>>)
        %dma_wait3A_125 = arith.constant 0 : i32
        %dma_wait3A_126 = tpu.memref_slice %arg5[%add3A_18, %add3A_119, %dma_wait3A_125] : memref<4x10240x128xf32, #tpu.memory_space<hbm>> -> memref<1x128x128xf32, #tpu.memory_space<hbm>>
        %dma_wait3A_127 = tpu.memref_squeeze %dma_wait3A_126 : memref<1x128x128xf32, #tpu.memory_space<hbm>> -> memref<128x128xf32, #tpu.memory_space<hbm>>
        %dma_wait3A_128 = arith.constant 0 : i32
        %dma_wait3A_129 = tpu.memref_slice %arg6[%add3A_119, %dma_wait3A_128] : memref<10240x128xf32, #tpu.memory_space<vmem_shared>> -> memref<128x128xf32, #tpu.memory_space<vmem_shared>>
        tpu.wait_dma2 semaphore(%run_scoped3A : memref<!tpu.dma_semaphore, #tpu.memory_space<semaphore_mem>>) src(%dma_wait3A_129 : memref<128x128xf32, #tpu.memory_space<vmem_shared>>) dst(%dma_wait3A_127 : memref<128x128xf32, #tpu.memory_space<hbm>>)
        tpu.yield
      }) : () -> ()
    }
    %scan3A_55 = arith.constant 5 : i32
    %scan3A_56 = arith.constant 0 : i32
    %scan3A_57 = arith.constant 128 : i32
    %scan3A_58 = arith.addi %scan3A_56, %scan3A_57 : i32
    %scan3A_59 = arith.constant 1 : i32
    scf.for %scan3A_110 = %scan3A_56 to %scan3A_58 step %scan3A_59  : i32 {
      %mul3A_111 = arith.constant 1 : i32
      %mul3A_112 = arith.muli %scan3A_110, %mul3A_111 : i32
      %add3A_113 = arith.constant 0 : i32
      %add3A_114 = arith.addi %add3A_113, %mul3A_112 : i32
      %scan3A_115 = arith.constant 0 : i32
      %scan3A_116 = arith.constant 8 : i32
      %scan3A_117 = arith.addi %scan3A_115, %scan3A_116 : i32
      %scan3A_118 = arith.constant 1 : i32
      scf.for %scan3A_120 = %scan3A_115 to %scan3A_117 step %scan3A_118  : i32 {
        %mul3A_121 = arith.constant 16 : i32
        %mul3A_122 = arith.muli %scan3A_120, %mul3A_121 : i32
        %add3A_123 = arith.constant 0 : i32
        %add3A_124 = arith.addi %add3A_123, %mul3A_122 : i32
        %swap3A = arith.index_cast %add3A_114 : i32 to index
        %swap3A_125 = arith.index_cast %add3A_124 : i32 to index
        %swap3A_126 = tpu.vector_load %arg14[%swap3A, %swap3A_125] {strides = array<i32>} : memref<128x128xf32, #tpu.memory_space<vmem>>, vector<1x16xf32>,
        %swap3A_127 = vector.shape_cast %swap3A_126 : vector<1x16xf32> to vector<16xf32>
        %swap3A_128 = vector.shape_cast %broadcast_in_dim3A_0 : vector<16xf32> to vector<1x16xf32>
        tpu.vector_store %arg14[%swap3A, %swap3A_125], %swap3A_128 {strides = array<i32>} : memref<128x128xf32, #tpu.memory_space<vmem>>, vector<1x16xf32>,
      }
      %scan3A_119 = arith.constant 8 : i32
    }
    %scan3A_60 = arith.constant 128 : i32
    %scan3A_61 = arith.constant 0 : i32
    %scan3A_62 = arith.constant 5 : i32
    %scan3A_63 = arith.addi %scan3A_61, %scan3A_62 : i32
    %scan3A_64 = arith.constant 1 : i32
    scf.for %scan3A_110 = %scan3A_61 to %scan3A_63 step %scan3A_64  : i32 {
      %mul3A_111 = arith.constant 1 : i32
      %mul3A_112 = arith.muli %scan3A_110, %mul3A_111 : i32
      %add3A_113 = arith.constant 0 : i32
      %add3A_114 = arith.addi %add3A_113, %mul3A_112 : i32
      %mul3A_115 = arith.constant 640 : i32
      %mul3A_116 = arith.muli %arg1, %mul3A_115 : i32
      %mul3A_117 = arith.constant 128 : i32
      %mul3A_118 = arith.muli %add3A_114, %mul3A_117 : i32
      %add3A_119 = arith.addi %mul3A_116, %mul3A_118 : i32
      "tpu.region"() ({
        %run_scoped3A = tpu.sem_alloc : memref<!tpu.dma_semaphore, #tpu.memory_space<semaphore_mem>>
        %dma_start3A_120 = arith.constant 0 : i32
        %dma_start3A_121 = tpu.memref_slice %arg6[%add3A_119, %dma_start3A_120] : memref<10240x128xf32, #tpu.memory_space<vmem_shared>> -> memref<128x128xf32, #tpu.memory_space<vmem_shared>>
        %dma_start3A_122 = arith.constant 0 : i32
        %dma_start3A_123 = tpu.memref_slice %arg6[%add3A_119, %dma_start3A_122] : memref<10240x128xf32, #tpu.memory_space<vmem_shared>> -> memref<128x128xf32, #tpu.memory_space<vmem_shared>>
        tpu.enqueue_dma source(%arg14 : memref<128x128xf32, #tpu.memory_space<vmem>>) target(%dma_start3A_123 : memref<128x128xf32, #tpu.memory_space<vmem_shared>>) target_semaphore(%run_scoped3A : memref<!tpu.dma_semaphore, #tpu.memory_space<semaphore_mem>>)
        %dma_wait3A_124 = arith.constant 0 : i32
        %dma_wait3A_125 = tpu.memref_slice %arg6[%add3A_119, %dma_wait3A_124] : memref<10240x128xf32, #tpu.memory_space<vmem_shared>> -> memref<128x128xf32, #tpu.memory_space<vmem_shared>>
        %dma_wait3A_126 = arith.constant 0 : i32
        %dma_wait3A_127 = tpu.memref_slice %arg6[%add3A_119, %dma_wait3A_126] : memref<10240x128xf32, #tpu.memory_space<vmem_shared>> -> memref<128x128xf32, #tpu.memory_space<vmem_shared>>
        tpu.wait_dma2 semaphore(%run_scoped3A : memref<!tpu.dma_semaphore, #tpu.memory_space<semaphore_mem>>) src(%arg14 : memref<128x128xf32, #tpu.memory_space<vmem>>) dst(%dma_wait3A_127 : memref<128x128xf32, #tpu.memory_space<vmem_shared>>)
        tpu.yield
      }) : () -> ()
    }
    %scan3A_65 = arith.constant 5 : i32
    %barrier3A_66 = arith.constant 0 : index
    tpu.barrier barrier_id(%barrier3A_66)
    %mul3A_67 = arith.constant 2 : i32
    %mul3A_68 = arith.muli %arg0, %mul3A_67 : i32
    %add3A_69 = arith.constant 1 : i32
    %add3A_70 = arith.addi %mul3A_68, %add3A_69 : i32
    %mul3A_71 = arith.constant 128 : i32
    %mul3A_72 = arith.muli %arg1, %mul3A_71 : i32
    %dma_start3A_73 = tpu.memref_slice %arg3[%mul3A_72] : memref<160000xi32, #tpu.memory_space<hbm>> -> memref<128xi32, #tpu.memory_space<hbm>>
    %dma_start3A_74 = tpu.memref_slice %arg3[%mul3A_72] : memref<160000xi32, #tpu.memory_space<hbm>> -> memref<128xi32, #tpu.memory_space<hbm>>
    tpu.enqueue_dma source(%dma_start3A_74 : memref<128xi32, #tpu.memory_space<hbm>>) target(%arg8 : memref<128xi32, #tpu.memory_space<vmem>>) target_semaphore(%arg19 : memref<!tpu.dma_semaphore, #tpu.memory_space<semaphore_mem>>)
    %dma_start3A_75 = tpu.memref_slice %arg4[%mul3A_72] : memref<160000xi32, #tpu.memory_space<hbm>> -> memref<128xi32, #tpu.memory_space<hbm>>
    %dma_start3A_76 = tpu.memref_slice %arg4[%mul3A_72] : memref<160000xi32, #tpu.memory_space<hbm>> -> memref<128xi32, #tpu.memory_space<hbm>>
    tpu.enqueue_dma source(%dma_start3A_76 : memref<128xi32, #tpu.memory_space<hbm>>) target(%arg9 : memref<128xi32, #tpu.memory_space<vmem>>) target_semaphore(%arg19 : memref<!tpu.dma_semaphore, #tpu.memory_space<semaphore_mem>>)
    %mul3A_77 = arith.constant 128 : i32
    %mul3A_78 = arith.muli %arg1, %mul3A_77 : i32
    %dma_wait3A_79 = tpu.memref_slice %arg3[%mul3A_78] : memref<160000xi32, #tpu.memory_space<hbm>> -> memref<128xi32, #tpu.memory_space<hbm>>
    %dma_wait3A_80 = tpu.memref_slice %arg3[%mul3A_78] : memref<160000xi32, #tpu.memory_space<hbm>> -> memref<128xi32, #tpu.memory_space<hbm>>
    tpu.wait_dma2 semaphore(%arg19 : memref<!tpu.dma_semaphore, #tpu.memory_space<semaphore_mem>>) src(%dma_wait3A_80 : memref<128xi32, #tpu.memory_space<hbm>>) dst(%arg8 : memref<128xi32, #tpu.memory_space<vmem>>)
    %dma_wait3A_81 = tpu.memref_slice %arg4[%mul3A_78] : memref<160000xi32, #tpu.memory_space<hbm>> -> memref<128xi32, #tpu.memory_space<hbm>>
    %dma_wait3A_82 = tpu.memref_slice %arg4[%mul3A_78] : memref<160000xi32, #tpu.memory_space<hbm>> -> memref<128xi32, #tpu.memory_space<hbm>>
    tpu.wait_dma2 semaphore(%arg19 : memref<!tpu.dma_semaphore, #tpu.memory_space<semaphore_mem>>) src(%dma_wait3A_82 : memref<128xi32, #tpu.memory_space<hbm>>) dst(%arg9 : memref<128xi32, #tpu.memory_space<vmem>>)
    %scan3A_83 = arith.constant 0 : i32
    %scan3A_84 = arith.constant 8 : i32
    %scan3A_85 = arith.addi %scan3A_83, %scan3A_84 : i32
    %scan3A_86 = arith.constant 1 : i32
    scf.for %scan3A_110 = %scan3A_83 to %scan3A_85 step %scan3A_86  : i32 {
      %mul3A_111 = arith.constant 16 : i32
      %mul3A_112 = arith.muli %scan3A_110, %mul3A_111 : i32
      %add3A_113 = arith.constant 0 : i32
      %add3A_114 = arith.addi %add3A_113, %mul3A_112 : i32
      %get3A = arith.index_cast %add3A_114 : i32 to index
      %get3A_115 = tpu.vector_load %arg8[%get3A] {strides = array<i32>} : memref<128xi32, #tpu.memory_space<vmem>>, vector<16xi32>,
      %get3A_116 = vector.shape_cast %get3A_115 : vector<16xi32> to vector<16xi32>
      %mul3A_117 = arith.constant 10240 : i32
      %mul3A_118 = arith.muli %add3A_70, %mul3A_117 : i32
      %add3A_119 = vector.broadcast %mul3A_118 : i32 to vector<16xi32>
      %add3A_120 = arith.addi %get3A_116, %add3A_119 : vector<16xi32>
      %swap3A = arith.index_cast %add3A_114 : i32 to index
      %swap3A_121 = tpu.vector_load %arg10[%swap3A] {strides = array<i32>} : memref<128xi32, #tpu.memory_space<vmem>>, vector<16xi32>,
      %swap3A_122 = vector.shape_cast %swap3A_121 : vector<16xi32> to vector<16xi32>
      %swap3A_123 = vector.shape_cast %add3A_120 : vector<16xi32> to vector<16xi32>
      tpu.vector_store %arg10[%swap3A], %swap3A_123 {strides = array<i32>} : memref<128xi32, #tpu.memory_space<vmem>>, vector<16xi32>,
    }
    %scan3A_87 = arith.constant 8 : i32
    %dma_start3A_88 = arith.constant 0 : i32
    %dma_start3A_89 = arith.constant 0 : i32
    %dma_start3A_90 = tpu.memref_slice %arg2[%dma_start3A_88, %dma_start3A_89] : memref<40960x128xf32, #tpu.memory_space<hbm>> -> memref<40960x128xf32, #tpu.memory_space<hbm>>
    tpu.enqueue_indirect_dma source(%dma_start3A_90 : memref<40960x128xf32, #tpu.memory_space<hbm>>) target(%arg14 : memref<128x128xf32, #tpu.memory_space<vmem>>) offsets(%arg10 : memref<128xi32, #tpu.memory_space<vmem>>) semaphore(%arg17 : memref<!tpu.dma_semaphore, #tpu.memory_space<semaphore_mem>>)
    %add3A_91 = arith.constant 16 : i32
    %add3A_92 = arith.addi %arg1, %add3A_91 : i32
    %mul3A_93 = arith.constant 128 : i32
    %mul3A_94 = arith.muli %add3A_92, %mul3A_93 : i32
    %dma_start3A_95 = tpu.memref_slice %arg3[%mul3A_94] : memref<160000xi32, #tpu.memory_space<hbm>> -> memref<128xi32, #tpu.memory_space<hbm>>
    %dma_start3A_96 = tpu.memref_slice %arg3[%mul3A_94] : memref<160000xi32, #tpu.memory_space<hbm>> -> memref<128xi32, #tpu.memory_space<hbm>>
    tpu.enqueue_dma source(%dma_start3A_96 : memref<128xi32, #tpu.memory_space<hbm>>) target(%arg11 : memref<128xi32, #tpu.memory_space<vmem>>) target_semaphore(%arg20 : memref<!tpu.dma_semaphore, #tpu.memory_space<semaphore_mem>>)
    %dma_start3A_97 = tpu.memref_slice %arg4[%mul3A_94] : memref<160000xi32, #tpu.memory_space<hbm>> -> memref<128xi32, #tpu.memory_space<hbm>>
    %dma_start3A_98 = tpu.memref_slice %arg4[%mul3A_94] : memref<160000xi32, #tpu.memory_space<hbm>> -> memref<128xi32, #tpu.memory_space<hbm>>
    tpu.enqueue_dma source(%dma_start3A_98 : memref<128xi32, #tpu.memory_space<hbm>>) target(%arg12 : memref<128xi32, #tpu.memory_space<vmem>>) target_semaphore(%arg20 : memref<!tpu.dma_semaphore, #tpu.memory_space<semaphore_mem>>)
    %scan3A_99 = arith.constant 0 : i32
    %scan3A_100 = arith.constant 40 : i32
    %scan3A_101 = arith.addi %scan3A_99, %scan3A_100 : i32
    %scan3A_102 = arith.constant 1 : i32
    scf.for %scan3A_110 = %scan3A_99 to %scan3A_101 step %scan3A_102  : i32 {
      %mul3A_111 = arith.constant 1 : i32
      %mul3A_112 = arith.muli %scan3A_110, %mul3A_111 : i32
      %add3A_113 = arith.constant 0 : i32
      %add3A_114 = arith.addi %add3A_113, %mul3A_112 : i32
      %mul3A_115 = arith.constant 2 : i32
      %mul3A_116 = arith.muli %add3A_114, %mul3A_115 : i32
      %mul3A_117 = arith.constant 16 : i32
      %mul3A_118 = arith.muli %mul3A_116, %mul3A_117 : i32
      %add3A_119 = arith.addi %arg1, %mul3A_118 : i32
      %add3A_120 = arith.constant 16 : i32
      %add3A_121 = arith.addi %add3A_119, %add3A_120 : i32
      %add3A_122 = arith.constant 32 : i32
      %add3A_123 = arith.addi %add3A_119, %add3A_122 : i32
      %add3A_124 = arith.constant 32 : i32
      %add3A_125 = arith.addi %add3A_121, %add3A_124 : i32
      %lt3A = arith.constant 1250 : i32
      %lt3A_126 = arith.cmpi slt, %add3A_121, %lt3A : i32
      %convert_element_type3A = arith.extui %lt3A_126 : i1 to i32
      %cond3A = arith.constant 0 : i32
      %cond3A_127 = arith.cmpi ne, %convert_element_type3A, %cond3A : i32
      scf.if %cond3A_127 {
        %mul3A_163 = arith.constant 128 : i32
        %mul3A_164 = arith.muli %add3A_121, %mul3A_163 : i32
        %dma_wait3A_165 = tpu.memref_slice %arg3[%mul3A_164] : memref<160000xi32, #tpu.memory_space<hbm>> -> memref<128xi32, #tpu.memory_space<hbm>>
        %dma_wait3A_166 = tpu.memref_slice %arg3[%mul3A_164] : memref<160000xi32, #tpu.memory_space<hbm>> -> memref<128xi32, #tpu.memory_space<hbm>>
        tpu.wait_dma2 semaphore(%arg20 : memref<!tpu.dma_semaphore, #tpu.memory_space<semaphore_mem>>) src(%dma_wait3A_166 : memref<128xi32, #tpu.memory_space<hbm>>) dst(%arg11 : memref<128xi32, #tpu.memory_space<vmem>>)
        %dma_wait3A_167 = tpu.memref_slice %arg4[%mul3A_164] : memref<160000xi32, #tpu.memory_space<hbm>> -> memref<128xi32, #tpu.memory_space<hbm>>
        %dma_wait3A_168 = tpu.memref_slice %arg4[%mul3A_164] : memref<160000xi32, #tpu.memory_space<hbm>> -> memref<128xi32, #tpu.memory_space<hbm>>
        tpu.wait_dma2 semaphore(%arg20 : memref<!tpu.dma_semaphore, #tpu.memory_space<semaphore_mem>>) src(%dma_wait3A_168 : memref<128xi32, #tpu.memory_space<hbm>>) dst(%arg12 : memref<128xi32, #tpu.memory_space<vmem>>)
        %scan3A_169 = arith.constant 0 : i32
        %scan3A_170 = arith.constant 8 : i32
        %scan3A_171 = arith.addi %scan3A_169, %scan3A_170 : i32
        %scan3A_172 = arith.constant 1 : i32
        scf.for %scan3A_174 = %scan3A_169 to %scan3A_171 step %scan3A_172  : i32 {
          %mul3A_175 = arith.constant 16 : i32
          %mul3A_176 = arith.muli %scan3A_174, %mul3A_175 : i32
          %add3A_177 = arith.constant 0 : i32
          %add3A_178 = arith.addi %add3A_177, %mul3A_176 : i32
          %get3A = arith.index_cast %add3A_178 : i32 to index
          %get3A_179 = tpu.vector_load %arg11[%get3A] {strides = array<i32>} : memref<128xi32, #tpu.memory_space<vmem>>, vector<16xi32>,
          %get3A_180 = vector.shape_cast %get3A_179 : vector<16xi32> to vector<16xi32>
          %mul3A_181 = arith.constant 10240 : i32
          %mul3A_182 = arith.muli %add3A_70, %mul3A_181 : i32
          %add3A_183 = vector.broadcast %mul3A_182 : i32 to vector<16xi32>
          %add3A_184 = arith.addi %get3A_180, %add3A_183 : vector<16xi32>
          %swap3A = arith.index_cast %add3A_178 : i32 to index
          %swap3A_185 = tpu.vector_load %arg13[%swap3A] {strides = array<i32>} : memref<128xi32, #tpu.memory_space<vmem>>, vector<16xi32>,
          %swap3A_186 = vector.shape_cast %swap3A_185 : vector<16xi32> to vector<16xi32>
          %swap3A_187 = vector.shape_cast %add3A_184 : vector<16xi32> to vector<16xi32>
          tpu.vector_store %arg13[%swap3A], %swap3A_187 {strides = array<i32>} : memref<128xi32, #tpu.memory_space<vmem>>, vector<16xi32>,
        }
        %scan3A_173 = arith.constant 8 : i32
      } else {
      }
      %lt3A_128 = arith.constant 1250 : i32
      %lt3A_129 = arith.cmpi slt, %add3A_119, %lt3A_128 : i32
      %convert_element_type3A_130 = arith.extui %lt3A_129 : i1 to i32
      %cond3A_131 = arith.constant 0 : i32
      %cond3A_132 = arith.cmpi ne, %convert_element_type3A_130, %cond3A_131 : i32
      scf.if %cond3A_132 {
        %dma_wait3A_163 = arith.constant 0 : i32
        %dma_wait3A_164 = arith.constant 0 : i32
        %dma_wait3A_165 = tpu.memref_slice %arg2[%dma_wait3A_163, %dma_wait3A_164] : memref<40960x128xf32, #tpu.memory_space<hbm>> -> memref<40960x128xf32, #tpu.memory_space<hbm>>
        tpu.wait_indirect_dma semaphore(%arg17 : memref<!tpu.dma_semaphore, #tpu.memory_space<semaphore_mem>>) src(%dma_wait3A_165 : memref<40960x128xf32, #tpu.memory_space<hbm>>) dst(%arg14 : memref<128x128xf32, #tpu.memory_space<vmem>>)
      } else {
      }
      %lt3A_133 = arith.constant 1250 : i32
      %lt3A_134 = arith.cmpi slt, %add3A_121, %lt3A_133 : i32
      %convert_element_type3A_135 = arith.extui %lt3A_134 : i1 to i32
      %cond3A_136 = arith.constant 0 : i32
      %cond3A_137 = arith.cmpi ne, %convert_element_type3A_135, %cond3A_136 : i32
      scf.if %cond3A_137 {
        %dma_start3A_163 = arith.constant 0 : i32
        %dma_start3A_164 = arith.constant 0 : i32
        %dma_start3A_165 = tpu.memref_slice %arg2[%dma_start3A_163, %dma_start3A_164] : memref<40960x128xf32, #tpu.memory_space<hbm>> -> memref<40960x128xf32, #tpu.memory_space<hbm>>
        tpu.enqueue_indirect_dma source(%dma_start3A_165 : memref<40960x128xf32, #tpu.memory_space<hbm>>) target(%arg15 : memref<128x128xf32, #tpu.memory_space<vmem>>) offsets(%arg13 : memref<128xi32, #tpu.memory_space<vmem>>) semaphore(%arg18 : memref<!tpu.dma_semaphore, #tpu.memory_space<semaphore_mem>>)
      } else {
      }
      %lt3A_138 = arith.constant 1250 : i32
      %lt3A_139 = arith.cmpi slt, %add3A_119, %lt3A_138 : i32
      %convert_element_type3A_140 = arith.extui %lt3A_139 : i1 to i32
      %cond3A_141 = arith.constant 0 : i32
      %cond3A_142 = arith.cmpi ne, %convert_element_type3A_140, %cond3A_141 : i32
      scf.if %cond3A_142 {
        "tpu.region"() ({
          %run_scoped3A = tpu.sem_alloc : memref<!tpu.dma_semaphore, #tpu.memory_space<semaphore_mem>>
          %dma_start3A_163 = arith.constant 0 : i32
          %dma_start3A_164 = arith.constant 0 : i32
          %dma_start3A_165 = tpu.memref_slice %arg6[%dma_start3A_163, %dma_start3A_164] : memref<10240x128xf32, #tpu.memory_space<vmem_shared>> -> memref<10240x128xf32, #tpu.memory_space<vmem_shared>>
          tpu.enqueue_indirect_dma source(%arg14 : memref<128x128xf32, #tpu.memory_space<vmem>>) target(%dma_start3A_165 : memref<10240x128xf32, #tpu.memory_space<vmem_shared>>) offsets(%arg9 : memref<128xi32, #tpu.memory_space<vmem>>) semaphore(%run_scoped3A : memref<!tpu.dma_semaphore, #tpu.memory_space<semaphore_mem>>) {add = true}
          %dma_wait3A_166 = arith.constant 0 : i32
          %dma_wait3A_167 = arith.constant 0 : i32
          %dma_wait3A_168 = tpu.memref_slice %arg6[%dma_wait3A_166, %dma_wait3A_167] : memref<10240x128xf32, #tpu.memory_space<vmem_shared>> -> memref<10240x128xf32, #tpu.memory_space<vmem_shared>>
          tpu.wait_indirect_dma semaphore(%run_scoped3A : memref<!tpu.dma_semaphore, #tpu.memory_space<semaphore_mem>>) src(%arg14 : memref<128x128xf32, #tpu.memory_space<vmem>>) dst(%dma_wait3A_168 : memref<10240x128xf32, #tpu.memory_space<vmem_shared>>)
          tpu.yield
        }) : () -> ()
      } else {
      }
      %lt3A_143 = arith.constant 1250 : i32
      %lt3A_144 = arith.cmpi slt, %add3A_123, %lt3A_143 : i32
      %convert_element_type3A_145 = arith.extui %lt3A_144 : i1 to i32
      %cond3A_146 = arith.constant 0 : i32
      %cond3A_147 = arith.cmpi ne, %convert_element_type3A_145, %cond3A_146 : i32
      scf.if %cond3A_147 {
        %mul3A_163 = arith.constant 128 : i32
        %mul3A_164 = arith.muli %add3A_123, %mul3A_163 : i32
        %dma_start3A_165 = tpu.memref_slice %arg3[%mul3A_164] : memref<160000xi32, #tpu.memory_space<hbm>> -> memref<128xi32, #tpu.memory_space<hbm>>
        %dma_start3A_166 = tpu.memref_slice %arg3[%mul3A_164] : memref<160000xi32, #tpu.memory_space<hbm>> -> memref<128xi32, #tpu.memory_space<hbm>>
        tpu.enqueue_dma source(%dma_start3A_166 : memref<128xi32, #tpu.memory_space<hbm>>) target(%arg8 : memref<128xi32, #tpu.memory_space<vmem>>) target_semaphore(%arg19 : memref<!tpu.dma_semaphore, #tpu.memory_space<semaphore_mem>>)
        %dma_start3A_167 = tpu.memref_slice %arg4[%mul3A_164] : memref<160000xi32, #tpu.memory_space<hbm>> -> memref<128xi32, #tpu.memory_space<hbm>>
        %dma_start3A_168 = tpu.memref_slice %arg4[%mul3A_164] : memref<160000xi32, #tpu.memory_space<hbm>> -> memref<128xi32, #tpu.memory_space<hbm>>
        tpu.enqueue_dma source(%dma_start3A_168 : memref<128xi32, #tpu.memory_space<hbm>>) target(%arg9 : memref<128xi32, #tpu.memory_space<vmem>>) target_semaphore(%arg19 : memref<!tpu.dma_semaphore, #tpu.memory_space<semaphore_mem>>)
        %mul3A_169 = arith.constant 128 : i32
        %mul3A_170 = arith.muli %add3A_123, %mul3A_169 : i32
        %dma_wait3A_171 = tpu.memref_slice %arg3[%mul3A_170] : memref<160000xi32, #tpu.memory_space<hbm>> -> memref<128xi32, #tpu.memory_space<hbm>>
        %dma_wait3A_172 = tpu.memref_slice %arg3[%mul3A_170] : memref<160000xi32, #tpu.memory_space<hbm>> -> memref<128xi32, #tpu.memory_space<hbm>>
        tpu.wait_dma2 semaphore(%arg19 : memref<!tpu.dma_semaphore, #tpu.memory_space<semaphore_mem>>) src(%dma_wait3A_172 : memref<128xi32, #tpu.memory_space<hbm>>) dst(%arg8 : memref<128xi32, #tpu.memory_space<vmem>>)
        %dma_wait3A_173 = tpu.memref_slice %arg4[%mul3A_170] : memref<160000xi32, #tpu.memory_space<hbm>> -> memref<128xi32, #tpu.memory_space<hbm>>
        %dma_wait3A_174 = tpu.memref_slice %arg4[%mul3A_170] : memref<160000xi32, #tpu.memory_space<hbm>> -> memref<128xi32, #tpu.memory_space<hbm>>
        tpu.wait_dma2 semaphore(%arg19 : memref<!tpu.dma_semaphore, #tpu.memory_space<semaphore_mem>>) src(%dma_wait3A_174 : memref<128xi32, #tpu.memory_space<hbm>>) dst(%arg9 : memref<128xi32, #tpu.memory_space<vmem>>)
        %scan3A_175 = arith.constant 0 : i32
        %scan3A_176 = arith.constant 8 : i32
        %scan3A_177 = arith.addi %scan3A_175, %scan3A_176 : i32
        %scan3A_178 = arith.constant 1 : i32
        scf.for %scan3A_183 = %scan3A_175 to %scan3A_177 step %scan3A_178  : i32 {
          %mul3A_184 = arith.constant 16 : i32
          %mul3A_185 = arith.muli %scan3A_183, %mul3A_184 : i32
          %add3A_186 = arith.constant 0 : i32
          %add3A_187 = arith.addi %add3A_186, %mul3A_185 : i32
          %get3A = arith.index_cast %add3A_187 : i32 to index
          %get3A_188 = tpu.vector_load %arg8[%get3A] {strides = array<i32>} : memref<128xi32, #tpu.memory_space<vmem>>, vector<16xi32>,
          %get3A_189 = vector.shape_cast %get3A_188 : vector<16xi32> to vector<16xi32>
          %mul3A_190 = arith.constant 10240 : i32
          %mul3A_191 = arith.muli %add3A_70, %mul3A_190 : i32
          %add3A_192 = vector.broadcast %mul3A_191 : i32 to vector<16xi32>
          %add3A_193 = arith.addi %get3A_189, %add3A_192 : vector<16xi32>
          %swap3A = arith.index_cast %add3A_187 : i32 to index
          %swap3A_194 = tpu.vector_load %arg10[%swap3A] {strides = array<i32>} : memref<128xi32, #tpu.memory_space<vmem>>, vector<16xi32>,
          %swap3A_195 = vector.shape_cast %swap3A_194 : vector<16xi32> to vector<16xi32>
          %swap3A_196 = vector.shape_cast %add3A_193 : vector<16xi32> to vector<16xi32>
          tpu.vector_store %arg10[%swap3A], %swap3A_196 {strides = array<i32>} : memref<128xi32, #tpu.memory_space<vmem>>, vector<16xi32>,
        }
        %scan3A_179 = arith.constant 8 : i32
        %dma_start3A_180 = arith.constant 0 : i32
        %dma_start3A_181 = arith.constant 0 : i32
        %dma_start3A_182 = tpu.memref_slice %arg2[%dma_start3A_180, %dma_start3A_181] : memref<40960x128xf32, #tpu.memory_space<hbm>> -> memref<40960x128xf32, #tpu.memory_space<hbm>>
        tpu.enqueue_indirect_dma source(%dma_start3A_182 : memref<40960x128xf32, #tpu.memory_space<hbm>>) target(%arg14 : memref<128x128xf32, #tpu.memory_space<vmem>>) offsets(%arg10 : memref<128xi32, #tpu.memory_space<vmem>>) semaphore(%arg17 : memref<!tpu.dma_semaphore, #tpu.memory_space<semaphore_mem>>)
      } else {
      }
      %lt3A_148 = arith.constant 1250 : i32
      %lt3A_149 = arith.cmpi slt, %add3A_121, %lt3A_148 : i32
      %convert_element_type3A_150 = arith.extui %lt3A_149 : i1 to i32
      %cond3A_151 = arith.constant 0 : i32
      %cond3A_152 = arith.cmpi ne, %convert_element_type3A_150, %cond3A_151 : i32
      scf.if %cond3A_152 {
        %dma_wait3A_163 = arith.constant 0 : i32
        %dma_wait3A_164 = arith.constant 0 : i32
        %dma_wait3A_165 = tpu.memref_slice %arg2[%dma_wait3A_163, %dma_wait3A_164] : memref<40960x128xf32, #tpu.memory_space<hbm>> -> memref<40960x128xf32, #tpu.memory_space<hbm>>
        tpu.wait_indirect_dma semaphore(%arg18 : memref<!tpu.dma_semaphore, #tpu.memory_space<semaphore_mem>>) src(%dma_wait3A_165 : memref<40960x128xf32, #tpu.memory_space<hbm>>) dst(%arg15 : memref<128x128xf32, #tpu.memory_space<vmem>>)
      } else {
      }
      %lt3A_153 = arith.constant 1250 : i32
      %lt3A_154 = arith.cmpi slt, %add3A_121, %lt3A_153 : i32
      %convert_element_type3A_155 = arith.extui %lt3A_154 : i1 to i32
      %cond3A_156 = arith.constant 0 : i32
      %cond3A_157 = arith.cmpi ne, %convert_element_type3A_155, %cond3A_156 : i32
      scf.if %cond3A_157 {
        "tpu.region"() ({
          %run_scoped3A = tpu.sem_alloc : memref<!tpu.dma_semaphore, #tpu.memory_space<semaphore_mem>>
          %dma_start3A_163 = arith.constant 0 : i32
          %dma_start3A_164 = arith.constant 0 : i32
          %dma_start3A_165 = tpu.memref_slice %arg6[%dma_start3A_163, %dma_start3A_164] : memref<10240x128xf32, #tpu.memory_space<vmem_shared>> -> memref<10240x128xf32, #tpu.memory_space<vmem_shared>>
          tpu.enqueue_indirect_dma source(%arg15 : memref<128x128xf32, #tpu.memory_space<vmem>>) target(%dma_start3A_165 : memref<10240x128xf32, #tpu.memory_space<vmem_shared>>) offsets(%arg12 : memref<128xi32, #tpu.memory_space<vmem>>) semaphore(%run_scoped3A : memref<!tpu.dma_semaphore, #tpu.memory_space<semaphore_mem>>) {add = true}
          %dma_wait3A_166 = arith.constant 0 : i32
          %dma_wait3A_167 = arith.constant 0 : i32
          %dma_wait3A_168 = tpu.memref_slice %arg6[%dma_wait3A_166, %dma_wait3A_167] : memref<10240x128xf32, #tpu.memory_space<vmem_shared>> -> memref<10240x128xf32, #tpu.memory_space<vmem_shared>>
          tpu.wait_indirect_dma semaphore(%run_scoped3A : memref<!tpu.dma_semaphore, #tpu.memory_space<semaphore_mem>>) src(%arg15 : memref<128x128xf32, #tpu.memory_space<vmem>>) dst(%dma_wait3A_168 : memref<10240x128xf32, #tpu.memory_space<vmem_shared>>)
          tpu.yield
        }) : () -> ()
      } else {
      }
      %lt3A_158 = arith.constant 1250 : i32
      %lt3A_159 = arith.cmpi slt, %add3A_125, %lt3A_158 : i32
      %convert_element_type3A_160 = arith.extui %lt3A_159 : i1 to i32
      %cond3A_161 = arith.constant 0 : i32
      %cond3A_162 = arith.cmpi ne, %convert_element_type3A_160, %cond3A_161 : i32
      scf.if %cond3A_162 {
        %mul3A_163 = arith.constant 128 : i32
        %mul3A_164 = arith.muli %add3A_125, %mul3A_163 : i32
        %dma_start3A_165 = tpu.memref_slice %arg3[%mul3A_164] : memref<160000xi32, #tpu.memory_space<hbm>> -> memref<128xi32, #tpu.memory_space<hbm>>
        %dma_start3A_166 = tpu.memref_slice %arg3[%mul3A_164] : memref<160000xi32, #tpu.memory_space<hbm>> -> memref<128xi32, #tpu.memory_space<hbm>>
        tpu.enqueue_dma source(%dma_start3A_166 : memref<128xi32, #tpu.memory_space<hbm>>) target(%arg11 : memref<128xi32, #tpu.memory_space<vmem>>) target_semaphore(%arg20 : memref<!tpu.dma_semaphore, #tpu.memory_space<semaphore_mem>>)
        %dma_start3A_167 = tpu.memref_slice %arg4[%mul3A_164] : memref<160000xi32, #tpu.memory_space<hbm>> -> memref<128xi32, #tpu.memory_space<hbm>>
        %dma_start3A_168 = tpu.memref_slice %arg4[%mul3A_164] : memref<160000xi32, #tpu.memory_space<hbm>> -> memref<128xi32, #tpu.memory_space<hbm>>
        tpu.enqueue_dma source(%dma_start3A_168 : memref<128xi32, #tpu.memory_space<hbm>>) target(%arg12 : memref<128xi32, #tpu.memory_space<vmem>>) target_semaphore(%arg20 : memref<!tpu.dma_semaphore, #tpu.memory_space<semaphore_mem>>)
      } else {
      }
    }
    %scan3A_103 = arith.constant 40 : i32
    %barrier3A_104 = arith.constant 0 : index
    tpu.barrier barrier_id(%barrier3A_104)
    %scan3A_105 = arith.constant 0 : i32
    %scan3A_106 = arith.constant 5 : i32
    %scan3A_107 = arith.addi %scan3A_105, %scan3A_106 : i32
    %scan3A_108 = arith.constant 1 : i32
    scf.for %scan3A_110 = %scan3A_105 to %scan3A_107 step %scan3A_108  : i32 {
      %mul3A_111 = arith.constant 1 : i32
      %mul3A_112 = arith.muli %scan3A_110, %mul3A_111 : i32
      %add3A_113 = arith.constant 0 : i32
      %add3A_114 = arith.addi %add3A_113, %mul3A_112 : i32
      %mul3A_115 = arith.constant 640 : i32
      %mul3A_116 = arith.muli %arg1, %mul3A_115 : i32
      %mul3A_117 = arith.constant 128 : i32
      %mul3A_118 = arith.muli %add3A_114, %mul3A_117 : i32
      %add3A_119 = arith.addi %mul3A_116, %mul3A_118 : i32
      "tpu.region"() ({
        %run_scoped3A = tpu.sem_alloc : memref<!tpu.dma_semaphore, #tpu.memory_space<semaphore_mem>>
        %dma_start3A_120 = arith.constant 0 : i32
        %dma_start3A_121 = tpu.memref_slice %arg5[%add3A_70, %add3A_119, %dma_start3A_120] : memref<4x10240x128xf32, #tpu.memory_space<hbm>> -> memref<1x128x128xf32, #tpu.memory_space<hbm>>
        %dma_start3A_122 = tpu.memref_squeeze %dma_start3A_121 : memref<1x128x128xf32, #tpu.memory_space<hbm>> -> memref<128x128xf32, #tpu.memory_space<hbm>>
        %dma_start3A_123 = arith.constant 0 : i32
        %dma_start3A_124 = tpu.memref_slice %arg6[%add3A_119, %dma_start3A_123] : memref<10240x128xf32, #tpu.memory_space<vmem_shared>> -> memref<128x128xf32, #tpu.memory_space<vmem_shared>>
        tpu.enqueue_dma source(%dma_start3A_124 : memref<128x128xf32, #tpu.memory_space<vmem_shared>>) target(%dma_start3A_122 : memref<128x128xf32, #tpu.memory_space<hbm>>) target_semaphore(%run_scoped3A : memref<!tpu.dma_semaphore, #tpu.memory_space<semaphore_mem>>)
        %dma_wait3A_125 = arith.constant 0 : i32
        %dma_wait3A_126 = tpu.memref_slice %arg5[%add3A_70, %add3A_119, %dma_wait3A_125] : memref<4x10240x128xf32, #tpu.memory_space<hbm>> -> memref<1x128x128xf32, #tpu.memory_space<hbm>>
        %dma_wait3A_127 = tpu.memref_squeeze %dma_wait3A_126 : memref<1x128x128xf32, #tpu.memory_space<hbm>> -> memref<128x128xf32, #tpu.memory_space<hbm>>
        %dma_wait3A_128 = arith.constant 0 : i32
        %dma_wait3A_129 = tpu.memref_slice %arg6[%add3A_119, %dma_wait3A_128] : memref<10240x128xf32, #tpu.memory_space<vmem_shared>> -> memref<128x128xf32, #tpu.memory_space<vmem_shared>>
        tpu.wait_dma2 semaphore(%run_scoped3A : memref<!tpu.dma_semaphore, #tpu.memory_space<semaphore_mem>>) src(%dma_wait3A_129 : memref<128x128xf32, #tpu.memory_space<vmem_shared>>) dst(%dma_wait3A_127 : memref<128x128xf32, #tpu.memory_space<hbm>>)
        tpu.yield
      }) : () -> ()
    }
    %scan3A_109 = arith.constant 5 : i32
    return
  }
}

module attributes {stable_mosaic.version = 14 : i64} {
  func.func @_tc_lin_r_body(%arg0: i32, %arg1: memref<512x256xf32, #tpu.memory_space<vmem>>, %arg2: memref<512x256xf32, #tpu.memory_space<vmem>>, %arg3: memref<512x512xf32, #tpu.memory_space<vmem>>) attributes {dimension_semantics = [#tpu.dimension_semantics<arbitrary>], iteration_bounds = array<i64: 20>, scalar_prefetch = 0 : i64, scratch_operands = 0 : i64, tpu.core_type = #tpu.core_type<tc>, window_params = [{transform_indices = @transform_0, window_bounds = array<i64: 512, 256>}, {pipeline_mode = #tpu.pipeline_mode<synchronous>, transform_indices = @transform_1, window_bounds = array<i64: 512, 256>}, {transform_indices = @transform_2, window_bounds = array<i64: 512, 512>}]} {
    %get3A = arith.constant 0 : index
    %get3A_0 = arith.constant 0 : index
    %get3A_1 = vector.load %arg1[%get3A, %get3A_0] : memref<512x256xf32, #tpu.memory_space<vmem>>, vector<512x256xf32>
    %get3A_2 = arith.constant 0 : index
    %get3A_3 = arith.constant 0 : index
    %get3A_4 = vector.load %arg2[%get3A_2, %get3A_3] : memref<512x256xf32, #tpu.memory_space<vmem>>, vector<512x256xf32>
    %convert_element_type3A = arith.truncf %get3A_1 : vector<512x256xf32> to vector<512x256xbf16>
    %convert_element_type3A_5 = arith.extf %convert_element_type3A : vector<512x256xbf16> to vector<512x256xf32>
    %sub3A = arith.subf %get3A_1, %convert_element_type3A_5 : vector<512x256xf32>
    %convert_element_type3A_6 = arith.truncf %sub3A : vector<512x256xf32> to vector<512x256xbf16>
    %convert_element_type3A_7 = arith.truncf %get3A_4 : vector<512x256xf32> to vector<512x256xbf16>
    %convert_element_type3A_8 = arith.extf %convert_element_type3A_7 : vector<512x256xbf16> to vector<512x256xf32>
    %sub3A_9 = arith.subf %get3A_4, %convert_element_type3A_8 : vector<512x256xf32>
    %convert_element_type3A_10 = arith.truncf %sub3A_9 : vector<512x256xf32> to vector<512x256xbf16>
    %dot_general3A = arith.constant dense<0.000000e+00> : vector<512x512xf32>
    %dot_general3A_11 = tpu.matmul %convert_element_type3A, %convert_element_type3A_7, %dot_general3A {dimension_numbers = #tpu.dot_dimension_numbers<[1], [1], [0], [0], [0, 0, 1, 0], [], []>, transpose_lhs_hint = false} : vector<512x256xbf16>, vector<512x256xbf16>, vector<512x512xf32> -> vector<512x512xf32>
    %dot_general3A_12 = arith.constant dense<0.000000e+00> : vector<512x512xf32>
    %dot_general3A_13 = tpu.matmul %convert_element_type3A, %convert_element_type3A_10, %dot_general3A_12 {dimension_numbers = #tpu.dot_dimension_numbers<[1], [1], [0], [0], [0, 0, 1, 0], [], []>, transpose_lhs_hint = false} : vector<512x256xbf16>, vector<512x256xbf16>, vector<512x512xf32> -> vector<512x512xf32>
    %dot_general3A_14 = arith.constant dense<0.000000e+00> : vector<512x512xf32>
    %dot_general3A_15 = tpu.matmul %convert_element_type3A_6, %convert_element_type3A_7, %dot_general3A_14 {dimension_numbers = #tpu.dot_dimension_numbers<[1], [1], [0], [0], [0, 0, 1, 0], [], []>, transpose_lhs_hint = false} : vector<512x256xbf16>, vector<512x256xbf16>, vector<512x512xf32> -> vector<512x512xf32>
    %add3A = arith.addf %dot_general3A_13, %dot_general3A_15 : vector<512x512xf32>
    %add3A_16 = arith.addf %dot_general3A_11, %add3A : vector<512x512xf32>
    %swap3A = arith.constant 0 : index
    %swap3A_17 = arith.constant 0 : index
    %swap3A_18 = vector.load %arg3[%swap3A, %swap3A_17] : memref<512x512xf32, #tpu.memory_space<vmem>>, vector<512x512xf32>
    tpu.vector_store %arg3[%swap3A, %swap3A_17], %add3A_16 {strides = array<i32>} : memref<512x512xf32, #tpu.memory_space<vmem>>, vector<512x512xf32>,
    return
  }
  func.func @transform_0(%arg0: i32) -> (i32, i32) {
    %c0_i32 = arith.constant 0 : i32
    %c0_i32_0 = arith.constant 0 : i32
    return %arg0, %c0_i32 : i32, i32
  }
  func.func @transform_1(%arg0: i32) -> (i32, i32) {
    %c0_i32 = arith.constant 0 : i32
    %c0_i32_0 = arith.constant 0 : i32
    %c0_i32_1 = arith.constant 0 : i32
    return %c0_i32, %c0_i32_0 : i32, i32
  }
  func.func @transform_2(%arg0: i32) -> (i32, i32) {
    %c0_i32 = arith.constant 0 : i32
    %c0_i32_0 = arith.constant 0 : i32
    return %arg0, %c0_i32 : i32, i32
  }
}

module attributes {stable_mosaic.version = 14 : i64} {
  func.func @_tc_layer_body(%arg0: i32, %arg1: memref<2x512x128xf32, #tpu.memory_space<vmem>>, %arg2: memref<512x1xf32, #tpu.memory_space<vmem>>, %arg3: memref<512x512xf32, #tpu.memory_space<vmem>>, %arg4: memref<512x256xf32, #tpu.memory_space<vmem>>, %arg5: memref<1x512xf32, #tpu.memory_space<vmem>>, %arg6: memref<4x512x128xf32, #tpu.memory_space<vmem>>) attributes {dimension_semantics = [#tpu.dimension_semantics<arbitrary>], iteration_bounds = array<i64: 20>, scalar_prefetch = 0 : i64, scratch_operands = 0 : i64, tpu.core_type = #tpu.core_type<tc>, window_params = [{transform_indices = @transform_0, window_bounds = array<i64: 2, 512, 128>}, {transform_indices = @transform_1, window_bounds = array<i64: 512, 1>}, {transform_indices = @transform_2, window_bounds = array<i64: 512, 512>}, {pipeline_mode = #tpu.pipeline_mode<synchronous>, transform_indices = @transform_3, window_bounds = array<i64: 512, 256>}, {pipeline_mode = #tpu.pipeline_mode<synchronous>, transform_indices = @transform_4, window_bounds = array<i64: 1, 512>}, {transform_indices = @transform_5, window_bounds = array<i64: 4, 512, 128>}]} {
    %get3A = arith.constant 0 : index
    %get3A_0 = arith.constant 0 : index
    %get3A_1 = arith.constant 0 : index
    %get3A_2 = vector.load %arg1[%get3A, %get3A_0, %get3A_1] : memref<2x512x128xf32, #tpu.memory_space<vmem>>, vector<1x512x128xf32>
    %get3A_3 = vector.shape_cast %get3A_2 : vector<1x512x128xf32> to vector<512x128xf32>
    %get3A_4 = arith.constant 1 : index
    %get3A_5 = arith.constant 0 : index
    %get3A_6 = arith.constant 0 : index
    %get3A_7 = vector.load %arg1[%get3A_4, %get3A_5, %get3A_6] : memref<2x512x128xf32, #tpu.memory_space<vmem>>, vector<1x512x128xf32>
    %get3A_8 = vector.shape_cast %get3A_7 : vector<1x512x128xf32> to vector<512x128xf32>
    %concatenate3A = tpu.concatenate %get3A_3, %get3A_8 in 1 : vector<512x128xf32>, vector<512x128xf32> -> vector<512x256xf32>
    %get3A_9 = arith.constant 0 : index
    %get3A_10 = arith.constant 0 : index
    %get3A_11 = vector.load %arg4[%get3A_9, %get3A_10] : memref<512x256xf32, #tpu.memory_space<vmem>>, vector<512x256xf32>
    %convert_element_type3A = arith.truncf %concatenate3A : vector<512x256xf32> to vector<512x256xbf16>
    %convert_element_type3A_12 = arith.extf %convert_element_type3A : vector<512x256xbf16> to vector<512x256xf32>
    %sub3A = arith.subf %concatenate3A, %convert_element_type3A_12 : vector<512x256xf32>
    %convert_element_type3A_13 = arith.truncf %sub3A : vector<512x256xf32> to vector<512x256xbf16>
    %convert_element_type3A_14 = arith.truncf %get3A_11 : vector<512x256xf32> to vector<512x256xbf16>
    %convert_element_type3A_15 = arith.extf %convert_element_type3A_14 : vector<512x256xbf16> to vector<512x256xf32>
    %sub3A_16 = arith.subf %get3A_11, %convert_element_type3A_15 : vector<512x256xf32>
    %convert_element_type3A_17 = arith.truncf %sub3A_16 : vector<512x256xf32> to vector<512x256xbf16>
    %dot_general3A = arith.constant dense<0.000000e+00> : vector<512x512xf32>
    %dot_general3A_18 = tpu.matmul %convert_element_type3A, %convert_element_type3A_14, %dot_general3A {dimension_numbers = #tpu.dot_dimension_numbers<[1], [1], [0], [0], [0, 0, 1, 0], [], []>, transpose_lhs_hint = false} : vector<512x256xbf16>, vector<512x256xbf16>, vector<512x512xf32> -> vector<512x512xf32>
    %dot_general3A_19 = arith.constant dense<0.000000e+00> : vector<512x512xf32>
    %dot_general3A_20 = tpu.matmul %convert_element_type3A, %convert_element_type3A_17, %dot_general3A_19 {dimension_numbers = #tpu.dot_dimension_numbers<[1], [1], [0], [0], [0, 0, 1, 0], [], []>, transpose_lhs_hint = false} : vector<512x256xbf16>, vector<512x256xbf16>, vector<512x512xf32> -> vector<512x512xf32>
    %dot_general3A_21 = arith.constant dense<0.000000e+00> : vector<512x512xf32>
    %dot_general3A_22 = tpu.matmul %convert_element_type3A_13, %convert_element_type3A_14, %dot_general3A_21 {dimension_numbers = #tpu.dot_dimension_numbers<[1], [1], [0], [0], [0, 0, 1, 0], [], []>, transpose_lhs_hint = false} : vector<512x256xbf16>, vector<512x256xbf16>, vector<512x512xf32> -> vector<512x512xf32>
    %add3A = arith.addf %dot_general3A_20, %dot_general3A_22 : vector<512x512xf32>
    %add3A_23 = arith.addf %dot_general3A_18, %add3A : vector<512x512xf32>
    %get3A_24 = arith.constant 0 : index
    %get3A_25 = arith.constant 0 : index
    %get3A_26 = vector.load %arg2[%get3A_24, %get3A_25] : memref<512x1xf32, #tpu.memory_space<vmem>>, vector<512x1xf32>
    %mul3A = vector.broadcast %get3A_26 : vector<512x1xf32> to vector<512x512xf32>
    %mul3A_27 = arith.mulf %add3A_23, %mul3A : vector<512x512xf32>
    %get3A_28 = arith.constant 0 : index
    %get3A_29 = arith.constant 0 : index
    %get3A_30 = vector.load %arg3[%get3A_28, %get3A_29] : memref<512x512xf32, #tpu.memory_space<vmem>>, vector<512x512xf32>
    %add3A_31 = arith.addf %mul3A_27, %get3A_30 : vector<512x512xf32>
    %get3A_32 = arith.constant 0 : index
    %get3A_33 = arith.constant 0 : index
    %get3A_34 = vector.load %arg5[%get3A_32, %get3A_33] : memref<1x512xf32, #tpu.memory_space<vmem>>, vector<1x512xf32>
    %add3A_35 = vector.broadcast %get3A_34 : vector<1x512xf32> to vector<512x512xf32>
    %add3A_36 = arith.addf %add3A_31, %add3A_35 : vector<512x512xf32>
    %max3A = arith.constant 0.000000e+00 : f32
    %max3A_37 = vector.broadcast %max3A : f32 to vector<512x512xf32>
    %max3A_38 = arith.maximumf %add3A_36, %max3A_37 : vector<512x512xf32>
    %slice3A = vector.extract_strided_slice %max3A_38 {offsets = [0, 0], sizes = [512, 128], strides = [1, 1]} : vector<512x512xf32> to vector<512x128xf32>
    %swap3A = arith.constant 0 : index
    %swap3A_39 = arith.constant 0 : index
    %swap3A_40 = arith.constant 0 : index
    %swap3A_41 = vector.load %arg6[%swap3A, %swap3A_39, %swap3A_40] : memref<4x512x128xf32, #tpu.memory_space<vmem>>, vector<1x512x128xf32>
    %swap3A_42 = vector.shape_cast %swap3A_41 : vector<1x512x128xf32> to vector<512x128xf32>
    %swap3A_43 = vector.shape_cast %slice3A : vector<512x128xf32> to vector<1x512x128xf32>
    tpu.vector_store %arg6[%swap3A, %swap3A_39, %swap3A_40], %swap3A_43 {strides = array<i32>} : memref<4x512x128xf32, #tpu.memory_space<vmem>>, vector<1x512x128xf32>,
    %slice3A_44 = vector.extract_strided_slice %max3A_38 {offsets = [0, 128], sizes = [512, 128], strides = [1, 1]} : vector<512x512xf32> to vector<512x128xf32>
    %swap3A_45 = arith.constant 1 : index
    %swap3A_46 = arith.constant 0 : index
    %swap3A_47 = arith.constant 0 : index
    %swap3A_48 = vector.load %arg6[%swap3A_45, %swap3A_46, %swap3A_47] : memref<4x512x128xf32, #tpu.memory_space<vmem>>, vector<1x512x128xf32>
    %swap3A_49 = vector.shape_cast %swap3A_48 : vector<1x512x128xf32> to vector<512x128xf32>
    %swap3A_50 = vector.shape_cast %slice3A_44 : vector<512x128xf32> to vector<1x512x128xf32>
    tpu.vector_store %arg6[%swap3A_45, %swap3A_46, %swap3A_47], %swap3A_50 {strides = array<i32>} : memref<4x512x128xf32, #tpu.memory_space<vmem>>, vector<1x512x128xf32>,
    %slice3A_51 = vector.extract_strided_slice %max3A_38 {offsets = [0, 256], sizes = [512, 128], strides = [1, 1]} : vector<512x512xf32> to vector<512x128xf32>
    %swap3A_52 = arith.constant 2 : index
    %swap3A_53 = arith.constant 0 : index
    %swap3A_54 = arith.constant 0 : index
    %swap3A_55 = vector.load %arg6[%swap3A_52, %swap3A_53, %swap3A_54] : memref<4x512x128xf32, #tpu.memory_space<vmem>>, vector<1x512x128xf32>
    %swap3A_56 = vector.shape_cast %swap3A_55 : vector<1x512x128xf32> to vector<512x128xf32>
    %swap3A_57 = vector.shape_cast %slice3A_51 : vector<512x128xf32> to vector<1x512x128xf32>
    tpu.vector_store %arg6[%swap3A_52, %swap3A_53, %swap3A_54], %swap3A_57 {strides = array<i32>} : memref<4x512x128xf32, #tpu.memory_space<vmem>>, vector<1x512x128xf32>,
    %slice3A_58 = vector.extract_strided_slice %max3A_38 {offsets = [0, 384], sizes = [512, 128], strides = [1, 1]} : vector<512x512xf32> to vector<512x128xf32>
    %swap3A_59 = arith.constant 3 : index
    %swap3A_60 = arith.constant 0 : index
    %swap3A_61 = arith.constant 0 : index
    %swap3A_62 = vector.load %arg6[%swap3A_59, %swap3A_60, %swap3A_61] : memref<4x512x128xf32, #tpu.memory_space<vmem>>, vector<1x512x128xf32>
    %swap3A_63 = vector.shape_cast %swap3A_62 : vector<1x512x128xf32> to vector<512x128xf32>
    %swap3A_64 = vector.shape_cast %slice3A_58 : vector<512x128xf32> to vector<1x512x128xf32>
    tpu.vector_store %arg6[%swap3A_59, %swap3A_60, %swap3A_61], %swap3A_64 {strides = array<i32>} : memref<4x512x128xf32, #tpu.memory_space<vmem>>, vector<1x512x128xf32>,
    return
  }
  func.func @transform_0(%arg0: i32) -> (i32, i32, i32) {
    %c0_i32 = arith.constant 0 : i32
    %c0_i32_0 = arith.constant 0 : i32
    %c0_i32_1 = arith.constant 0 : i32
    return %c0_i32, %arg0, %c0_i32_0 : i32, i32, i32
  }
  func.func @transform_1(%arg0: i32) -> (i32, i32) {
    %c0_i32 = arith.constant 0 : i32
    %c0_i32_0 = arith.constant 0 : i32
    return %arg0, %c0_i32 : i32, i32
  }
  func.func @transform_2(%arg0: i32) -> (i32, i32) {
    %c0_i32 = arith.constant 0 : i32
    %c0_i32_0 = arith.constant 0 : i32
    return %arg0, %c0_i32 : i32, i32
  }
  func.func @transform_3(%arg0: i32) -> (i32, i32) {
    %c0_i32 = arith.constant 0 : i32
    %c0_i32_0 = arith.constant 0 : i32
    %c0_i32_1 = arith.constant 0 : i32
    return %c0_i32, %c0_i32_0 : i32, i32
  }
  func.func @transform_4(%arg0: i32) -> (i32, i32) {
    %c0_i32 = arith.constant 0 : i32
    %c0_i32_0 = arith.constant 0 : i32
    %c0_i32_1 = arith.constant 0 : i32
    return %c0_i32, %c0_i32_0 : i32, i32
  }
  func.func @transform_5(%arg0: i32) -> (i32, i32, i32) {
    %c0_i32 = arith.constant 0 : i32
    %c0_i32_0 = arith.constant 0 : i32
    %c0_i32_1 = arith.constant 0 : i32
    return %c0_i32, %arg0, %c0_i32_0 : i32, i32, i32
  }
}

module attributes {stable_mosaic.version = 14 : i64} {
  func.func @_tc_lin_rc_body(%arg0: i32, %arg1: memref<4x512x128xf32, #tpu.memory_space<vmem>>, %arg2: memref<512x512xf32, #tpu.memory_space<vmem>>, %arg3: memref<512x512xf32, #tpu.memory_space<vmem>>) attributes {dimension_semantics = [#tpu.dimension_semantics<arbitrary>], iteration_bounds = array<i64: 20>, scalar_prefetch = 0 : i64, scratch_operands = 0 : i64, tpu.core_type = #tpu.core_type<tc>, window_params = [{transform_indices = @transform_0, window_bounds = array<i64: 4, 512, 128>}, {pipeline_mode = #tpu.pipeline_mode<synchronous>, transform_indices = @transform_1, window_bounds = array<i64: 512, 512>}, {transform_indices = @transform_2, window_bounds = array<i64: 512, 512>}]} {
    %get3A = arith.constant 0 : index
    %get3A_0 = arith.constant 0 : index
    %get3A_1 = arith.constant 0 : index
    %get3A_2 = vector.load %arg1[%get3A, %get3A_0, %get3A_1] : memref<4x512x128xf32, #tpu.memory_space<vmem>>, vector<1x512x128xf32>
    %get3A_3 = vector.shape_cast %get3A_2 : vector<1x512x128xf32> to vector<512x128xf32>
    %get3A_4 = arith.constant 1 : index
    %get3A_5 = arith.constant 0 : index
    %get3A_6 = arith.constant 0 : index
    %get3A_7 = vector.load %arg1[%get3A_4, %get3A_5, %get3A_6] : memref<4x512x128xf32, #tpu.memory_space<vmem>>, vector<1x512x128xf32>
    %get3A_8 = vector.shape_cast %get3A_7 : vector<1x512x128xf32> to vector<512x128xf32>
    %get3A_9 = arith.constant 2 : index
    %get3A_10 = arith.constant 0 : index
    %get3A_11 = arith.constant 0 : index
    %get3A_12 = vector.load %arg1[%get3A_9, %get3A_10, %get3A_11] : memref<4x512x128xf32, #tpu.memory_space<vmem>>, vector<1x512x128xf32>
    %get3A_13 = vector.shape_cast %get3A_12 : vector<1x512x128xf32> to vector<512x128xf32>
    %get3A_14 = arith.constant 3 : index
    %get3A_15 = arith.constant 0 : index
    %get3A_16 = arith.constant 0 : index
    %get3A_17 = vector.load %arg1[%get3A_14, %get3A_15, %get3A_16] : memref<4x512x128xf32, #tpu.memory_space<vmem>>, vector<1x512x128xf32>
    %get3A_18 = vector.shape_cast %get3A_17 : vector<1x512x128xf32> to vector<512x128xf32>
    %concatenate3A = tpu.concatenate %get3A_3, %get3A_8, %get3A_13, %get3A_18 in 1 : vector<512x128xf32>, vector<512x128xf32>, vector<512x128xf32>, vector<512x128xf32> -> vector<512x512xf32>
    %get3A_19 = arith.constant 0 : index
    %get3A_20 = arith.constant 0 : index
    %get3A_21 = vector.load %arg2[%get3A_19, %get3A_20] : memref<512x512xf32, #tpu.memory_space<vmem>>, vector<512x512xf32>
    %convert_element_type3A = arith.truncf %concatenate3A : vector<512x512xf32> to vector<512x512xbf16>
    %convert_element_type3A_22 = arith.extf %convert_element_type3A : vector<512x512xbf16> to vector<512x512xf32>
    %sub3A = arith.subf %concatenate3A, %convert_element_type3A_22 : vector<512x512xf32>
    %convert_element_type3A_23 = arith.truncf %sub3A : vector<512x512xf32> to vector<512x512xbf16>
    %convert_element_type3A_24 = arith.truncf %get3A_21 : vector<512x512xf32> to vector<512x512xbf16>
    %convert_element_type3A_25 = arith.extf %convert_element_type3A_24 : vector<512x512xbf16> to vector<512x512xf32>
    %sub3A_26 = arith.subf %get3A_21, %convert_element_type3A_25 : vector<512x512xf32>
    %convert_element_type3A_27 = arith.truncf %sub3A_26 : vector<512x512xf32> to vector<512x512xbf16>
    %dot_general3A = arith.constant dense<0.000000e+00> : vector<512x512xf32>
    %dot_general3A_28 = tpu.matmul %convert_element_type3A, %convert_element_type3A_24, %dot_general3A {dimension_numbers = #tpu.dot_dimension_numbers<[1], [1], [0], [0], [0, 0, 1, 0], [], []>, transpose_lhs_hint = false} : vector<512x512xbf16>, vector<512x512xbf16>, vector<512x512xf32> -> vector<512x512xf32>
    %dot_general3A_29 = arith.constant dense<0.000000e+00> : vector<512x512xf32>
    %dot_general3A_30 = tpu.matmul %convert_element_type3A, %convert_element_type3A_27, %dot_general3A_29 {dimension_numbers = #tpu.dot_dimension_numbers<[1], [1], [0], [0], [0, 0, 1, 0], [], []>, transpose_lhs_hint = false} : vector<512x512xbf16>, vector<512x512xbf16>, vector<512x512xf32> -> vector<512x512xf32>
    %dot_general3A_31 = arith.constant dense<0.000000e+00> : vector<512x512xf32>
    %dot_general3A_32 = tpu.matmul %convert_element_type3A_23, %convert_element_type3A_24, %dot_general3A_31 {dimension_numbers = #tpu.dot_dimension_numbers<[1], [1], [0], [0], [0, 0, 1, 0], [], []>, transpose_lhs_hint = false} : vector<512x512xbf16>, vector<512x512xbf16>, vector<512x512xf32> -> vector<512x512xf32>
    %add3A = arith.addf %dot_general3A_30, %dot_general3A_32 : vector<512x512xf32>
    %add3A_33 = arith.addf %dot_general3A_28, %add3A : vector<512x512xf32>
    %swap3A = arith.constant 0 : index
    %swap3A_34 = arith.constant 0 : index
    %swap3A_35 = vector.load %arg3[%swap3A, %swap3A_34] : memref<512x512xf32, #tpu.memory_space<vmem>>, vector<512x512xf32>
    tpu.vector_store %arg3[%swap3A, %swap3A_34], %add3A_33 {strides = array<i32>} : memref<512x512xf32, #tpu.memory_space<vmem>>, vector<512x512xf32>,
    return
  }
  func.func @transform_0(%arg0: i32) -> (i32, i32, i32) {
    %c0_i32 = arith.constant 0 : i32
    %c0_i32_0 = arith.constant 0 : i32
    %c0_i32_1 = arith.constant 0 : i32
    return %c0_i32, %arg0, %c0_i32_0 : i32, i32, i32
  }
  func.func @transform_1(%arg0: i32) -> (i32, i32) {
    %c0_i32 = arith.constant 0 : i32
    %c0_i32_0 = arith.constant 0 : i32
    %c0_i32_1 = arith.constant 0 : i32
    return %c0_i32, %c0_i32_0 : i32, i32
  }
  func.func @transform_2(%arg0: i32) -> (i32, i32) {
    %c0_i32 = arith.constant 0 : i32
    %c0_i32_0 = arith.constant 0 : i32
    return %arg0, %c0_i32 : i32, i32
  }
}

module attributes {stable_mosaic.version = 14 : i64} {
  func.func @_tc_layer_body(%arg0: i32, %arg1: memref<4x512x128xf32, #tpu.memory_space<vmem>>, %arg2: memref<512x1xf32, #tpu.memory_space<vmem>>, %arg3: memref<512x512xf32, #tpu.memory_space<vmem>>, %arg4: memref<512x512xf32, #tpu.memory_space<vmem>>, %arg5: memref<1x512xf32, #tpu.memory_space<vmem>>, %arg6: memref<16x512xf32, #tpu.memory_space<vmem>>, %arg7: memref<1x16xf32, #tpu.memory_space<vmem>>, %arg8: memref<512x16xf32, #tpu.memory_space<vmem>>) attributes {dimension_semantics = [#tpu.dimension_semantics<arbitrary>], iteration_bounds = array<i64: 20>, scalar_prefetch = 0 : i64, scratch_operands = 0 : i64, tpu.core_type = #tpu.core_type<tc>, window_params = [{transform_indices = @transform_0, window_bounds = array<i64: 4, 512, 128>}, {transform_indices = @transform_1, window_bounds = array<i64: 512, 1>}, {transform_indices = @transform_2, window_bounds = array<i64: 512, 512>}, {pipeline_mode = #tpu.pipeline_mode<synchronous>, transform_indices = @transform_3, window_bounds = array<i64: 512, 512>}, {pipeline_mode = #tpu.pipeline_mode<synchronous>, transform_indices = @transform_4, window_bounds = array<i64: 1, 512>}, {pipeline_mode = #tpu.pipeline_mode<synchronous>, transform_indices = @transform_5, window_bounds = array<i64: 16, 512>}, {pipeline_mode = #tpu.pipeline_mode<synchronous>, transform_indices = @transform_6, window_bounds = array<i64: 1, 16>}, {transform_indices = @transform_7, window_bounds = array<i64: 512, 16>}]} {
    %get3A = arith.constant 0 : index
    %get3A_0 = arith.constant 0 : index
    %get3A_1 = arith.constant 0 : index
    %get3A_2 = vector.load %arg1[%get3A, %get3A_0, %get3A_1] : memref<4x512x128xf32, #tpu.memory_space<vmem>>, vector<1x512x128xf32>
    %get3A_3 = vector.shape_cast %get3A_2 : vector<1x512x128xf32> to vector<512x128xf32>
    %get3A_4 = arith.constant 1 : index
    %get3A_5 = arith.constant 0 : index
    %get3A_6 = arith.constant 0 : index
    %get3A_7 = vector.load %arg1[%get3A_4, %get3A_5, %get3A_6] : memref<4x512x128xf32, #tpu.memory_space<vmem>>, vector<1x512x128xf32>
    %get3A_8 = vector.shape_cast %get3A_7 : vector<1x512x128xf32> to vector<512x128xf32>
    %get3A_9 = arith.constant 2 : index
    %get3A_10 = arith.constant 0 : index
    %get3A_11 = arith.constant 0 : index
    %get3A_12 = vector.load %arg1[%get3A_9, %get3A_10, %get3A_11] : memref<4x512x128xf32, #tpu.memory_space<vmem>>, vector<1x512x128xf32>
    %get3A_13 = vector.shape_cast %get3A_12 : vector<1x512x128xf32> to vector<512x128xf32>
    %get3A_14 = arith.constant 3 : index
    %get3A_15 = arith.constant 0 : index
    %get3A_16 = arith.constant 0 : index
    %get3A_17 = vector.load %arg1[%get3A_14, %get3A_15, %get3A_16] : memref<4x512x128xf32, #tpu.memory_space<vmem>>, vector<1x512x128xf32>
    %get3A_18 = vector.shape_cast %get3A_17 : vector<1x512x128xf32> to vector<512x128xf32>
    %concatenate3A = tpu.concatenate %get3A_3, %get3A_8, %get3A_13, %get3A_18 in 1 : vector<512x128xf32>, vector<512x128xf32>, vector<512x128xf32>, vector<512x128xf32> -> vector<512x512xf32>
    %get3A_19 = arith.constant 0 : index
    %get3A_20 = arith.constant 0 : index
    %get3A_21 = vector.load %arg4[%get3A_19, %get3A_20] : memref<512x512xf32, #tpu.memory_space<vmem>>, vector<512x512xf32>
    %convert_element_type3A = arith.truncf %concatenate3A : vector<512x512xf32> to vector<512x512xbf16>
    %convert_element_type3A_22 = arith.extf %convert_element_type3A : vector<512x512xbf16> to vector<512x512xf32>
    %sub3A = arith.subf %concatenate3A, %convert_element_type3A_22 : vector<512x512xf32>
    %convert_element_type3A_23 = arith.truncf %sub3A : vector<512x512xf32> to vector<512x512xbf16>
    %convert_element_type3A_24 = arith.truncf %get3A_21 : vector<512x512xf32> to vector<512x512xbf16>
    %convert_element_type3A_25 = arith.extf %convert_element_type3A_24 : vector<512x512xbf16> to vector<512x512xf32>
    %sub3A_26 = arith.subf %get3A_21, %convert_element_type3A_25 : vector<512x512xf32>
    %convert_element_type3A_27 = arith.truncf %sub3A_26 : vector<512x512xf32> to vector<512x512xbf16>
    %dot_general3A = arith.constant dense<0.000000e+00> : vector<512x512xf32>
    %dot_general3A_28 = tpu.matmul %convert_element_type3A, %convert_element_type3A_24, %dot_general3A {dimension_numbers = #tpu.dot_dimension_numbers<[1], [1], [0], [0], [0, 0, 1, 0], [], []>, transpose_lhs_hint = false} : vector<512x512xbf16>, vector<512x512xbf16>, vector<512x512xf32> -> vector<512x512xf32>
    %dot_general3A_29 = arith.constant dense<0.000000e+00> : vector<512x512xf32>
    %dot_general3A_30 = tpu.matmul %convert_element_type3A, %convert_element_type3A_27, %dot_general3A_29 {dimension_numbers = #tpu.dot_dimension_numbers<[1], [1], [0], [0], [0, 0, 1, 0], [], []>, transpose_lhs_hint = false} : vector<512x512xbf16>, vector<512x512xbf16>, vector<512x512xf32> -> vector<512x512xf32>
    %dot_general3A_31 = arith.constant dense<0.000000e+00> : vector<512x512xf32>
    %dot_general3A_32 = tpu.matmul %convert_element_type3A_23, %convert_element_type3A_24, %dot_general3A_31 {dimension_numbers = #tpu.dot_dimension_numbers<[1], [1], [0], [0], [0, 0, 1, 0], [], []>, transpose_lhs_hint = false} : vector<512x512xbf16>, vector<512x512xbf16>, vector<512x512xf32> -> vector<512x512xf32>
    %add3A = arith.addf %dot_general3A_30, %dot_general3A_32 : vector<512x512xf32>
    %add3A_33 = arith.addf %dot_general3A_28, %add3A : vector<512x512xf32>
    %get3A_34 = arith.constant 0 : index
    %get3A_35 = arith.constant 0 : index
    %get3A_36 = vector.load %arg2[%get3A_34, %get3A_35] : memref<512x1xf32, #tpu.memory_space<vmem>>, vector<512x1xf32>
    %mul3A = vector.broadcast %get3A_36 : vector<512x1xf32> to vector<512x512xf32>
    %mul3A_37 = arith.mulf %add3A_33, %mul3A : vector<512x512xf32>
    %get3A_38 = arith.constant 0 : index
    %get3A_39 = arith.constant 0 : index
    %get3A_40 = vector.load %arg3[%get3A_38, %get3A_39] : memref<512x512xf32, #tpu.memory_space<vmem>>, vector<512x512xf32>
    %add3A_41 = arith.addf %mul3A_37, %get3A_40 : vector<512x512xf32>
    %get3A_42 = arith.constant 0 : index
    %get3A_43 = arith.constant 0 : index
    %get3A_44 = vector.load %arg5[%get3A_42, %get3A_43] : memref<1x512xf32, #tpu.memory_space<vmem>>, vector<1x512xf32>
    %add3A_45 = vector.broadcast %get3A_44 : vector<1x512xf32> to vector<512x512xf32>
    %add3A_46 = arith.addf %add3A_41, %add3A_45 : vector<512x512xf32>
    %max3A = arith.constant 0.000000e+00 : f32
    %max3A_47 = vector.broadcast %max3A : f32 to vector<512x512xf32>
    %max3A_48 = arith.maximumf %add3A_46, %max3A_47 : vector<512x512xf32>
    %get3A_49 = arith.constant 0 : index
    %get3A_50 = arith.constant 0 : index
    %get3A_51 = vector.load %arg6[%get3A_49, %get3A_50] : memref<16x512xf32, #tpu.memory_space<vmem>>, vector<16x512xf32>
    %convert_element_type3A_52 = arith.truncf %max3A_48 : vector<512x512xf32> to vector<512x512xbf16>
    %convert_element_type3A_53 = arith.extf %convert_element_type3A_52 : vector<512x512xbf16> to vector<512x512xf32>
    %sub3A_54 = arith.subf %max3A_48, %convert_element_type3A_53 : vector<512x512xf32>
    %convert_element_type3A_55 = arith.truncf %sub3A_54 : vector<512x512xf32> to vector<512x512xbf16>
    %convert_element_type3A_56 = arith.truncf %get3A_51 : vector<16x512xf32> to vector<16x512xbf16>
    %convert_element_type3A_57 = arith.extf %convert_element_type3A_56 : vector<16x512xbf16> to vector<16x512xf32>
    %sub3A_58 = arith.subf %get3A_51, %convert_element_type3A_57 : vector<16x512xf32>
    %convert_element_type3A_59 = arith.truncf %sub3A_58 : vector<16x512xf32> to vector<16x512xbf16>
    %dot_general3A_60 = arith.constant dense<0.000000e+00> : vector<512x16xf32>
    %dot_general3A_61 = tpu.matmul %convert_element_type3A_52, %convert_element_type3A_56, %dot_general3A_60 {dimension_numbers = #tpu.dot_dimension_numbers<[1], [1], [0], [0], [0, 0, 1, 0], [], []>, transpose_lhs_hint = false} : vector<512x512xbf16>, vector<16x512xbf16>, vector<512x16xf32> -> vector<512x16xf32>
    %dot_general3A_62 = arith.constant dense<0.000000e+00> : vector<512x16xf32>
    %dot_general3A_63 = tpu.matmul %convert_element_type3A_52, %convert_element_type3A_59, %dot_general3A_62 {dimension_numbers = #tpu.dot_dimension_numbers<[1], [1], [0], [0], [0, 0, 1, 0], [], []>, transpose_lhs_hint = false} : vector<512x512xbf16>, vector<16x512xbf16>, vector<512x16xf32> -> vector<512x16xf32>
    %dot_general3A_64 = arith.constant dense<0.000000e+00> : vector<512x16xf32>
    %dot_general3A_65 = tpu.matmul %convert_element_type3A_55, %convert_element_type3A_56, %dot_general3A_64 {dimension_numbers = #tpu.dot_dimension_numbers<[1], [1], [0], [0], [0, 0, 1, 0], [], []>, transpose_lhs_hint = false} : vector<512x512xbf16>, vector<16x512xbf16>, vector<512x16xf32> -> vector<512x16xf32>
    %add3A_66 = arith.addf %dot_general3A_63, %dot_general3A_65 : vector<512x16xf32>
    %add3A_67 = arith.addf %dot_general3A_61, %add3A_66 : vector<512x16xf32>
    %get3A_68 = arith.constant 0 : index
    %get3A_69 = arith.constant 0 : index
    %get3A_70 = vector.load %arg7[%get3A_68, %get3A_69] : memref<1x16xf32, #tpu.memory_space<vmem>>, vector<1x16xf32>
    %add3A_71 = vector.broadcast %get3A_70 : vector<1x16xf32> to vector<512x16xf32>
    %add3A_72 = arith.addf %add3A_67, %add3A_71 : vector<512x16xf32>
    %swap3A = arith.constant 0 : index
    %swap3A_73 = arith.constant 0 : index
    %swap3A_74 = vector.load %arg8[%swap3A, %swap3A_73] : memref<512x16xf32, #tpu.memory_space<vmem>>, vector<512x16xf32>
    tpu.vector_store %arg8[%swap3A, %swap3A_73], %add3A_72 {strides = array<i32>} : memref<512x16xf32, #tpu.memory_space<vmem>>, vector<512x16xf32>,
    return
  }
  func.func @transform_0(%arg0: i32) -> (i32, i32, i32) {
    %c0_i32 = arith.constant 0 : i32
    %c0_i32_0 = arith.constant 0 : i32
    %c0_i32_1 = arith.constant 0 : i32
    return %c0_i32, %arg0, %c0_i32_0 : i32, i32, i32
  }
  func.func @transform_1(%arg0: i32) -> (i32, i32) {
    %c0_i32 = arith.constant 0 : i32
    %c0_i32_0 = arith.constant 0 : i32
    return %arg0, %c0_i32 : i32, i32
  }
  func.func @transform_2(%arg0: i32) -> (i32, i32) {
    %c0_i32 = arith.constant 0 : i32
    %c0_i32_0 = arith.constant 0 : i32
    return %arg0, %c0_i32 : i32, i32
  }
  func.func @transform_3(%arg0: i32) -> (i32, i32) {
    %c0_i32 = arith.constant 0 : i32
    %c0_i32_0 = arith.constant 0 : i32
    %c0_i32_1 = arith.constant 0 : i32
    return %c0_i32, %c0_i32_0 : i32, i32
  }
  func.func @transform_4(%arg0: i32) -> (i32, i32) {
    %c0_i32 = arith.constant 0 : i32
    %c0_i32_0 = arith.constant 0 : i32
    %c0_i32_1 = arith.constant 0 : i32
    return %c0_i32, %c0_i32_0 : i32, i32
  }
  func.func @transform_5(%arg0: i32) -> (i32, i32) {
    %c0_i32 = arith.constant 0 : i32
    %c0_i32_0 = arith.constant 0 : i32
    %c0_i32_1 = arith.constant 0 : i32
    return %c0_i32, %c0_i32_0 : i32, i32
  }
  func.func @transform_6(%arg0: i32) -> (i32, i32) {
    %c0_i32 = arith.constant 0 : i32
    %c0_i32_0 = arith.constant 0 : i32
    %c0_i32_1 = arith.constant 0 : i32
    return %c0_i32, %c0_i32_0 : i32, i32
  }
  func.func @transform_7(%arg0: i32) -> (i32, i32) {
    %c0_i32 = arith.constant 0 : i32
    %c0_i32_0 = arith.constant 0 : i32
    return %arg0, %c0_i32 : i32, i32
  }
}

</mosaic_0001>

<sc_bundles>
// kernel: sc_sage_agg_k2.3.cloned.1.call-start
scs
__scs_entry_jumppad:
0x0: {  	(pc) =	sbr.rel $0x88, $3  }
0x1: {  	(tag) =	ssettag $0x0;
	lr =	simm.s32 $0x1  }
0x2: {  	[smem:$0x3F97] =	sst lr;
	_ =	strace $0xD0000000  }
0x3: {  	_ = 	snop  }
0x4: {  	_ = 	snop  }
0x5: {  	_ = 	snop  }
0x6: {  	_ = 	snop  }
0x7: {  	_ = 	snop  }
__scs_overlays_trampoline_lowered:
0x8: {  	[smem:$0x3FA6] =	sst s0  }
0x9: {  	[smem:$0x3FA7] =	sst s1  }
0xa: {  	[smem:$0x3FA8] =	sst s2  }
0xb: {  	[smem:$0x3FA9] =	sst s3  }
0xc: {  	[smem:$0x3FAA] =	sst s4  }
0xd: {  	[smem:$0x3FAB] =	sst s5  }
0xe: {  	[smem:$0x3FAC] =	sst s6  }
0xf: {  	[smem:$0x3FAD] =	sst s7  }
0x10: {  	[smem:$0x3FAE] =	sst s8  }
0x11: {  	[smem:$0x3FAF] =	sst s9;
	s0 =	simm.s32 @!p0 $0x0  }
0x12: {  	s1 =	sld [smem:$0x3F95];
	s0 =	simm.s32 @p0 $0x1  }
0x13: {  	[smem:$0x3FB0] =	sst s0;
	s0 =	simm.s32 @!p1 $0x0  }
0x14: {  	s2 =	sld [smem:$0x3F94];
	s0 =	simm.s32 @p1 $0x1  }
0x15: {  	[smem:$0x3FB1] =	sst s0;
	s0 =	simm.s32 @!p2 $0x0  }
0x16: {  	s3 =	sld [smem:$0x3FDB];
	s0 =	simm.s32 @p2 $0x1  }
0x17: {  	s4 =	simm.s32 $0x1BF5;
	[smem:$0x3FB3] =	sst s0  }
0x18: {  	s0 =	sld [smem:$0x3F96];
	_ =	swait.ge [sflag:s4], $0x0  }
0x19: {  	s7 =	sld [smem:$0x3F97]  }
0x1a: {  	s8 =	sadd.s32 $0xFFFFE003, lr  }
0x1b: {  	s9 =	sadd.s32 $0xFFFFFEF7, lr;
	s5 =	simm.s32 $0xFFFFFFFF;
	p2 =	slt.u32 s8, $0xFFFFF086  }
0x1c: {  	p1 =	slt.u32 s9, $0xF7A;
	s5 =	simm.s32 @!p2 $0x0  }
0x1d: {  	s5 =	simm.s32 @p1 $0x1;
	p0 =	seq.s32 s7, s2  }
0x1e: {  	s7 =	smul.u32 @!p0 $0xF7A, s2;
	p2 =	seq.s32 @!p0 s5, $0x0  }
0x1f: {  	s9 =	smul.u32 $0xF7A, s1;
	s8 =	simm.s32 @!p0 $0x1BF5;
	p2 =	por !p2, p0  }
0x20: {  	[sflag:s8] =	ssyncset.s32 @!p0 $0xFFFFF086;
	s6 =	sadd.s32 @!p0 s3, s7;
	s7 =	simm.s32 @!p0 $0x108  }
0x21: {  	s3 =	sadd.s32 s3, s9;
	s6 =	sadd.s32 @!p0 $0x88, s6;
	s7 =	simm.s32 @p2 $0x1082  }
0x22: {  	[simem:s7], [sflag:s8] =	dma.local @!p0 [hbm:s6], $0xF7A  }
0x23: {  	s9 =	sor.u32 $0xD0000000, s2;
	s6 =	simm.s32 $0x108;
	_ =	swait.ge @!p0 [sflag:s8], $0x0  }
0x24: {  	s3 =	sadd.s32 $0x88, s3;
	s6 =	simm.s32 @!p1 $0x1082;
	[sflag:s4] =	ssyncset.s32 $0xFFFFF086  }
0x25: {  	[simem:s6], [sflag:s4] =	dma.local [hbm:s3], $0xF7A  }
0x26: {  	[smem:$0x3F97] =	sst s1;
	(tag) =	ssettag s2;
	_ =	strace s9  }
0x27: {  	s1 =	sld [smem:$0x3FA7]  }
0x28: {  	s2 =	sld [smem:$0x3FA8]  }
0x29: {  	s4 =	sld [smem:$0x3FAA]  }
0x2a: {  	p0 =	seq.s32 s5, $0x0;
	s5 =	sld [smem:$0x3FAB]  }
0x2b: {  	s6 =	sld [smem:$0x3FAC]  }
0x2c: {  	s7 =	sld [smem:$0x3FAD]  }
0x2d: {  	s3 =	simm.s32 $0x108;
	s8 =	sld [smem:$0x3FAE]  }
0x2e: {  	s3 =	simm.s32 @!p0 $0x1082;
	s9 =	sld [smem:$0x3FAF]  }
0x2f: {  	lr =	sadd.s32 s0, s3;
	s0 =	sld [smem:$0x3FA6]  }
0x30: {  	s3 =	sld [smem:$0x3FA9]  }
0x31: {  	[smem:$0x3FB2] =	sst s10  }
0x32: {  	s10 =	sld [smem:$0x3FB0];
	_ =	sdelay $0x3  }
0x33: {  	p0 =	seq.s32 s10, $0x1;
	s10 =	sld [smem:$0x3FB2];
	_ =	sdelay $0x3  }
0x34: {  	[smem:$0x3FB2] =	sst s10  }
0x35: {  	s10 =	sld [smem:$0x3FB1];
	_ =	sdelay $0x3  }
0x36: {  	p1 =	seq.s32 s10, $0x1;
	s10 =	sld [smem:$0x3FB2];
	_ =	sdelay $0x3  }
0x37: {  	[smem:$0x3FB2] =	sst s10  }
0x38: {  	s10 =	sld [smem:$0x3FB3]  }
0x39: {  	_ = 	snop;
	(pc) =	sbr.ind lr, $3  }
0x3a: {  	_ = 	snop  }
0x3b: {  	_ = 	snop  }
0x3c: {  	p2 =	seq.s32 s10, $0x1;
	s10 =	sld [smem:$0x3FB2]  }
0x3d: {  	_ =	shalt  }
0x3e: {  	_ =	shalt  }
0x3f: {  	_ =	shalt  }
0x40: {  	_ =	shalt  }
0x41: {  	_ =	shalt  }
0x42: {  	_ =	shalt  }
0x43: {  	_ =	shalt  }
0x44: {  	_ =	shalt  }
0x45: {  	_ =	shalt  }
0x46: {  	_ =	shalt  }
0x47: {  	_ =	shalt  }
0x48: {  	_ =	shalt  }
0x49: {  	_ =	shalt  }
0x4a: {  	_ =	shalt  }
0x4b: {  	_ =	shalt  }
0x4c: {  	_ =	shalt  }
0x4d: {  	_ =	shalt  }
0x4e: {  	_ =	shalt  }
0x4f: {  	_ =	shalt  }
0x50: {  	_ =	shalt  }
0x51: {  	_ =	shalt  }
0x52: {  	_ =	shalt  }
0x53: {  	_ =	shalt  }
0x54: {  	_ =	shalt  }
0x55: {  	_ =	shalt  }
0x56: {  	_ =	shalt  }
0x57: {  	_ =	shalt  }
0x58: {  	_ =	shalt  }
0x59: {  	_ =	shalt  }
0x5a: {  	_ =	shalt  }
0x5b: {  	_ =	shalt  }
0x5c: {  	_ =	shalt  }
0x5d: {  	_ =	shalt  }
0x5e: {  	_ =	shalt  }
0x5f: {  	_ =	shalt  }
0x60: {  	_ =	shalt  }
0x61: {  	_ =	shalt  }
0x62: {  	_ =	shalt  }
0x63: {  	_ =	shalt  }
0x64: {  	_ =	shalt  }
0x65: {  	_ =	shalt  }
0x66: {  	_ =	shalt  }
0x67: {  	_ =	shalt  }
0x68: {  	_ =	shalt  }
0x69: {  	_ =	shalt  }
0x6a: {  	_ =	shalt  }
0x6b: {  	_ =	shalt  }
0x6c: {  	_ =	shalt  }
0x6d: {  	_ =	shalt  }
0x6e: {  	_ =	shalt  }
0x6f: {  	_ =	shalt  }
0x70: {  	_ =	shalt  }
0x71: {  	_ =	shalt  }
0x72: {  	_ =	shalt  }
0x73: {  	_ =	shalt  }
0x74: {  	_ =	shalt  }
0x75: {  	_ =	shalt  }
0x76: {  	_ =	shalt  }
0x77: {  	_ =	shalt  }
0x78: {  	_ =	shalt  }
0x79: {  	_ =	shalt  }
0x7a: {  	_ =	shalt  }
0x7b: {  	_ =	shalt  }
0x7c: {  	_ =	shalt  }
0x7d: {  	_ =	shalt  }
0x7e: {  	_ =	shalt  }
0x7f: {  	_ =	shalt  }
0x80: {  	_ =	shalt  }
0x81: {  	_ =	shalt  }
0x82: {  	_ =	shalt  }
0x83: {  	_ =	shalt  }
0x84: {  	_ =	shalt  }
0x85: {  	_ =	shalt  }
0x86: {  	_ =	shalt  }
0x87: {  	_ =	shalt  }
.Lfunc_end0:
.L_simem_size_0:
called_computation_lowered:
.L_overlay_start_0:
0x88: {  	s2 =	sld [smem:$0x3FD9]  }
0x89: {  	s3 =	sld [smem:$0x3FFE];
	_ =	sdelay $0x1  }
0x8a: {  	s1 =	srdreg.scid  }
0x8b: {  	s0 =	sand.u32 $0x1, s1  }
0x8c: {  	s17 =	sshll.u32 s0, $0xA;
	s2 =	sadd.s32 s3, s2  }
0x8d: {  	s2 =	sadd.s32 s2, s17  }
0x8e: {  	[smem:$0x3FBE] =	sst s2  }
0x8f: {  	_ = 	snop  }
0x90: {  	s2 =	sld [smem:$0x3FD0];
	(tm) =	ssettm $0x1  }
0x91: {  	s18 =	sld [smem:$0x3FFB];
	_ =	sdelay $0x3  }
0x92: {  	_ =	strace s18  }
0x93: {  	s3 =	sld [smem:$0x3FFC];
	_ =	sdelay $0x3  }
0x94: {  	_ =	strace s3  }
0x95: {  	s3 =	sld [smem:$0x3FFD];
	_ =	sdelay $0x3  }
0x96: {  	_ =	strace s3  }
0x97: {  	_ =	strace $0x8FFFFFFF  }
0x98: {  	s19 =	sld [smem:$0x3FDB];
	_ =	sdelay $0x1  }
0x99: {  	s4 =	simm.s32 $_scs_section_size  }
0x9a: {  	s5 =	simm.s32 $_size__tile_overlayer_lowered;
	s6 =	simm.s32 $_tile_overlayer_lowered  }
0x9b: {  	s22 =	simm.s32 $0x1BFF;
	s21 =	sshll.u32 s6, $0x1;
	s3 =	sadd.s32 s4, s19  }
0x9c: {  	s7 =	simm.s32 $0x0;
	s20 =	sshll.u32 s5, $0x1;
	s5 =	sadd.s32 s21, s3  }
0x9d: {  	[timem:s7], [sflag:s22] =	dma.local [hbm:s5], s20  }
0x9e: {  	_ =	swait.ge [sflag:s22], s20  }
0x9f: {  	s4 =	ssub.s32 $0x0, s20;
	[sflag:s22] =	ssyncset.done $0x0  }
0xa0: {  	[sflag:s22] =	ssyncadd.s32 s4;
	_ =	sdelay $0x1  }
0xa1: {  	s23 =	simm.s32 $0x1B8B  }
0xa2: {  	_ =	swait.ge [sflag:s23], $0x1  }
0xa3: {  	[sflag:s23] =	ssyncset.done $0x0  }
0xa4: {  	s25 =	simm.s32 $0x1B8E;
	s24 =	sld [smem:$0x3FFE];
	[sflag:s23] =	ssyncadd.s32 $0xFFFFFFFF  }
0xa5: {  	s26 =	simm.s32 $execute0_lowered;
	[smem:$0x3FD2] =	sst s25  }
0xa6: {  	s5 =	sshll.u32 s26, $0x1;
	_ =	strace $0x80000046;
	[dreg:$0x1] =	wrdreg $0xFFFFFFFF  }
0xa7: {  	s28 =	simm.s32 $_size_execute0_lowered;
	s3 =	sadd.s32 s3, s5;
	[dreg:$0x0] =	wrdreg $0x0  }
0xa8: {  	s5 =	sshll.u32 s28, $0x1;
	[dreg:$0x2] =	wrdreg s3  }
0xa9: {  	[dreg:$0x3] =	wrdreg s5  }
0xaa: {  	[dreg:$0x4] =	wrdreg $0xC0  }
0xab: {  	_ =	task [dreg:s7], $0x5FFFF  }
0xac: {  	[dreg:$0x1] =	wrdreg $0xFFFFFFFF  }
0xad: {  	[dreg:$0x0] =	wrdreg $0x60  }
0xae: {  	[dreg:$0x2] =	wrdreg s24  }
0xaf: {  	[dreg:$0x3] =	wrdreg s2  }
0xb0: {  	[dreg:$0x4] =	wrdreg $0x0  }
0xb1: {  	[dreg:$0x5] =	wrdreg $0x140000  }
0xb2: {  	[dreg:$0x6] =	wrdreg $0x9  }
0xb3: {  	_ =	task.clear_ibuf [dreg:s7], $0x7FFFF;
	_ =	strace $0x90000046  }
0xb4: {  	s29 =	simm.s32 $0x9;
	_ =	strace $0x80000048  }
0xb5: {  	_ =	swait.ge [sflag:s29], $0x1  }
0xb6: {  	[sflag:s29] =	ssyncadd.s32 $0xFFFFFFFF  }
0xb7: {  	_ =	strace $0x90000048  }
0xb8: {  	_ =	sfence  }
0xb9: {  	s30 =	sld [smem:$0x0];
	_ =	sdelay $0x2  }
0xba: {  	s31 =	sshll.u32 s1, $0xD;
	s1 =	sshrl.u32 s1, $0x2  }
0xbb: {  	s3 =	sand.u32 $0x4000, s31;
	s1 =	sadd.s32 s1, s30  }
0xbc: {  	s0 =	sor.u32 s3, s0;
	s1 =	sshll.u32 s1, $0x11  }
0xbd: {  	s0 =	sor.u32 s1, s0  }
0xbe: {  	s0 =	sadd.s32 $0x8F2B, s0  }
0xbf: {  	[sflag:s0] =	ssyncadd.remote.s32 $0x1  }
0xc0: {  	_ =	sfence.sel $0xFFFF  }
0xc1: {  	[dreg:$0x0] =	wrdreg $0xFFFFFFFF;
	(pc) =	sbr.abs _section_cstart, $3  }
0xc2: {  	[dreg:$0x1] =	wrdreg $0xFFFFFFFF  }
0xc3: {  	_ =	task.clear_ibuf [dreg:s7], $0x2FFFF;
	_ =	strace $0x9FFFFFFF  }
0xc4: {  	(tm) =	ssettm $0x7FFFFFFF  }
0xc5: {  	_ =	shalt  }
tec
execute0_lowered:
.L_overlay_start_1:
0x0: {  	(tag) =	ssettag $0x1  }
0x1: {  	s1 =	rddreg [dreg:$0x0]  }
0x2: {  	s4 =	rddreg [dreg:$0x1];
	s0 =	simm.s32 $0x0  }
0x3: {  	s2 =	srdreg.scid;
	s19 =	stileid.u32;
	s28 =	simm.s32 $0x18580  }
0x4: {  	s29 =	simm.s32 $0x2;
	s30 =	simm.s32 $0x0;
	[smem:$0x7FF] =	sst s0  }
0x5: {  	s5 =	sadd.s32 $0x1800, s1;
	s6 =	sadd.s32 $0x56E00, s1;
	s8 =	smul.u32 $0x5, s19  }
0x6: {  	s15 =	sand.u32 $0x1, s2;
	s7 =	sadd.s32 $0x56800, s1;
	s10 =	smul.u32 $0x14000, s19  }
0x7: {  	s9 =	sshll.u32 s19, $0x4;
	s16 =	smul.u32 $0x50, s19;
	s2 =	ssub.s32 $0x2, s15  }
0x8: {  	s12 =	smul.u32 $0x140000, s15;
	p0 =	sne.s32 s15, $0x0;
	s3 =	sshrl.u32 s2, $0x1  }
0x9: {  	s13 =	sadd.s32 $0x4000, s10;
	s16 =	sadd.s32 s7, s16;
	s18 =	sadd.s32 $0x3, s8  }
0xa: {  	s11 =	ssub.s32 s2, s3;
	s2 =	sadd.s32 s5, s9;
	s3 =	sadd.s32 s4, s9  }
0xb: {  	s9 =	sor.u32 $0x100, s9;
	s21 =	sadd.s32 s12, s10;
	[dreg:$0xc] =	wrdreg s16  }
0xc: {  	s14 =	sadd.s32 s12, s13;
	s16 =	rddreg [dreg:$0x2];
	s5 =	sadd.s32 s5, s9  }
0xd: {  	s4 =	sadd.s32 s4, s9;
	s22 =	sshrl.u32 s21, $0x3;
	[dreg:$0x5] =	wrdreg s5  }
0xe: {  	s23 =	sshrl.u32 s14, $0x3;
	s9 =	sadd.s32 $0xC000, s10;
	[dreg:$0x6] =	wrdreg s4  }
0xf: {  	s4 =	sadd.s32 s6, s22;
	s24 =	sadd.s32 s6, s23;
	s26 =	sadd.s32 s12, s9  }
0x10: {  	s22 =	sshll.u32 s18, $0x4;
	s23 =	smul.u32 $0x50000, s19;
	[dreg:$0x7] =	wrdreg s4  }
0x11: {  	[dreg:$0x8] =	wrdreg s24;
	s4 =	sadd.s32 $0x8000, s10;
	s10 =	sadd.s32 $0x10000, s10  }
0x12: {  	s14 =	sshrl.u32 s26, $0x3;
	s25 =	sadd.s32 s12, s4;
	s12 =	sadd.s32 s12, s10  }
0x13: {  	s31 =	sadd.s32 s6, s14;
	s26 =	sshrl.u32 s23, $0x2;
	s4 =	sadd.s32 s4, s16  }
0x14: {  	s5 =	sshrl.u32 s25, $0x3;
	s12 =	sshrl.u32 s12, $0x3;
	[dreg:$0xa] =	wrdreg s31  }
0x15: {  	s25 =	smul.u32 $0xA00, s19;
	s19 =	sadd.s32 $0x6800, s1;
	s31 =	smax.u32 s11, $0x1  }
0x16: {  	s11 =	sadd.s32 s13, s16;
	s13 =	sadd.s32 s10, s16;
	s5 =	sadd.s32 s6, s5  }
0x17: {  	s14 =	sadd.s32 s6, s12;
	s6 =	sadd.s32 $0x2, s8;
	s1 =	sshrl.u32 s11, $0x3  }
0x18: {  	s23 =	sshrl.u32 s13, $0x3;
	s11 =	simm.s32 $0x5;
	[dreg:$0x9] =	wrdreg s5  }
0x19: {  	s13 =	simm.s32 $0x14300;
	[dreg:$0xb] =	wrdreg s14;
	s5 =	sadd.s32 $0x1, s8  }
0x1a: {  	s20 =	sshll.u32 s6, $0x4;
	s8 =	sadd.s32 $0x4, s8;
	s6 =	sshll.u32 s6, $0x7  }
0x1b: {  	s14 =	sshll.u32 s18, $0x7;
	s18 =	sshrl.u32 s4, $0x3;
	s21 =	sadd.s32 s7, s20  }
0x1c: {  	s17 =	sshll.u32 s5, $0x4;
	s24 =	sshll.u32 s8, $0x4;
	[dreg:$0xe] =	wrdreg s21  }
0x1d: {  	s20 =	sadd.s32 s26, s16;
	s12 =	sadd.s32 s7, s17;
	s17 =	rddreg [dreg:$0x3]  }
0x1e: {  	s5 =	sshll.u32 s5, $0x7;
	[dreg:$0xd] =	wrdreg s12;
	s12 =	sadd.s32 s7, s22  }
0x1f: {  	s8 =	sshll.u32 s8, $0x7;
	s7 =	sadd.s32 s7, s24;
	[dreg:$0xf] =	wrdreg s12  }
0x20: {  	s26 =	sadd.s32 $0xC000, s20;
	s5 =	sadd.s32 s5, s17;
	[dreg:$0x10] =	wrdreg s7  }
0x21: {  	s6 =	sadd.s32 s6, s17;
	_ =	strace $0x80000047;
	[dreg:$0x11] =	wrdreg s31  }
0x22: {  	s10 =	sadd.s32 s14, s17;
	s8 =	sadd.s32 s8, s17;
	[dreg:$0x12] =	wrdreg s1  }
0x23: {  	s24 =	sadd.s32 $0x4000, s20;
	s14 =	simm.s32 $0x3;
	[dreg:$0x13] =	wrdreg s18  }
0x24: {  	s7 =	sshrl.u32 s25, $0x2;
	s12 =	sadd.s32 s9, s16;
	[dreg:$0x15] =	wrdreg s23  }
0x25: {  	s25 =	sadd.s32 $0x8000, s20;
	s22 =	sadd.s32 s7, s17;
	[dreg:$0x1a] =	wrdreg s24  }
0x26: {  	s21 =	sshrl.u32 s12, $0x3;
	s1 =	sshrl.u32 @!p0 s5, $0x3;
	[dreg:$0x1b] =	wrdreg s25  }
0x27: {  	[dreg:$0x1c] =	wrdreg s26;
	s31 =	sadd.s32 $0x10000, s20;
	s12 =	simm.s32 $0x14280  }
0x28: {  	s18 =	simm.s32 $0x80;
	s23 =	simm.s32 $0x14480;
	s24 =	simm.s32 $0x4  }
0x29: {  	s25 =	simm.s32 $0x1;
	s26 =	simm.s32 $0x14500;
	[dreg:$0x14] =	wrdreg s21  }
.Ltmp0:
0x2a: {  	[dreg:$0x16] =	wrdreg s1;
	s1 =	sshrl.u32 @!p0 s6, $0x3;
	(pc) =	sbr.rel .LBB2_1-.Ltmp0, $4  }
0x2b: {  	[dreg:$0x1d] =	wrdreg s31;
	s6 =	sadd.s32 $0x80, s22;
	s7 =	sadd.s32 $0x100, s22  }
0x2c: {  	s9 =	sadd.s32 $0x200, s22;
	[dreg:$0x17] =	wrdreg s1;
	s1 =	sshrl.u32 @!p0 s10, $0x3  }
0x2d: {  	s21 =	simm.s32 $0x14380;
	[dreg:$0x18] =	wrdreg s1;
	s1 =	sshrl.u32 @!p0 s8, $0x3  }
0x2e: {  	v1 =	vimm.f32 $1.000000000e+00;
	v2 =	vimm.f32 $0.0e+00;
	v0 =	vmov s15;
	s10 =	simm.s32 $0x14580;
	s8 =	sadd.s32 $0x180, s22;
	[dreg:$0x19] =	wrdreg s1  }
.LBB2_13:
0x2f: {  	s1 =	stileid.u32  }
0x30: {  	[bflag:$0x0] =	sbarrier.arrive $0xFFFF;
	s1 =	sshll.u32 s1, $0x6  }
0x31: {  	s4 =	sshrl.u32 s20, $0x3;
	s5 =	rddreg [dreg:$0x7];
	s1 =	sor.u32 $0x1C05, s1  }
0x32: {  	[hbm:s5], [sflag:s1] =	dma.local [spmem:s4], $0x800  }
0x33: {  	_ =	swait.ge [sflag:s11], $0x800  }
0x34: {  	[sflag:s11] =	ssyncset.done $0x0;
	s15 =	rddreg [dreg:$0x8]  }
0x35: {  	s31 =	rddreg [dreg:$0x12];
	[sflag:s11] =	ssyncadd.s32 $0xFFFFF800  }
0x36: {  	[hbm:s15], [sflag:s1] =	dma.local [spmem:s31], $0x800  }
0x37: {  	_ =	swait.ge [sflag:s11], $0x800  }
0x38: {  	[sflag:s11] =	ssyncset.done $0x0;
	s15 =	rddreg [dreg:$0x9]  }
0x39: {  	s31 =	rddreg [dreg:$0x13];
	[sflag:s11] =	ssyncadd.s32 $0xFFFFF800  }
0x3a: {  	[hbm:s15], [sflag:s1] =	dma.local [spmem:s31], $0x800  }
0x3b: {  	_ =	swait.ge [sflag:s11], $0x800  }
0x3c: {  	[sflag:s11] =	ssyncset.done $0x0;
	s15 =	rddreg [dreg:$0xa]  }
0x3d: {  	s31 =	rddreg [dreg:$0x14];
	[sflag:s11] =	ssyncadd.s32 $0xFFFFF800  }
0x3e: {  	[hbm:s15], [sflag:s1] =	dma.local [spmem:s31], $0x800  }
0x3f: {  	_ =	swait.ge [sflag:s11], $0x800  }
0x40: {  	[sflag:s11] =	ssyncset.done $0x0;
	s5 =	rddreg [dreg:$0xb]  }
0x41: {  	s15 =	rddreg [dreg:$0x15];
	[sflag:s11] =	ssyncadd.s32 $0xFFFFF800  }
0x42: {  	[hbm:s5], [sflag:s1] =	dma.local [spmem:s15], $0x800  }
0x43: {  	_ =	swait.ge [sflag:s11], $0x800  }
0x44: {  	[sflag:s11] =	ssyncset.done $0x0  }
0x45: {  	s4 =	sshrl.u32 @!p0 s22, $0x3;
	s5 =	rddreg [dreg:$0xc];
	[sflag:s11] =	ssyncadd.s32 $0xFFFFF800  }
0x46: {  	[hbm:s5], [sflag:s1] =	dma.local @!p0 [spmem:s4], $0x10  }
0x47: {  	s4 =	simm.s32 @!p0 $0x5  }
0x48: {  	_ =	swait.ge @!p0 [sflag:s4], $0x10  }
0x49: {  	[sflag:s4] =	ssyncset.done @!p0 $0x0;
	s5 =	rddreg [dreg:$0xd]  }
0x4a: {  	s15 =	rddreg [dreg:$0x16];
	[sflag:s4] =	ssyncadd.s32 @!p0 $0xFFFFFFF0  }
0x4b: {  	[hbm:s5], [sflag:s1] =	dma.local @!p0 [spmem:s15], $0x10  }
0x4c: {  	_ =	swait.ge @!p0 [sflag:s4], $0x10  }
0x4d: {  	[sflag:s4] =	ssyncset.done @!p0 $0x0;
	s5 =	rddreg [dreg:$0xe]  }
0x4e: {  	s15 =	rddreg [dreg:$0x17];
	[sflag:s4] =	ssyncadd.s32 @!p0 $0xFFFFFFF0  }
0x4f: {  	[hbm:s5], [sflag:s1] =	dma.local @!p0 [spmem:s15], $0x10  }
0x50: {  	_ =	swait.ge @!p0 [sflag:s4], $0x10  }
0x51: {  	[sflag:s4] =	ssyncset.done @!p0 $0x0;
	s5 =	rddreg [dreg:$0xf]  }
0x52: {  	s15 =	rddreg [dreg:$0x18];
	[sflag:s4] =	ssyncadd.s32 @!p0 $0xFFFFFFF0  }
0x53: {  	[hbm:s5], [sflag:s1] =	dma.local @!p0 [spmem:s15], $0x10  }
0x54: {  	_ =	swait.ge @!p0 [sflag:s4], $0x10  }
0x55: {  	[sflag:s4] =	ssyncset.done @!p0 $0x0;
	s5 =	rddreg [dreg:$0x10]  }
0x56: {  	s15 =	rddreg [dreg:$0x19];
	[sflag:s4] =	ssyncadd.s32 @!p0 $0xFFFFFFF0  }
0x57: {  	[hbm:s5], [sflag:s1] =	dma.local @!p0 [spmem:s15], $0x10  }
0x58: {  	_ =	swait.ge @!p0 [sflag:s4], $0x10  }
0x59: {  	s30 =	sadd.s32 $0x1, s30;
	s31 =	rddreg [dreg:$0x11]  }
0x5a: {  	p1 =	sne.s32 s30, s31  }
.Ltmp1:
0x5b: {  	_ = 	snop;
	(pc) =	sbr.rel @!p1 .LBB2_14-.Ltmp1, $3  }
0x5c: {  	_ =	sdelay $0x1  }
0x5d: {  	[sflag:s4] =	ssyncset.done @!p0 $0x0  }
0x5e: {  	[sflag:s4] =	ssyncadd.s32 @!p0 $0xFFFFFFF0  }
.LBB2_1:
0x5f: {  	[tilespmem:$0x1C580] =	vst v1  }
0x60: {  	[tilespmem:$0x1C590] =	vst v1  }
0x61: {  	[tilespmem:$0x1C5A0] =	vst v1  }
0x62: {  	[tilespmem:$0x1C5B0] =	vst v1  }
0x63: {  	[tilespmem:$0x1C5C0] =	vst v1  }
0x64: {  	[tilespmem:$0x1C5D0] =	vst v1  }
0x65: {  	[tilespmem:$0x1C5E0] =	vst v1  }
0x66: {  	[tilespmem:$0x1C5F0] =	vst v1;
	s15 =	simm.s32 $0x0;
	s31 =	simm.s32 $0x200  }
.LBB2_2:
0x67: {  	p1 =	sne.s32 s31, $0xFE00;
	[tilespmem:s15+$0x145F0] =	vst v2  }
0x68: {  	[tilespmem:s15+$0x14580] =	vst v2  }
0x69: {  	[tilespmem:s15+$0x14590] =	vst v2  }
.Ltmp2:
0x6a: {  	[tilespmem:s15+$0x145A0] =	vst v2;
	(pc) =	sbr.rel @p1 .LBB2_2-.Ltmp2, $4  }
0x6b: {  	[tilespmem:s15+$0x145B0] =	vst v2  }
0x6c: {  	[tilespmem:s15+$0x145C0] =	vst v2  }
0x6d: {  	[tilespmem:s15+$0x145D0] =	vst v2  }
0x6e: {  	[tilespmem:s15+$0x145E0] =	vst v2;
	s15 =	sshra.s32 s31, $0x2;
	s31 =	sadd.s32 $0x200, s31  }
0x6f: {  	[tilespmem:s15+$0x145F0] =	vst v2  }
0x70: {  	[tilespmem:s15+$0x14580] =	vst v2  }
0x71: {  	[tilespmem:s15+$0x14590] =	vst v2  }
0x72: {  	[tilespmem:s15+$0x145A0] =	vst v2  }
0x73: {  	[tilespmem:s15+$0x145B0] =	vst v2  }
0x74: {  	[tilespmem:s15+$0x145C0] =	vst v2  }
0x75: {  	[tilespmem:s15+$0x145D0] =	vst v2  }
0x76: {  	[tilespmem:s15+$0x145E0] =	vst v2  }
0x77: {  	[spmem:s20] =	stream.linear.scatter [tilespmem:s10], [sflag:$0x5], $0x4000, $0x38;
	[tilespmem:$0x1C600] =	vst v63  }
0x78: {  	_ =	swait.ge [sflag:s11], $0x4000  }
0x79: {  	[sflag:s11] =	ssyncset.done $0x0  }
0x7a: {  	s1 =	rddreg [dreg:$0x1a];
	[sflag:s11] =	ssyncadd.s32 $0xFFFFC000  }
0x7b: {  	[spmem:s1] =	stream.linear.scatter [tilespmem:s10], [sflag:$0x5], $0x4000, $0x38;
	[tilespmem:$0x1C600] =	vst v63  }
0x7c: {  	_ =	swait.ge [sflag:s11], $0x4000  }
0x7d: {  	[sflag:s11] =	ssyncset.done $0x0  }
0x7e: {  	s5 =	rddreg [dreg:$0x1b];
	[sflag:s11] =	ssyncadd.s32 $0xFFFFC000  }
0x7f: {  	[spmem:s5] =	stream.linear.scatter [tilespmem:s10], [sflag:$0x5], $0x4000, $0x38;
	[tilespmem:$0x1C600] =	vst v63  }
0x80: {  	_ =	swait.ge [sflag:s11], $0x4000  }
0x81: {  	[sflag:s11] =	ssyncset.done $0x0  }
0x82: {  	s15 =	rddreg [dreg:$0x1c];
	[sflag:s11] =	ssyncadd.s32 $0xFFFFC000  }
0x83: {  	[spmem:s15] =	stream.linear.scatter [tilespmem:s10], [sflag:$0x5], $0x4000, $0x38;
	[tilespmem:$0x1C600] =	vst v63  }
0x84: {  	_ =	swait.ge [sflag:s11], $0x4000  }
0x85: {  	[sflag:s11] =	ssyncset.done $0x0  }
0x86: {  	s4 =	rddreg [dreg:$0x1d];
	[sflag:s11] =	ssyncadd.s32 $0xFFFFC000  }
0x87: {  	[spmem:s4] =	stream.linear.scatter [tilespmem:s10], [sflag:$0x5], $0x4000, $0x38;
	[tilespmem:$0x1C600] =	vst v63  }
0x88: {  	_ =	swait.ge [sflag:s11], $0x4000  }
0x89: {  	[sflag:s11] =	ssyncset.done $0x0  }
0x8a: {  	s31 =	simm.s32 @!p0 $0x5;
	s15 =	simm.s32 @!p0 $0x14580;
	[sflag:s11] =	ssyncadd.s32 $0xFFFFC000  }
0x8b: {  	[spmem:s22] =	stream.linear.scatter @!p0 [tilespmem:s15], [sflag:$0x5], $0x80, $0x38;
	[tilespmem:$0x1C600] =	vst v63  }
0x8c: {  	_ =	swait.ge @!p0 [sflag:s31], $0x80  }
0x8d: {  	[sflag:s31] =	ssyncset.done @!p0 $0x0  }
0x8e: {  	[sflag:s31] =	ssyncadd.s32 @!p0 $0xFFFFFF80  }
0x8f: {  	[spmem:s6] =	stream.linear.scatter @!p0 [tilespmem:s15], [sflag:$0x5], $0x80, $0x38;
	[tilespmem:$0x1C600] =	vst v63  }
0x90: {  	_ =	swait.ge @!p0 [sflag:s31], $0x80  }
0x91: {  	[sflag:s31] =	ssyncset.done @!p0 $0x0  }
0x92: {  	[sflag:s31] =	ssyncadd.s32 @!p0 $0xFFFFFF80  }
0x93: {  	[spmem:s7] =	stream.linear.scatter @!p0 [tilespmem:s15], [sflag:$0x5], $0x80, $0x38;
	[tilespmem:$0x1C600] =	vst v63  }
0x94: {  	_ =	swait.ge @!p0 [sflag:s31], $0x80  }
0x95: {  	[sflag:s31] =	ssyncset.done @!p0 $0x0  }
0x96: {  	[sflag:s31] =	ssyncadd.s32 @!p0 $0xFFFFFF80  }
0x97: {  	[spmem:s8] =	stream.linear.scatter @!p0 [tilespmem:s15], [sflag:$0x5], $0x80, $0x38;
	[tilespmem:$0x1C600] =	vst v63  }
0x98: {  	_ =	swait.ge @!p0 [sflag:s31], $0x80  }
0x99: {  	[sflag:s31] =	ssyncset.done @!p0 $0x0  }
0x9a: {  	[sflag:s31] =	ssyncadd.s32 @!p0 $0xFFFFFF80  }
0x9b: {  	[spmem:s9] =	stream.linear.scatter @!p0 [tilespmem:s15], [sflag:$0x5], $0x80, $0x38;
	[tilespmem:$0x1C600] =	vst v63  }
0x9c: {  	_ =	swait.ge @!p0 [sflag:s31], $0x80  }
0x9d: {  	[sflag:s31] =	ssyncset.done @!p0 $0x0  }
0x9e: {  	[sflag:s31] =	ssyncadd.s32 @!p0 $0xFFFFFF80  }
0x9f: {  	s31 =	simm.s32 $0x0;
	[bflag:$0x0] =	sbarrier.arrive $0xFFFF  }
0xa0: {  	[tilespmem:s12], [sflag:$0x3] =	stream.linear.gather [hbm4b:s2+s31], $0x80, $0x38;
	[tilespmem:$0x1C600] =	vst v63  }
0xa1: {  	_ = 	snop  }
0xa2: {  	[tilespmem:s13], [sflag:$0x3] =	stream.linear.gather [hbm4b:s3+s31], $0x80, $0x38;
	[tilespmem:$0x1C600] =	vst v63  }
0xa3: {  	_ =	swait.ge [sflag:s14], $0x80  }
0xa4: {  	[sflag:s14] =	ssyncset.done $0x0  }
0xa5: {  	[sflag:s14] =	ssyncadd.s32 $0xFFFFFF80  }
0xa6: {  	_ =	swait.ge [sflag:s14], $0x80  }
0xa7: {  	[sflag:s14] =	ssyncset.done $0x0  }
0xa8: {  	[sflag:s14] =	ssyncadd.s32 $0xFFFFFF80  }
0xa9: {  	v3 =	vld [tilespmem:$0x14280]  }
0xaa: {  	v4 =	vld [tilespmem:$0x14290]  }
0xab: {  	v5 =	vld [tilespmem:$0x142A0]  }
0xac: {  	v6 =	vld [tilespmem:$0x142B0]  }
0xad: {  	v7 =	vld [tilespmem:$0x142C0]  }
0xae: {  	v8 =	vld [tilespmem:$0x142D0];
	v3 =	vshll.u32 v3, $0x1  }
0xaf: {  	v9 =	vld [tilespmem:$0x142E0];
	v4 =	vshll.u32 v4, $0x1;
	v3 =	vor.u32 v0, v3  }
0xb0: {  	v58 =	vld [tilespmem:$0x142F0];
	v57 =	vshll.u32 v5, $0x1;
	[tilespmem:$0x14380] =	vst v3;
	v3 =	vor.u32 v0, v4  }
0xb1: {  	v59 =	vshll.u32 v6, $0x1;
	[tilespmem:$0x14390] =	vst v3;
	v3 =	vor.u32 v0, v57  }
0xb2: {  	v60 =	vshll.u32 v7, $0x1;
	[tilespmem:$0x143A0] =	vst v3;
	v3 =	vor.u32 v0, v59  }
0xb3: {  	v61 =	vshll.u32 v8, $0x1;
	[tilespmem:$0x143B0] =	vst v3;
	v3 =	vor.u32 v0, v60  }
0xb4: {  	v62 =	vshll.u32 v9, $0x1;
	[tilespmem:$0x143C0] =	vst v3;
	v3 =	vor.u32 v0, v61  }
0xb5: {  	v63 =	vshll.u32 v58, $0x1;
	[tilespmem:$0x143D0] =	vst v3;
	v3 =	vor.u32 v0, v62  }
0xb6: {  	[tilespmem:$0x143E0] =	vst v3;
	v3 =	vor.u32 v0, v63  }
0xb7: {  	[tilespmem:$0x143F0] =	vst v3  }
0xb8: {  	[tilespmem:s10], [sflag:$0x1] =	stream.indirect.gather [hbm4b:s19+s18], $0x80, s21, s18, $0xb8;
	[tilespmem:$0x1C600] =	vst v63  }
.Ltmp3:
0xb9: {  	s4 =	simm.s32 $0x14400;
	s5 =	rddreg [dreg:$0x5];
	(pc) =	sbr.rel .LBB2_4-.Ltmp3, $4  }
0xba: {  	[tilespmem:s4], [sflag:$0x4] =	stream.linear.gather [hbm4b:s5+s31], $0x80, $0x38;
	[tilespmem:$0x1C600] =	vst v63  }
0xbb: {  	s15 =	rddreg [dreg:$0x6]  }
0xbc: {  	[tilespmem:s23], [sflag:$0x4] =	stream.linear.gather [hbm4b:s15+s31], $0x80, $0x38;
	[tilespmem:$0x1C600] =	vst v63  }
0xbd: {  	s15 =	stileid.u32  }
.LBB2_9:
0xbe: {  	s1 =	sadd.s32 s31, s2  }
0xbf: {  	s5 =	sadd.s32 s31, s3;
	s1 =	sadd.s32 $0x200, s1  }
0xc0: {  	[tilespmem:s12], [sflag:$0x3] =	stream.linear.gather [hbm4b:s1+s0], $0x80, $0x38;
	[tilespmem:$0x1C600] =	vst v63  }
0xc1: {  	s1 =	sadd.s32 $0x200, s5  }
0xc2: {  	[tilespmem:s13], [sflag:$0x3] =	stream.linear.gather [hbm4b:s1+s0], $0x80, $0x38;
	[tilespmem:$0x1C600] =	vst v63  }
0xc3: {  	_ =	swait.ge [sflag:s14], $0x80  }
0xc4: {  	[sflag:s14] =	ssyncset.done $0x0  }
0xc5: {  	[sflag:s14] =	ssyncadd.s32 $0xFFFFFF80  }
0xc6: {  	_ =	swait.ge [sflag:s14], $0x80  }
0xc7: {  	[sflag:s14] =	ssyncset.done $0x0  }
0xc8: {  	[sflag:s14] =	ssyncadd.s32 $0xFFFFFF80  }
0xc9: {  	v3 =	vld [tilespmem:$0x14280]  }
0xca: {  	v4 =	vld [tilespmem:$0x14290]  }
0xcb: {  	v5 =	vld [tilespmem:$0x142A0]  }
0xcc: {  	v6 =	vld [tilespmem:$0x142B0]  }
0xcd: {  	v7 =	vld [tilespmem:$0x142C0]  }
0xce: {  	v8 =	vld [tilespmem:$0x142D0];
	v3 =	vshll.u32 v3, $0x1  }
0xcf: {  	v9 =	vld [tilespmem:$0x142E0];
	v4 =	vshll.u32 v4, $0x1;
	v3 =	vor.u32 v0, v3  }
0xd0: {  	v58 =	vld [tilespmem:$0x142F0];
	v57 =	vshll.u32 v5, $0x1;
	[tilespmem:$0x14380] =	vst v3;
	v3 =	vor.u32 v0, v4  }
0xd1: {  	v59 =	vshll.u32 v6, $0x1;
	[tilespmem:$0x14390] =	vst v3;
	v3 =	vor.u32 v0, v57  }
0xd2: {  	v60 =	vshll.u32 v7, $0x1;
	[tilespmem:$0x143A0] =	vst v3;
	v3 =	vor.u32 v0, v59  }
0xd3: {  	v61 =	vshll.u32 v8, $0x1;
	[tilespmem:$0x143B0] =	vst v3;
	v3 =	vor.u32 v0, v60  }
0xd4: {  	v62 =	vshll.u32 v9, $0x1;
	[tilespmem:$0x143C0] =	vst v3;
	v3 =	vor.u32 v0, v61  }
0xd5: {  	v63 =	vshll.u32 v58, $0x1;
	[tilespmem:$0x143D0] =	vst v3;
	v3 =	vor.u32 v0, v62  }
0xd6: {  	[tilespmem:$0x143E0] =	vst v3;
	v3 =	vor.u32 v0, v63  }
0xd7: {  	[tilespmem:$0x143F0] =	vst v3  }
0xd8: {  	[tilespmem:s10], [sflag:$0x1] =	stream.indirect.gather [hbm4b:s19+s18], $0x80, s21, s18, $0xb8;
	[tilespmem:$0x1C600] =	vst v63  }
.LBB2_11:
0xd9: {  	_ =	swait.ge [sflag:s29], $0x4000  }
0xda: {  	[sflag:s29] =	ssyncset.done $0x0  }
0xdb: {  	[sflag:s29] =	ssyncadd.s32 $0xFFFFC000  }
0xdc: {  	[spmem:s16] =	stream.indirect.scatter.add.f32 [tilespmem:s28], [sflag:$0x5], $0x80, s23, s18, $0xb8;
	[tilespmem:$0x1C600] =	vst v63  }
0xdd: {  	_ =	swait.ge [sflag:s11], $0x4000  }
0xde: {  	s1 =	simm.s32 @!p0 $0x80;
	[sflag:s11] =	ssyncset.done $0x0  }
0xdf: {  	s4 =	simm.s32 @!p0 $0x14480;
	s5 =	simm.s32 @!p0 $0x1C580;
	[sflag:s11] =	ssyncadd.s32 $0xFFFFC000  }
0xe0: {  	[spmem:s17] =	stream.indirect.scatter.add.f32 @!p0 [tilespmem:s5], [sflag:$0x5], $0x1, s4, s1, $0xb8;
	[tilespmem:$0x1C600] =	vst v63  }
0xe1: {  	s1 =	simm.s32 @!p0 $0x5  }
0xe2: {  	_ =	swait.ge @!p0 [sflag:s1], $0x80  }
0xe3: {  	p1 =	sgt.u32 s15, $0x4B1;
	[sflag:s1] =	ssyncset.done @!p0 $0x0  }
0xe4: {  	[sflag:s1] =	ssyncadd.s32 @!p0 $0xFFFFFF80;
	s1 =	sadd.s32 @!p1 s31, s2  }
0xe5: {  	s4 =	simm.s32 @!p1 $0x0;
	s5 =	simm.s32 @!p1 $0x14400;
	s1 =	sadd.s32 @!p1 $0x300, s1  }
0xe6: {  	[tilespmem:s5], [sflag:$0x4] =	stream.linear.gather @!p1 [hbm4b:s1+s4], $0x80, $0x38;
	[tilespmem:$0x1C600] =	vst v63  }
0xe7: {  	s1 =	sadd.s32 @!p1 s31, s3  }
0xe8: {  	s5 =	simm.s32 @!p1 $0x14480;
	s1 =	sadd.s32 @!p1 $0x300, s1  }
0xe9: {  	[tilespmem:s5], [sflag:$0x4] =	stream.linear.gather @!p1 [hbm4b:s1+s4], $0x80, $0x38;
	[tilespmem:$0x1C600] =	vst v63  }
.LBB2_12:
0xea: {  	s31 =	sadd.s32 $0x200, s31  }
0xeb: {  	p1 =	sne.s32 s31, $0x5000  }
.Ltmp4:
0xec: {  	_ = 	snop;
	(pc) =	sbr.rel @!p1 .LBB2_13-.Ltmp4, $2  }
0xed: {  	_ =	sdelay $0x2  }
0xee: {  	s15 =	sadd.s32 $0x20, s15  }
.LBB2_4:
0xef: {  	p1 =	slt.u32 s15, $0x4D2  }
.Ltmp5:
0xf0: {  	_ = 	snop;
	(pc) =	sbr.rel @!p1 .LBB2_5-.Ltmp5, $1  }
0xf1: {  	_ =	sdelay $0x3  }
0xf2: {  	_ =	swait.ge [sflag:s24], $0x80  }
0xf3: {  	[sflag:s24] =	ssyncset.done $0x0  }
0xf4: {  	[sflag:s24] =	ssyncadd.s32 $0xFFFFFF80  }
0xf5: {  	_ =	swait.ge [sflag:s24], $0x80  }
0xf6: {  	[sflag:s24] =	ssyncset.done $0x0  }
0xf7: {  	[sflag:s24] =	ssyncadd.s32 $0xFFFFFF80  }
0xf8: {  	v3 =	vld [tilespmem:$0x14400]  }
0xf9: {  	v4 =	vld [tilespmem:$0x14410]  }
0xfa: {  	v5 =	vld [tilespmem:$0x14420]  }
0xfb: {  	v6 =	vld [tilespmem:$0x14430]  }
0xfc: {  	v7 =	vld [tilespmem:$0x14440]  }
0xfd: {  	v8 =	vld [tilespmem:$0x14450];
	v3 =	vshll.u32 v3, $0x1  }
0xfe: {  	v9 =	vld [tilespmem:$0x14460];
	v4 =	vshll.u32 v4, $0x1;
	v3 =	vor.u32 v0, v3  }
0xff: {  	v58 =	vld [tilespmem:$0x14470];
	v57 =	vshll.u32 v5, $0x1;
	[tilespmem:$0x14500] =	vst v3;
	v3 =	vor.u32 v0, v4  }
0x100: {  	v59 =	vshll.u32 v6, $0x1;
	[tilespmem:$0x14510] =	vst v3;
	v3 =	vor.u32 v0, v57  }
0x101: {  	v60 =	vshll.u32 v7, $0x1;
	[tilespmem:$0x14520] =	vst v3;
	v3 =	vor.u32 v0, v59  }
0x102: {  	v61 =	vshll.u32 v8, $0x1;
	[tilespmem:$0x14530] =	vst v3;
	v3 =	vor.u32 v0, v60  }
0x103: {  	v62 =	vshll.u32 v9, $0x1;
	[tilespmem:$0x14540] =	vst v3;
	v3 =	vor.u32 v0, v61  }
0x104: {  	v63 =	vshll.u32 v58, $0x1;
	[tilespmem:$0x14550] =	vst v3;
	v3 =	vor.u32 v0, v62  }
0x105: {  	[tilespmem:$0x14560] =	vst v3;
	v3 =	vor.u32 v0, v63  }
.Ltmp6:
0x106: {  	[tilespmem:$0x14570] =	vst v3;
	(pc) =	sbr.rel .LBB2_8-.Ltmp6, $4  }
0x107: {  	_ =	swait.ge [sflag:s25], $0x4000  }
0x108: {  	[sflag:s25] =	ssyncset.done $0x0  }
0x109: {  	[sflag:s25] =	ssyncadd.s32 $0xFFFFC000  }
0x10a: {  	[tilespmem:s28], [sflag:$0x2] =	stream.indirect.gather [hbm4b:s19+s18], $0x80, s26, s18, $0xb8;
	[tilespmem:$0x1C600] =	vst v63  }
.LBB2_5:
0x10b: {  	p1 =	sgt.u32 s15, $0x4E1  }
.Ltmp7:
0x10c: {  	_ = 	snop;
	(pc) =	sbr.rel @p1 .LBB2_12-.Ltmp7, $1  }
0x10d: {  	_ =	sdelay $0x3  }
0x10e: {  	_ =	swait.ge [sflag:s25], $0x4000  }
0x10f: {  	[sflag:s25] =	ssyncset.done $0x0  }
0x110: {  	[sflag:s25] =	ssyncadd.s32 $0xFFFFC000  }
.LBB2_8:
0x111: {  	[spmem:s16] =	stream.indirect.scatter.add.f32 [tilespmem:s10], [sflag:$0x5], $0x80, s13, s18, $0xb8;
	[tilespmem:$0x1C600] =	vst v63  }
0x112: {  	_ =	swait.ge [sflag:s11], $0x4000  }
0x113: {  	s1 =	simm.s32 @!p0 $0x80;
	s4 =	simm.s32 @!p0 $0x14300;
	[sflag:s11] =	ssyncset.done $0x0  }
0x114: {  	s5 =	simm.s32 @!p0 $0x1C580;
	p1 =	sgt.u32 s15, $0x4C1;
	[sflag:s11] =	ssyncadd.s32 $0xFFFFC000  }
0x115: {  	[spmem:s17] =	stream.indirect.scatter.add.f32 @!p0 [tilespmem:s5], [sflag:$0x5], $0x1, s4, s1, $0xb8;
	[tilespmem:$0x1C600] =	vst v63  }
.Ltmp8:
0x116: {  	_ = 	snop;
	(pc) =	sbr.rel @!p1 .LBB2_9-.Ltmp8, $4  }
0x117: {  	s1 =	simm.s32 @!p0 $0x5  }
0x118: {  	_ =	swait.ge @!p0 [sflag:s1], $0x80  }
0x119: {  	[sflag:s1] =	ssyncset.done @!p0 $0x0  }
0x11a: {  	[sflag:s1] =	ssyncadd.s32 @!p0 $0xFFFFFF80  }
0x11b: {  	p1 =	sgt.u32 s15, $0x4D1  }
.Ltmp9:
0x11c: {  	_ = 	snop;
	(pc) =	sbr.rel @p1 .LBB2_12-.Ltmp9, $4  }
.Ltmp10:
0x11d: {  	_ = 	snop;
	(pc) =	sbr.rel @!p1 .LBB2_11-.Ltmp10, $4  }
0x11e: {  	_ = 	snop  }
0x11f: {  	_ = 	snop  }
0x120: {  	_ = 	snop  }
0x121: {  	_ = 	snop  }
.LBB2_14:
0x122: {  	_ =	sfence.sel $0x180000  }
0x123: {  	[bflag:$0x0] =	sbarrier.arrive $0xFFFF  }
0x124: {  	_ =	strace $0x90000047  }
0x125: {  	s0 =	stileid.u32;
	[bflag:$0x2] =	sbarrier.arrive $0xFFFF  }
0x126: {  	p0 =	sne.s32 s0, $0x0;
	s0 =	rddreg [dreg:$0x4]  }
0x127: {  	s0 =	sadd.s32 @!p0 $0x100000, s0  }
0x128: {  	[sflag:s0] =	ssyncadd.tile.s32 @!p0 $0x1;
	_ =	shalt  }
.Lfunc_end2:
_tile_overlayer_lowered:
.L_overlay_start_2:
0x129: {  	(tag) =	ssettag $0x2  }
0x12a: {  	s0 =	rddreg [dreg:$0x0];
	s2 =	stileid.u32  }
0x12b: {  	s1 =	rddreg [dreg:$0x1];
	p0 =	sne.s32 s2, $0x0  }
0x12c: {  	s3 =	rddreg [dreg:$0x2];
	[bflag:$0x3] =	sbarrier.arrive $0xFFFF;
	s2 =	simm.s32 @!p0 $0x1C05  }
0x12d: {  	[timem:s3], [sflag:s2] =	dma.local @!p0 [hbm:s0], s1  }
0x12e: {  	s0 =	simm.s32 @!p0 $0x5  }
0x12f: {  	_ =	swait.ge @!p0 [sflag:s0], s1  }
0x130: {  	s1 =	ssub.s32 @!p0 $0x0, s1;
	[sflag:s0] =	ssyncset.done @!p0 $0x0  }
0x131: {  	[sflag:s0] =	ssyncadd.s32 @!p0 s1  }
0x132: {  	[bflag:$0x3] =	sbarrier.arrive $0xFFFF  }
0x133: {  	_ =	shalt  }

// kernel: sc_sage_agg_k4.3.cloned.1.call-start
scs
__scs_entry_jumppad:
0x0: {  	(pc) =	sbr.rel $0x88, $3  }
0x1: {  	(tag) =	ssettag $0x0;
	lr =	simm.s32 $0x1  }
0x2: {  	[smem:$0x3F97] =	sst lr;
	_ =	strace $0xD0000000  }
0x3: {  	_ = 	snop  }
0x4: {  	_ = 	snop  }
0x5: {  	_ = 	snop  }
0x6: {  	_ = 	snop  }
0x7: {  	_ = 	snop  }
__scs_overlays_trampoline_lowered:
0x8: {  	[smem:$0x3FA6] =	sst s0  }
0x9: {  	[smem:$0x3FA7] =	sst s1  }
0xa: {  	[smem:$0x3FA8] =	sst s2  }
0xb: {  	[smem:$0x3FA9] =	sst s3  }
0xc: {  	[smem:$0x3FAA] =	sst s4  }
0xd: {  	[smem:$0x3FAB] =	sst s5  }
0xe: {  	[smem:$0x3FAC] =	sst s6  }
0xf: {  	[smem:$0x3FAD] =	sst s7  }
0x10: {  	[smem:$0x3FAE] =	sst s8  }
0x11: {  	[smem:$0x3FAF] =	sst s9;
	s0 =	simm.s32 @!p0 $0x0  }
0x12: {  	s1 =	sld [smem:$0x3F95];
	s0 =	simm.s32 @p0 $0x1  }
0x13: {  	[smem:$0x3FB0] =	sst s0;
	s0 =	simm.s32 @!p1 $0x0  }
0x14: {  	s2 =	sld [smem:$0x3F94];
	s0 =	simm.s32 @p1 $0x1  }
0x15: {  	[smem:$0x3FB1] =	sst s0;
	s0 =	simm.s32 @!p2 $0x0  }
0x16: {  	s3 =	sld [smem:$0x3FDB];
	s0 =	simm.s32 @p2 $0x1  }
0x17: {  	s4 =	simm.s32 $0x1BF5;
	[smem:$0x3FB3] =	sst s0  }
0x18: {  	s0 =	sld [smem:$0x3F96];
	_ =	swait.ge [sflag:s4], $0x0  }
0x19: {  	s7 =	sld [smem:$0x3F97]  }
0x1a: {  	s8 =	sadd.s32 $0xFFFFE003, lr  }
0x1b: {  	s9 =	sadd.s32 $0xFFFFFEF7, lr;
	s5 =	simm.s32 $0xFFFFFFFF;
	p2 =	slt.u32 s8, $0xFFFFF086  }
0x1c: {  	p1 =	slt.u32 s9, $0xF7A;
	s5 =	simm.s32 @!p2 $0x0  }
0x1d: {  	s5 =	simm.s32 @p1 $0x1;
	p0 =	seq.s32 s7, s2  }
0x1e: {  	s7 =	smul.u32 @!p0 $0xF7A, s2;
	p2 =	seq.s32 @!p0 s5, $0x0  }
0x1f: {  	s9 =	smul.u32 $0xF7A, s1;
	s8 =	simm.s32 @!p0 $0x1BF5;
	p2 =	por !p2, p0  }
0x20: {  	[sflag:s8] =	ssyncset.s32 @!p0 $0xFFFFF086;
	s6 =	sadd.s32 @!p0 s3, s7;
	s7 =	simm.s32 @!p0 $0x108  }
0x21: {  	s3 =	sadd.s32 s3, s9;
	s6 =	sadd.s32 @!p0 $0x88, s6;
	s7 =	simm.s32 @p2 $0x1082  }
0x22: {  	[simem:s7], [sflag:s8] =	dma.local @!p0 [hbm:s6], $0xF7A  }
0x23: {  	s9 =	sor.u32 $0xD0000000, s2;
	s6 =	simm.s32 $0x108;
	_ =	swait.ge @!p0 [sflag:s8], $0x0  }
0x24: {  	s3 =	sadd.s32 $0x88, s3;
	s6 =	simm.s32 @!p1 $0x1082;
	[sflag:s4] =	ssyncset.s32 $0xFFFFF086  }
0x25: {  	[simem:s6], [sflag:s4] =	dma.local [hbm:s3], $0xF7A  }
0x26: {  	[smem:$0x3F97] =	sst s1;
	(tag) =	ssettag s2;
	_ =	strace s9  }
0x27: {  	s1 =	sld [smem:$0x3FA7]  }
0x28: {  	s2 =	sld [smem:$0x3FA8]  }
0x29: {  	s4 =	sld [smem:$0x3FAA]  }
0x2a: {  	p0 =	seq.s32 s5, $0x0;
	s5 =	sld [smem:$0x3FAB]  }
0x2b: {  	s6 =	sld [smem:$0x3FAC]  }
0x2c: {  	s7 =	sld [smem:$0x3FAD]  }
0x2d: {  	s3 =	simm.s32 $0x108;
	s8 =	sld [smem:$0x3FAE]  }
0x2e: {  	s3 =	simm.s32 @!p0 $0x1082;
	s9 =	sld [smem:$0x3FAF]  }
0x2f: {  	lr =	sadd.s32 s0, s3;
	s0 =	sld [smem:$0x3FA6]  }
0x30: {  	s3 =	sld [smem:$0x3FA9]  }
0x31: {  	[smem:$0x3FB2] =	sst s10  }
0x32: {  	s10 =	sld [smem:$0x3FB0];
	_ =	sdelay $0x3  }
0x33: {  	p0 =	seq.s32 s10, $0x1;
	s10 =	sld [smem:$0x3FB2];
	_ =	sdelay $0x3  }
0x34: {  	[smem:$0x3FB2] =	sst s10  }
0x35: {  	s10 =	sld [smem:$0x3FB1];
	_ =	sdelay $0x3  }
0x36: {  	p1 =	seq.s32 s10, $0x1;
	s10 =	sld [smem:$0x3FB2];
	_ =	sdelay $0x3  }
0x37: {  	[smem:$0x3FB2] =	sst s10  }
0x38: {  	s10 =	sld [smem:$0x3FB3]  }
0x39: {  	_ = 	snop;
	(pc) =	sbr.ind lr, $3  }
0x3a: {  	_ = 	snop  }
0x3b: {  	_ = 	snop  }
0x3c: {  	p2 =	seq.s32 s10, $0x1;
	s10 =	sld [smem:$0x3FB2]  }
0x3d: {  	_ =	shalt  }
0x3e: {  	_ =	shalt  }
0x3f: {  	_ =	shalt  }
0x40: {  	_ =	shalt  }
0x41: {  	_ =	shalt  }
0x42: {  	_ =	shalt  }
0x43: {  	_ =	shalt  }
0x44: {  	_ =	shalt  }
0x45: {  	_ =	shalt  }
0x46: {  	_ =	shalt  }
0x47: {  	_ =	shalt  }
0x48: {  	_ =	shalt  }
0x49: {  	_ =	shalt  }
0x4a: {  	_ =	shalt  }
0x4b: {  	_ =	shalt  }
0x4c: {  	_ =	shalt  }
0x4d: {  	_ =	shalt  }
0x4e: {  	_ =	shalt  }
0x4f: {  	_ =	shalt  }
0x50: {  	_ =	shalt  }
0x51: {  	_ =	shalt  }
0x52: {  	_ =	shalt  }
0x53: {  	_ =	shalt  }
0x54: {  	_ =	shalt  }
0x55: {  	_ =	shalt  }
0x56: {  	_ =	shalt  }
0x57: {  	_ =	shalt  }
0x58: {  	_ =	shalt  }
0x59: {  	_ =	shalt  }
0x5a: {  	_ =	shalt  }
0x5b: {  	_ =	shalt  }
0x5c: {  	_ =	shalt  }
0x5d: {  	_ =	shalt  }
0x5e: {  	_ =	shalt  }
0x5f: {  	_ =	shalt  }
0x60: {  	_ =	shalt  }
0x61: {  	_ =	shalt  }
0x62: {  	_ =	shalt  }
0x63: {  	_ =	shalt  }
0x64: {  	_ =	shalt  }
0x65: {  	_ =	shalt  }
0x66: {  	_ =	shalt  }
0x67: {  	_ =	shalt  }
0x68: {  	_ =	shalt  }
0x69: {  	_ =	shalt  }
0x6a: {  	_ =	shalt  }
0x6b: {  	_ =	shalt  }
0x6c: {  	_ =	shalt  }
0x6d: {  	_ =	shalt  }
0x6e: {  	_ =	shalt  }
0x6f: {  	_ =	shalt  }
0x70: {  	_ =	shalt  }
0x71: {  	_ =	shalt  }
0x72: {  	_ =	shalt  }
0x73: {  	_ =	shalt  }
0x74: {  	_ =	shalt  }
0x75: {  	_ =	shalt  }
0x76: {  	_ =	shalt  }
0x77: {  	_ =	shalt  }
0x78: {  	_ =	shalt  }
0x79: {  	_ =	shalt  }
0x7a: {  	_ =	shalt  }
0x7b: {  	_ =	shalt  }
0x7c: {  	_ =	shalt  }
0x7d: {  	_ =	shalt  }
0x7e: {  	_ =	shalt  }
0x7f: {  	_ =	shalt  }
0x80: {  	_ =	shalt  }
0x81: {  	_ =	shalt  }
0x82: {  	_ =	shalt  }
0x83: {  	_ =	shalt  }
0x84: {  	_ =	shalt  }
0x85: {  	_ =	shalt  }
0x86: {  	_ =	shalt  }
0x87: {  	_ =	shalt  }
.Lfunc_end0:
.L_simem_size_0:
called_computation.1_lowered:
.L_overlay_start_0:
0x88: {  	s2 =	sld [smem:$0x3FD9]  }
0x89: {  	s3 =	sld [smem:$0x3FFE];
	_ =	sdelay $0x1  }
0x8a: {  	s1 =	srdreg.scid  }
0x8b: {  	s0 =	sand.u32 $0x1, s1  }
0x8c: {  	s17 =	sshll.u32 s0, $0xA;
	s2 =	sadd.s32 s3, s2  }
0x8d: {  	s2 =	sadd.s32 s2, s17  }
0x8e: {  	[smem:$0x3FBE] =	sst s2  }
0x8f: {  	_ = 	snop  }
0x90: {  	s2 =	sld [smem:$0x3FD0];
	(tm) =	ssettm $0x1  }
0x91: {  	s18 =	sld [smem:$0x3FFB];
	_ =	sdelay $0x3  }
0x92: {  	_ =	strace s18  }
0x93: {  	s3 =	sld [smem:$0x3FFC];
	_ =	sdelay $0x3  }
0x94: {  	_ =	strace s3  }
0x95: {  	s3 =	sld [smem:$0x3FFD];
	_ =	sdelay $0x3  }
0x96: {  	_ =	strace s3  }
0x97: {  	_ =	strace $0x8FFFFFFF  }
0x98: {  	s19 =	sld [smem:$0x3FDB];
	_ =	sdelay $0x1  }
0x99: {  	s4 =	simm.s32 $_scs_section_size  }
0x9a: {  	s5 =	simm.s32 $_size__tile_overlayer_lowered;
	s6 =	simm.s32 $_tile_overlayer_lowered  }
0x9b: {  	s22 =	simm.s32 $0x1BFF;
	s21 =	sshll.u32 s6, $0x1;
	s3 =	sadd.s32 s4, s19  }
0x9c: {  	s7 =	simm.s32 $0x0;
	s20 =	sshll.u32 s5, $0x1;
	s5 =	sadd.s32 s21, s3  }
0x9d: {  	[timem:s7], [sflag:s22] =	dma.local [hbm:s5], s20  }
0x9e: {  	_ =	swait.ge [sflag:s22], s20  }
0x9f: {  	s4 =	ssub.s32 $0x0, s20;
	[sflag:s22] =	ssyncset.done $0x0  }
0xa0: {  	[sflag:s22] =	ssyncadd.s32 s4;
	_ =	sdelay $0x1  }
0xa1: {  	s23 =	simm.s32 $0x1B8B  }
0xa2: {  	_ =	swait.ge [sflag:s23], $0x1  }
0xa3: {  	[sflag:s23] =	ssyncset.done $0x0  }
0xa4: {  	s25 =	simm.s32 $0x1B8E;
	s24 =	sld [smem:$0x3FFE];
	[sflag:s23] =	ssyncadd.s32 $0xFFFFFFFF  }
0xa5: {  	s26 =	simm.s32 $execute0_lowered;
	[smem:$0x3FD2] =	sst s25  }
0xa6: {  	s5 =	sshll.u32 s26, $0x1;
	_ =	strace $0x80000049;
	[dreg:$0x1] =	wrdreg $0xFFFFFFFF  }
0xa7: {  	s28 =	simm.s32 $_size_execute0_lowered;
	s3 =	sadd.s32 s3, s5;
	[dreg:$0x0] =	wrdreg $0x0  }
0xa8: {  	s5 =	sshll.u32 s28, $0x1;
	[dreg:$0x2] =	wrdreg s3  }
0xa9: {  	[dreg:$0x3] =	wrdreg s5  }
0xaa: {  	[dreg:$0x4] =	wrdreg $0xC0  }
0xab: {  	_ =	task [dreg:s7], $0x5FFFF  }
0xac: {  	[dreg:$0x1] =	wrdreg $0xFFFFFFFF  }
0xad: {  	[dreg:$0x0] =	wrdreg $0x60  }
0xae: {  	[dreg:$0x2] =	wrdreg s24  }
0xaf: {  	[dreg:$0x3] =	wrdreg s2  }
0xb0: {  	[dreg:$0x4] =	wrdreg $0x0  }
0xb1: {  	[dreg:$0x5] =	wrdreg $0x9  }
0xb2: {  	_ =	task.clear_ibuf [dreg:s7], $0x6FFFF;
	_ =	strace $0x90000049  }
0xb3: {  	s29 =	simm.s32 $0x9;
	_ =	strace $0x8000004B  }
0xb4: {  	_ =	swait.ge [sflag:s29], $0x1  }
0xb5: {  	[sflag:s29] =	ssyncadd.s32 $0xFFFFFFFF  }
0xb6: {  	_ =	strace $0x9000004B  }
0xb7: {  	_ =	sfence  }
0xb8: {  	s30 =	sld [smem:$0x0];
	_ =	sdelay $0x2  }
0xb9: {  	s31 =	sshll.u32 s1, $0xD;
	s1 =	sshrl.u32 s1, $0x2  }
0xba: {  	s3 =	sand.u32 $0x4000, s31;
	s1 =	sadd.s32 s1, s30  }
0xbb: {  	s0 =	sor.u32 s3, s0;
	s1 =	sshll.u32 s1, $0x11  }
0xbc: {  	s0 =	sor.u32 s1, s0  }
0xbd: {  	s0 =	sadd.s32 $0x8F2B, s0  }
0xbe: {  	[sflag:s0] =	ssyncadd.remote.s32 $0x1  }
0xbf: {  	_ =	sfence.sel $0xFFFF  }
0xc0: {  	[dreg:$0x0] =	wrdreg $0xFFFFFFFF;
	(pc) =	sbr.abs _section_cstart, $3  }
0xc1: {  	[dreg:$0x1] =	wrdreg $0xFFFFFFFF  }
0xc2: {  	_ =	task.clear_ibuf [dreg:s7], $0x2FFFF;
	_ =	strace $0x9FFFFFFF  }
0xc3: {  	(tm) =	ssettm $0x7FFFFFFF  }
tec
execute0_lowered:
.L_overlay_start_1:
0x0: {  	(tag) =	ssettag $0x1  }
0x1: {  	s2 =	rddreg [dreg:$0x0]  }
0x2: {  	s5 =	rddreg [dreg:$0x1]  }
0x3: {  	s0 =	rddreg [dreg:$0x2];
	s1 =	simm.s32 $0x0  }
0x4: {  	s3 =	srdreg.scid;
	s17 =	stileid.u32;
	s30 =	simm.s32 $0x14300  }
0x5: {  	s31 =	simm.s32 $0x5;
	[smem:$0x7FF] =	sst s1;
	s6 =	sadd.s32 $0x1800, s2  }
0x6: {  	s7 =	sand.u32 $0x1, s3;
	s8 =	sadd.s32 $0xA6800, s2;
	s28 =	sshll.u32 s17, $0x4  }
0x7: {  	s12 =	smul.u32 $0x14000, s17;
	s3 =	ssub.s32 $0x2, s7;
	s9 =	sshllo.u32 s7, $0x1  }
0x8: {  	s13 =	sor.u32 $0x100, s28;
	s14 =	smul.u32 $0x280000, s7;
	s4 =	sshrl.u32 s3, $0x1  }
0x9: {  	s10 =	smul.u32 $0x140000, s9;
	s11 =	ssub.s32 s3, s4;
	s3 =	sadd.s32 s6, s28  }
0xa: {  	s4 =	sadd.s32 s5, s28;
	s6 =	sadd.s32 s6, s13;
	s5 =	sadd.s32 s5, s13  }
0xb: {  	s15 =	sadd.s32 s14, s12;
	[dreg:$0x4] =	wrdreg s6;
	s29 =	sadd.s32 s10, s12  }
0xc: {  	[dreg:$0x5] =	wrdreg s5;
	s16 =	sshrl.u32 s15, $0x3;
	s6 =	sadd.s32 $0x4000, s12  }
0xd: {  	s13 =	sshrl.u32 s29, $0x3;
	s18 =	sadd.s32 s14, s6;
	s29 =	smul.u32 $0x50000, s17  }
0xe: {  	s23 =	sadd.s32 s10, s6;
	s17 =	smul.u32 $0x2800, s9;
	s5 =	sadd.s32 s8, s13  }
0xf: {  	s9 =	simm.s32 $0x14100;
	s13 =	sadd.s32 $0x8000, s12;
	[dreg:$0x6] =	wrdreg s5  }
0x10: {  	s5 =	sadd.s32 s8, s16;
	s15 =	sadd.s32 s14, s13;
	s16 =	sadd.s32 $0xC000, s12  }
0x11: {  	s12 =	sadd.s32 $0x10000, s12;
	s24 =	sadd.s32 s10, s13;
	v1 =	vmov s17;
	s17 =	simm.s32 $0x2  }
0x12: {  	[dreg:$0x7] =	wrdreg s5;
	s5 =	sshrl.u32 s18, $0x3;
	s19 =	sshrl.u32 s15, $0x3  }
0x13: {  	s20 =	sadd.s32 s14, s16;
	s22 =	sadd.s32 s14, s12;
	s14 =	sshrl.u32 s23, $0x3  }
0x14: {  	s26 =	sshrl.u32 s24, $0x3;
	s28 =	sadd.s32 s10, s16;
	s5 =	sadd.s32 s8, s5  }
0x15: {  	s21 =	sshrl.u32 s20, $0x3;
	[dreg:$0x8] =	wrdreg s5;
	s5 =	sadd.s32 s8, s19  }
0x16: {  	s10 =	sadd.s32 s10, s12;
	[dreg:$0x9] =	wrdreg s5;
	s5 =	sadd.s32 s8, s21  }
0x17: {  	s18 =	sadd.s32 $0x6800, s2;
	[dreg:$0xa] =	wrdreg s5;
	s5 =	sshrl.u32 s22, $0x3  }
0x18: {  	s23 =	sadd.s32 s16, s0;
	s24 =	sadd.s32 s12, s0;
	s5 =	sadd.s32 s8, s5  }
0x19: {  	s15 =	simm.s32 $0x14000;
	[dreg:$0xb] =	wrdreg s5;
	s5 =	sadd.s32 s8, s26  }
0x1a: {  	s25 =	sadd.s32 s8, s14;
	[dreg:$0xd] =	wrdreg s5;
	s5 =	sshrl.u32 s28, $0x3  }
0x1b: {  	s10 =	sshrl.u32 s10, $0x3;
	[dreg:$0xc] =	wrdreg s25;
	s5 =	sadd.s32 s8, s5  }
0x1c: {  	s2 =	simm.s32 $0x14080;
	s8 =	sadd.s32 s8, s10;
	[dreg:$0xe] =	wrdreg s5  }
0x1d: {  	s12 =	simm.s32 $0x4;
	s20 =	smax.u32 s11, $0x1;
	[dreg:$0xf] =	wrdreg s8  }
0x1e: {  	s21 =	sadd.s32 s6, s0;
	_ =	strace $0x8000004A;
	[dreg:$0x10] =	wrdreg s20  }
0x1f: {  	s16 =	simm.s32 $0x18300;
	s22 =	sadd.s32 s13, s0;
	[dreg:$0x11] =	wrdreg s21  }
0x20: {  	s14 =	smul.u32 $0x5000, s7;
	s10 =	sshrl.u32 s29, $0x2;
	[dreg:$0x12] =	wrdreg s22  }
0x21: {  	s7 =	simm.s32 $0x3;
	s19 =	sadd.s32 s10, s0;
	[dreg:$0x13] =	wrdreg s23  }
.Ltmp0:
0x22: {  	[dreg:$0x14] =	wrdreg s24;
	s25 =	sadd.s32 $0x4000, s19;
	(pc) =	sbr.rel .LBB2_1-.Ltmp0, $4  }
0x23: {  	s11 =	simm.s32 $0x14200;
	s26 =	sadd.s32 $0x8000, s19;
	[dreg:$0x15] =	wrdreg s25  }
0x24: {  	v0 =	vmov s14;
	s14 =	simm.s32 $0x14280;
	s28 =	sadd.s32 $0xC000, s19;
	[dreg:$0x16] =	wrdreg s26  }
0x25: {  	s13 =	simm.s32 $0x1;
	s29 =	sadd.s32 $0x10000, s19;
	[dreg:$0x17] =	wrdreg s28  }
0x26: {  	v2 =	vimm.f32 $1.000000000e+00;
	v3 =	vimm.f32 $0.0e+00;
	s8 =	simm.s32 $0x80;
	s20 =	simm.s32 $0x0;
	[dreg:$0x18] =	wrdreg s29  }
.LBB2_25:
0x27: {  	[bflag:$0x0] =	sbarrier.arrive $0xFFFF  }
0x28: {  	s6 =	rddreg [dreg:$0x6]  }
0x29: {  	[hbm:s6], [sflag:s21] =	dma.local [spmem:s22], $0x800  }
0x2a: {  	_ =	swait.ge [sflag:s31], $0x800  }
0x2b: {  	[sflag:s31] =	ssyncset.done $0x0  }
0x2c: {  	s22 =	rddreg [dreg:$0xc];
	[sflag:s31] =	ssyncadd.s32 $0xFFFFF800  }
0x2d: {  	[hbm:s22], [sflag:s21] =	dma.local [spmem:s23], $0x800  }
0x2e: {  	_ =	swait.ge [sflag:s31], $0x800  }
0x2f: {  	[sflag:s31] =	ssyncset.done $0x0  }
0x30: {  	s25 =	rddreg [dreg:$0xd];
	[sflag:s31] =	ssyncadd.s32 $0xFFFFF800  }
0x31: {  	[hbm:s25], [sflag:s21] =	dma.local [spmem:s24], $0x800  }
0x32: {  	_ =	swait.ge [sflag:s31], $0x800  }
0x33: {  	[sflag:s31] =	ssyncset.done $0x0  }
0x34: {  	s26 =	rddreg [dreg:$0xe];
	[sflag:s31] =	ssyncadd.s32 $0xFFFFF800  }
0x35: {  	[hbm:s26], [sflag:s21] =	dma.local [spmem:s10], $0x800  }
0x36: {  	_ =	swait.ge [sflag:s31], $0x800  }
0x37: {  	[sflag:s31] =	ssyncset.done $0x0  }
0x38: {  	s28 =	rddreg [dreg:$0xf];
	[sflag:s31] =	ssyncadd.s32 $0xFFFFF800  }
0x39: {  	[hbm:s28], [sflag:s21] =	dma.local [spmem:s5], $0x800  }
0x3a: {  	_ =	swait.ge [sflag:s31], $0x800  }
0x3b: {  	s20 =	sadd.s32 $0x1, s20;
	s29 =	rddreg [dreg:$0x10]  }
0x3c: {  	p0 =	sne.s32 s20, s29  }
.Ltmp1:
0x3d: {  	_ = 	snop;
	(pc) =	sbr.rel @!p0 .LBB2_26-.Ltmp1, $3  }
0x3e: {  	_ =	sdelay $0x1  }
0x3f: {  	[sflag:s31] =	ssyncset.done $0x0  }
0x40: {  	[sflag:s31] =	ssyncadd.s32 $0xFFFFF800  }
.LBB2_1:
0x41: {  	[tilespmem:$0x1C300] =	vst v2  }
0x42: {  	[tilespmem:$0x1C310] =	vst v2  }
0x43: {  	[tilespmem:$0x1C320] =	vst v2  }
0x44: {  	[tilespmem:$0x1C330] =	vst v2  }
0x45: {  	[tilespmem:$0x1C340] =	vst v2  }
0x46: {  	[tilespmem:$0x1C350] =	vst v2  }
0x47: {  	[tilespmem:$0x1C360] =	vst v2  }
0x48: {  	[tilespmem:$0x1C370] =	vst v2;
	s5 =	simm.s32 $0x0;
	s6 =	simm.s32 $0x200  }
.LBB2_2:
0x49: {  	p0 =	sne.s32 s6, $0xFE00;
	[tilespmem:s5+$0x14370] =	vst v3  }
0x4a: {  	[tilespmem:s5+$0x14300] =	vst v3  }
0x4b: {  	[tilespmem:s5+$0x14310] =	vst v3  }
.Ltmp2:
0x4c: {  	[tilespmem:s5+$0x14320] =	vst v3;
	(pc) =	sbr.rel @p0 .LBB2_2-.Ltmp2, $4  }
0x4d: {  	[tilespmem:s5+$0x14330] =	vst v3  }
0x4e: {  	[tilespmem:s5+$0x14340] =	vst v3  }
0x4f: {  	[tilespmem:s5+$0x14350] =	vst v3  }
0x50: {  	[tilespmem:s5+$0x14360] =	vst v3;
	s5 =	sshra.s32 s6, $0x2;
	s6 =	sadd.s32 $0x200, s6  }
0x51: {  	[tilespmem:s5+$0x14370] =	vst v3  }
0x52: {  	[tilespmem:s5+$0x14300] =	vst v3  }
0x53: {  	[tilespmem:s5+$0x14310] =	vst v3  }
0x54: {  	[tilespmem:s5+$0x14320] =	vst v3  }
0x55: {  	[tilespmem:s5+$0x14330] =	vst v3  }
0x56: {  	[tilespmem:s5+$0x14340] =	vst v3  }
0x57: {  	[tilespmem:s5+$0x14350] =	vst v3  }
0x58: {  	[tilespmem:s5+$0x14360] =	vst v3  }
0x59: {  	[spmem:s19] =	stream.linear.scatter [tilespmem:s30], [sflag:$0x5], $0x4000, $0x38;
	[tilespmem:$0x1C380] =	vst v63  }
0x5a: {  	_ =	swait.ge [sflag:s31], $0x4000  }
0x5b: {  	[sflag:s31] =	ssyncset.done $0x0  }
0x5c: {  	s24 =	rddreg [dreg:$0x15];
	[sflag:s31] =	ssyncadd.s32 $0xFFFFC000  }
0x5d: {  	[spmem:s24] =	stream.linear.scatter [tilespmem:s30], [sflag:$0x5], $0x4000, $0x38;
	[tilespmem:$0x1C380] =	vst v63  }
0x5e: {  	_ =	swait.ge [sflag:s31], $0x4000  }
0x5f: {  	[sflag:s31] =	ssyncset.done $0x0  }
0x60: {  	s25 =	rddreg [dreg:$0x16];
	[sflag:s31] =	ssyncadd.s32 $0xFFFFC000  }
0x61: {  	[spmem:s25] =	stream.linear.scatter [tilespmem:s30], [sflag:$0x5], $0x4000, $0x38;
	[tilespmem:$0x1C380] =	vst v63  }
0x62: {  	_ =	swait.ge [sflag:s31], $0x4000  }
0x63: {  	[sflag:s31] =	ssyncset.done $0x0  }
0x64: {  	s26 =	rddreg [dreg:$0x17];
	[sflag:s31] =	ssyncadd.s32 $0xFFFFC000  }
0x65: {  	[spmem:s26] =	stream.linear.scatter [tilespmem:s30], [sflag:$0x5], $0x4000, $0x38;
	[tilespmem:$0x1C380] =	vst v63  }
0x66: {  	_ =	swait.ge [sflag:s31], $0x4000  }
0x67: {  	[sflag:s31] =	ssyncset.done $0x0  }
0x68: {  	s28 =	rddreg [dreg:$0x18];
	[sflag:s31] =	ssyncadd.s32 $0xFFFFC000  }
0x69: {  	[spmem:s28] =	stream.linear.scatter [tilespmem:s30], [sflag:$0x5], $0x4000, $0x38;
	[tilespmem:$0x1C380] =	vst v63  }
0x6a: {  	_ =	swait.ge [sflag:s31], $0x4000  }
0x6b: {  	[sflag:s31] =	ssyncset.done $0x0  }
0x6c: {  	[sflag:s31] =	ssyncadd.s32 $0xFFFFC000  }
0x6d: {  	s5 =	simm.s32 $0x0;
	[bflag:$0x0] =	sbarrier.arrive $0xFFFF  }
0x6e: {  	[tilespmem:s15], [sflag:$0x3] =	stream.linear.gather [hbm4b:s3+s5], $0x80, $0x38;
	[tilespmem:$0x1C380] =	vst v63  }
0x6f: {  	_ = 	snop  }
0x70: {  	[tilespmem:s2], [sflag:$0x3] =	stream.linear.gather [hbm4b:s4+s5], $0x80, $0x38;
	[tilespmem:$0x1C380] =	vst v63  }
0x71: {  	_ =	swait.ge [sflag:s7], $0x80  }
0x72: {  	[sflag:s7] =	ssyncset.done $0x0  }
0x73: {  	[sflag:s7] =	ssyncadd.s32 $0xFFFFFF80  }
0x74: {  	_ =	swait.ge [sflag:s7], $0x80  }
0x75: {  	[sflag:s7] =	ssyncset.done $0x0  }
0x76: {  	[sflag:s7] =	ssyncadd.s32 $0xFFFFFF80  }
0x77: {  	v4 =	vld [tilespmem:$0x14000]  }
0x78: {  	v5 =	vld [tilespmem:$0x14010]  }
0x79: {  	v6 =	vld [tilespmem:$0x14020]  }
0x7a: {  	v7 =	vld [tilespmem:$0x14030]  }
0x7b: {  	v8 =	vld [tilespmem:$0x14040]  }
0x7c: {  	v9 =	vld [tilespmem:$0x14050];
	v4 =	vadd.s32 v0, v4  }
0x7d: {  	[tilespmem:$0x14100] =	vst v4;
	v4 =	vadd.s32 v0, v5;
	v5 =	vld [tilespmem:$0x14060]  }
0x7e: {  	v63 =	vld [tilespmem:$0x14070];
	[tilespmem:$0x14110] =	vst v4;
	v4 =	vadd.s32 v0, v6  }
0x7f: {  	[tilespmem:$0x14120] =	vst v4;
	v4 =	vadd.s32 v0, v7  }
0x80: {  	[tilespmem:$0x14130] =	vst v4;
	v4 =	vadd.s32 v0, v8  }
0x81: {  	[tilespmem:$0x14140] =	vst v4;
	v4 =	vadd.s32 v0, v9  }
0x82: {  	[tilespmem:$0x14150] =	vst v4;
	v4 =	vadd.s32 v0, v5  }
0x83: {  	[tilespmem:$0x14160] =	vst v4;
	v4 =	vadd.s32 v0, v63  }
0x84: {  	[tilespmem:$0x14170] =	vst v4  }
0x85: {  	[tilespmem:s30], [sflag:$0x1] =	stream.indirect.gather [hbm4b:s18+s8], $0x80, s9, s8, $0xb8;
	[tilespmem:$0x1C380] =	vst v63  }
.Ltmp3:
0x86: {  	_ = 	snop;
	(pc) =	sbr.rel .LBB2_4-.Ltmp3, $4  }
0x87: {  	s10 =	simm.s32 $0x14180;
	s6 =	rddreg [dreg:$0x4]  }
0x88: {  	[tilespmem:s10], [sflag:$0x4] =	stream.linear.gather [hbm4b:s6+s5], $0x80, $0x38;
	[tilespmem:$0x1C380] =	vst v63  }
0x89: {  	s29 =	rddreg [dreg:$0x5];
	s6 =	stileid.u32  }
0x8a: {  	[tilespmem:s11], [sflag:$0x4] =	stream.linear.gather [hbm4b:s29+s5], $0x80, $0x38;
	[tilespmem:$0x1C380] =	vst v63  }
.LBB2_9:
0x8b: {  	s10 =	sadd.s32 s5, s3  }
0x8c: {  	s29 =	sadd.s32 s5, s4;
	s10 =	sadd.s32 $0x200, s10  }
0x8d: {  	[tilespmem:s15], [sflag:$0x3] =	stream.linear.gather [hbm4b:s10+s1], $0x80, $0x38;
	[tilespmem:$0x1C380] =	vst v63  }
0x8e: {  	s10 =	sadd.s32 $0x200, s29  }
0x8f: {  	[tilespmem:s2], [sflag:$0x3] =	stream.linear.gather [hbm4b:s10+s1], $0x80, $0x38;
	[tilespmem:$0x1C380] =	vst v63  }
0x90: {  	_ =	swait.ge [sflag:s7], $0x80  }
0x91: {  	[sflag:s7] =	ssyncset.done $0x0  }
0x92: {  	[sflag:s7] =	ssyncadd.s32 $0xFFFFFF80  }
0x93: {  	_ =	swait.ge [sflag:s7], $0x80  }
0x94: {  	[sflag:s7] =	ssyncset.done $0x0  }
0x95: {  	[sflag:s7] =	ssyncadd.s32 $0xFFFFFF80  }
0x96: {  	v4 =	vld [tilespmem:$0x14000]  }
0x97: {  	v5 =	vld [tilespmem:$0x14010]  }
0x98: {  	v6 =	vld [tilespmem:$0x14020]  }
0x99: {  	v7 =	vld [tilespmem:$0x14030]  }
0x9a: {  	v8 =	vld [tilespmem:$0x14040]  }
0x9b: {  	v9 =	vld [tilespmem:$0x14050];
	v4 =	vadd.s32 v0, v4  }
0x9c: {  	[tilespmem:$0x14100] =	vst v4;
	v4 =	vadd.s32 v0, v5;
	v5 =	vld [tilespmem:$0x14060]  }
0x9d: {  	v63 =	vld [tilespmem:$0x14070];
	[tilespmem:$0x14110] =	vst v4;
	v4 =	vadd.s32 v0, v6  }
0x9e: {  	[tilespmem:$0x14120] =	vst v4;
	v4 =	vadd.s32 v0, v7  }
0x9f: {  	[tilespmem:$0x14130] =	vst v4;
	v4 =	vadd.s32 v0, v8  }
0xa0: {  	[tilespmem:$0x14140] =	vst v4;
	v4 =	vadd.s32 v0, v9  }
0xa1: {  	[tilespmem:$0x14150] =	vst v4;
	v4 =	vadd.s32 v0, v5  }
0xa2: {  	[tilespmem:$0x14160] =	vst v4;
	v4 =	vadd.s32 v0, v63  }
0xa3: {  	[tilespmem:$0x14170] =	vst v4  }
0xa4: {  	[tilespmem:s30], [sflag:$0x1] =	stream.indirect.gather [hbm4b:s18+s8], $0x80, s9, s8, $0xb8;
	[tilespmem:$0x1C380] =	vst v63  }
.LBB2_11:
0xa5: {  	_ =	swait.ge [sflag:s17], $0x4000  }
0xa6: {  	[sflag:s17] =	ssyncset.done $0x0  }
0xa7: {  	[sflag:s17] =	ssyncadd.s32 $0xFFFFC000  }
0xa8: {  	[spmem:s0] =	stream.indirect.scatter.add.f32 [tilespmem:s16], [sflag:$0x5], $0x80, s11, s8, $0xb8;
	[tilespmem:$0x1C380] =	vst v63  }
0xa9: {  	p0 =	sgt.u32 s6, $0x4B1;
	_ =	swait.ge [sflag:s31], $0x4000  }
0xaa: {  	s10 =	sadd.s32 @!p0 s5, s3;
	s21 =	simm.s32 @!p0 $0x0;
	[sflag:s31] =	ssyncset.done $0x0  }
0xab: {  	s22 =	simm.s32 @!p0 $0x14180;
	s10 =	sadd.s32 @!p0 $0x300, s10;
	[sflag:s31] =	ssyncadd.s32 $0xFFFFC000  }
0xac: {  	[tilespmem:s22], [sflag:$0x4] =	stream.linear.gather @!p0 [hbm4b:s10+s21], $0x80, $0x38;
	[tilespmem:$0x1C380] =	vst v63  }
0xad: {  	s10 =	sadd.s32 @!p0 s5, s4  }
0xae: {  	s22 =	simm.s32 @!p0 $0x14200;
	s10 =	sadd.s32 @!p0 $0x300, s10  }
0xaf: {  	[tilespmem:s22], [sflag:$0x4] =	stream.linear.gather @!p0 [hbm4b:s10+s21], $0x80, $0x38;
	[tilespmem:$0x1C380] =	vst v63  }
.LBB2_12:
0xb0: {  	s5 =	sadd.s32 $0x200, s5  }
0xb1: {  	p0 =	sne.s32 s5, $0x5000  }
.Ltmp4:
0xb2: {  	_ = 	snop;
	(pc) =	sbr.rel @!p0 .LBB2_13-.Ltmp4, $2  }
0xb3: {  	_ =	sdelay $0x2  }
0xb4: {  	s6 =	sadd.s32 $0x20, s6  }
.LBB2_4:
0xb5: {  	p0 =	slt.u32 s6, $0x4D2  }
.Ltmp5:
0xb6: {  	_ = 	snop;
	(pc) =	sbr.rel @!p0 .LBB2_5-.Ltmp5, $1  }
0xb7: {  	_ =	sdelay $0x3  }
0xb8: {  	_ =	swait.ge [sflag:s12], $0x80  }
0xb9: {  	[sflag:s12] =	ssyncset.done $0x0  }
0xba: {  	[sflag:s12] =	ssyncadd.s32 $0xFFFFFF80  }
0xbb: {  	_ =	swait.ge [sflag:s12], $0x80  }
0xbc: {  	[sflag:s12] =	ssyncset.done $0x0  }
0xbd: {  	[sflag:s12] =	ssyncadd.s32 $0xFFFFFF80  }
0xbe: {  	v4 =	vld [tilespmem:$0x14180]  }
0xbf: {  	v5 =	vld [tilespmem:$0x14190]  }
0xc0: {  	v6 =	vld [tilespmem:$0x141A0]  }
0xc1: {  	v7 =	vld [tilespmem:$0x141B0]  }
0xc2: {  	v8 =	vld [tilespmem:$0x141C0]  }
0xc3: {  	v9 =	vld [tilespmem:$0x141D0];
	v4 =	vadd.s32 v0, v4  }
0xc4: {  	[tilespmem:$0x14280] =	vst v4;
	v4 =	vadd.s32 v0, v5;
	v5 =	vld [tilespmem:$0x141E0]  }
0xc5: {  	v63 =	vld [tilespmem:$0x141F0];
	[tilespmem:$0x14290] =	vst v4;
	v4 =	vadd.s32 v0, v6  }
0xc6: {  	[tilespmem:$0x142A0] =	vst v4;
	v4 =	vadd.s32 v0, v7  }
0xc7: {  	[tilespmem:$0x142B0] =	vst v4;
	v4 =	vadd.s32 v0, v8  }
0xc8: {  	[tilespmem:$0x142C0] =	vst v4;
	v4 =	vadd.s32 v0, v9  }
0xc9: {  	[tilespmem:$0x142D0] =	vst v4;
	v4 =	vadd.s32 v0, v5  }
0xca: {  	[tilespmem:$0x142E0] =	vst v4;
	v4 =	vadd.s32 v0, v63  }
.Ltmp6:
0xcb: {  	[tilespmem:$0x142F0] =	vst v4;
	(pc) =	sbr.rel .LBB2_8-.Ltmp6, $4  }
0xcc: {  	_ =	swait.ge [sflag:s13], $0x4000  }
0xcd: {  	[sflag:s13] =	ssyncset.done $0x0  }
0xce: {  	[sflag:s13] =	ssyncadd.s32 $0xFFFFC000  }
0xcf: {  	[tilespmem:s16], [sflag:$0x2] =	stream.indirect.gather [hbm4b:s18+s8], $0x80, s14, s8, $0xb8;
	[tilespmem:$0x1C380] =	vst v63  }
.LBB2_5:
0xd0: {  	p0 =	sgt.u32 s6, $0x4E1  }
.Ltmp7:
0xd1: {  	_ = 	snop;
	(pc) =	sbr.rel @p0 .LBB2_12-.Ltmp7, $1  }
0xd2: {  	_ =	sdelay $0x3  }
0xd3: {  	_ =	swait.ge [sflag:s13], $0x4000  }
0xd4: {  	[sflag:s13] =	ssyncset.done $0x0  }
0xd5: {  	[sflag:s13] =	ssyncadd.s32 $0xFFFFC000  }
.LBB2_8:
0xd6: {  	p0 =	sgt.u32 s6, $0x4C1  }
.Ltmp8:
0xd7: {  	_ = 	snop;
	(pc) =	sbr.rel @!p0 .LBB2_9-.Ltmp8, $4  }
0xd8: {  	[spmem:s0] =	stream.indirect.scatter.add.f32 [tilespmem:s30], [sflag:$0x5], $0x80, s2, s8, $0xb8;
	[tilespmem:$0x1C380] =	vst v63  }
0xd9: {  	_ =	swait.ge [sflag:s31], $0x4000  }
0xda: {  	[sflag:s31] =	ssyncset.done $0x0  }
0xdb: {  	[sflag:s31] =	ssyncadd.s32 $0xFFFFC000  }
0xdc: {  	p0 =	sgt.u32 s6, $0x4D1  }
.Ltmp9:
0xdd: {  	_ = 	snop;
	(pc) =	sbr.rel @p0 .LBB2_12-.Ltmp9, $4  }
.Ltmp10:
0xde: {  	_ = 	snop;
	(pc) =	sbr.rel @!p0 .LBB2_11-.Ltmp10, $4  }
0xdf: {  	_ = 	snop  }
0xe0: {  	_ = 	snop  }
0xe1: {  	_ = 	snop  }
0xe2: {  	_ = 	snop  }
.LBB2_13:
0xe3: {  	s5 =	stileid.u32  }
0xe4: {  	[bflag:$0x0] =	sbarrier.arrive $0xFFFF;
	s5 =	sshll.u32 s5, $0x6  }
0xe5: {  	s22 =	sshrl.u32 s19, $0x3;
	s29 =	rddreg [dreg:$0x7];
	s21 =	sor.u32 $0x1C05, s5  }
0xe6: {  	[hbm:s29], [sflag:s21] =	dma.local [spmem:s22], $0x800  }
0xe7: {  	_ =	swait.ge [sflag:s31], $0x800  }
0xe8: {  	[sflag:s31] =	ssyncset.done $0x0;
	s6 =	rddreg [dreg:$0x11]  }
0xe9: {  	s10 =	rddreg [dreg:$0x8];
	[sflag:s31] =	ssyncadd.s32 $0xFFFFF800;
	s23 =	sshrl.u32 s6, $0x3  }
0xea: {  	[hbm:s10], [sflag:s21] =	dma.local [spmem:s23], $0x800  }
0xeb: {  	_ =	swait.ge [sflag:s31], $0x800  }
0xec: {  	[sflag:s31] =	ssyncset.done $0x0;
	s24 =	rddreg [dreg:$0x12]  }
0xed: {  	s25 =	rddreg [dreg:$0x9];
	[sflag:s31] =	ssyncadd.s32 $0xFFFFF800;
	s24 =	sshrl.u32 s24, $0x3  }
0xee: {  	[hbm:s25], [sflag:s21] =	dma.local [spmem:s24], $0x800  }
0xef: {  	_ =	swait.ge [sflag:s31], $0x800  }
0xf0: {  	[sflag:s31] =	ssyncset.done $0x0;
	s26 =	rddreg [dreg:$0x13]  }
0xf1: {  	s28 =	rddreg [dreg:$0xa];
	[sflag:s31] =	ssyncadd.s32 $0xFFFFF800;
	s10 =	sshrl.u32 s26, $0x3  }
0xf2: {  	[hbm:s28], [sflag:s21] =	dma.local [spmem:s10], $0x800  }
0xf3: {  	_ =	swait.ge [sflag:s31], $0x800  }
0xf4: {  	[sflag:s31] =	ssyncset.done $0x0;
	s29 =	rddreg [dreg:$0x14]  }
0xf5: {  	s6 =	rddreg [dreg:$0xb];
	[sflag:s31] =	ssyncadd.s32 $0xFFFFF800;
	s5 =	sshrl.u32 s29, $0x3  }
0xf6: {  	[hbm:s6], [sflag:s21] =	dma.local [spmem:s5], $0x800  }
0xf7: {  	_ =	swait.ge [sflag:s31], $0x800  }
0xf8: {  	[sflag:s31] =	ssyncset.done $0x0  }
0xf9: {  	s25 =	simm.s32 $0x200;
	s6 =	simm.s32 $0x0;
	[sflag:s31] =	ssyncadd.s32 $0xFFFFF800  }
.LBB2_14:
0xfa: {  	p0 =	seq.s32 s25, $0xFE00;
	[tilespmem:s6+$0x14370] =	vst v3  }
0xfb: {  	[tilespmem:s6+$0x14300] =	vst v3  }
0xfc: {  	[tilespmem:s6+$0x14310] =	vst v3  }
.Ltmp11:
0xfd: {  	[tilespmem:s6+$0x14320] =	vst v3;
	(pc) =	sbr.rel @!p0 .LBB2_14-.Ltmp11, $4  }
0xfe: {  	[tilespmem:s6+$0x14330] =	vst v3  }
0xff: {  	[tilespmem:s6+$0x14340] =	vst v3  }
0x100: {  	[tilespmem:s6+$0x14350] =	vst v3  }
0x101: {  	[tilespmem:s6+$0x14360] =	vst v3;
	s6 =	sshra.s32 s25, $0x2;
	s25 =	sadd.s32 $0x200, s25  }
0x102: {  	[tilespmem:s6+$0x14370] =	vst v3  }
0x103: {  	[tilespmem:s6+$0x14300] =	vst v3  }
0x104: {  	[tilespmem:s6+$0x14310] =	vst v3  }
0x105: {  	[tilespmem:s6+$0x14320] =	vst v3  }
0x106: {  	[tilespmem:s6+$0x14330] =	vst v3  }
0x107: {  	[tilespmem:s6+$0x14340] =	vst v3  }
0x108: {  	[tilespmem:s6+$0x14350] =	vst v3  }
0x109: {  	[tilespmem:s6+$0x14360] =	vst v3  }
0x10a: {  	[spmem:s19] =	stream.linear.scatter [tilespmem:s30], [sflag:$0x5], $0x4000, $0x38;
	[tilespmem:$0x1C380] =	vst v63  }
0x10b: {  	_ =	swait.ge [sflag:s31], $0x4000  }
0x10c: {  	[sflag:s31] =	ssyncset.done $0x0  }
0x10d: {  	s29 =	rddreg [dreg:$0x15];
	[sflag:s31] =	ssyncadd.s32 $0xFFFFC000  }
0x10e: {  	[spmem:s29] =	stream.linear.scatter [tilespmem:s30], [sflag:$0x5], $0x4000, $0x38;
	[tilespmem:$0x1C380] =	vst v63  }
0x10f: {  	_ =	swait.ge [sflag:s31], $0x4000  }
0x110: {  	[sflag:s31] =	ssyncset.done $0x0  }
0x111: {  	s25 =	rddreg [dreg:$0x16];
	[sflag:s31] =	ssyncadd.s32 $0xFFFFC000  }
0x112: {  	[spmem:s25] =	stream.linear.scatter [tilespmem:s30], [sflag:$0x5], $0x4000, $0x38;
	[tilespmem:$0x1C380] =	vst v63  }
0x113: {  	_ =	swait.ge [sflag:s31], $0x4000  }
0x114: {  	[sflag:s31] =	ssyncset.done $0x0  }
0x115: {  	s26 =	rddreg [dreg:$0x17];
	[sflag:s31] =	ssyncadd.s32 $0xFFFFC000  }
0x116: {  	[spmem:s26] =	stream.linear.scatter [tilespmem:s30], [sflag:$0x5], $0x4000, $0x38;
	[tilespmem:$0x1C380] =	vst v63  }
0x117: {  	_ =	swait.ge [sflag:s31], $0x4000  }
0x118: {  	[sflag:s31] =	ssyncset.done $0x0  }
0x119: {  	s28 =	rddreg [dreg:$0x18];
	[sflag:s31] =	ssyncadd.s32 $0xFFFFC000  }
0x11a: {  	[spmem:s28] =	stream.linear.scatter [tilespmem:s30], [sflag:$0x5], $0x4000, $0x38;
	[tilespmem:$0x1C380] =	vst v63  }
0x11b: {  	_ =	swait.ge [sflag:s31], $0x4000  }
0x11c: {  	[sflag:s31] =	ssyncset.done $0x0  }
0x11d: {  	[sflag:s31] =	ssyncadd.s32 $0xFFFFC000  }
0x11e: {  	s6 =	simm.s32 $0x0;
	[bflag:$0x0] =	sbarrier.arrive $0xFFFF  }
0x11f: {  	[tilespmem:s15], [sflag:$0x3] =	stream.linear.gather [hbm4b:s3+s6], $0x80, $0x38;
	[tilespmem:$0x1C380] =	vst v63  }
0x120: {  	_ = 	snop  }
0x121: {  	[tilespmem:s2], [sflag:$0x3] =	stream.linear.gather [hbm4b:s4+s6], $0x80, $0x38;
	[tilespmem:$0x1C380] =	vst v63  }
0x122: {  	_ =	swait.ge [sflag:s7], $0x80  }
0x123: {  	[sflag:s7] =	ssyncset.done $0x0  }
0x124: {  	[sflag:s7] =	ssyncadd.s32 $0xFFFFFF80  }
0x125: {  	_ =	swait.ge [sflag:s7], $0x80  }
0x126: {  	[sflag:s7] =	ssyncset.done $0x0  }
0x127: {  	[sflag:s7] =	ssyncadd.s32 $0xFFFFFF80  }
0x128: {  	v4 =	vld [tilespmem:$0x14000]  }
0x129: {  	v5 =	vld [tilespmem:$0x14010]  }
0x12a: {  	v6 =	vld [tilespmem:$0x14020]  }
0x12b: {  	v7 =	vld [tilespmem:$0x14030]  }
0x12c: {  	v8 =	vld [tilespmem:$0x14040]  }
0x12d: {  	v9 =	vld [tilespmem:$0x14050];
	v4 =	vadd.s32 v1, v4  }
0x12e: {  	[tilespmem:$0x14100] =	vst v4;
	v4 =	vadd.s32 v1, v5;
	v5 =	vld [tilespmem:$0x14060]  }
0x12f: {  	v63 =	vld [tilespmem:$0x14070];
	[tilespmem:$0x14110] =	vst v4;
	v4 =	vadd.s32 v1, v6  }
0x130: {  	[tilespmem:$0x14120] =	vst v4;
	v4 =	vadd.s32 v1, v7  }
0x131: {  	[tilespmem:$0x14130] =	vst v4;
	v4 =	vadd.s32 v1, v8  }
0x132: {  	[tilespmem:$0x14140] =	vst v4;
	v4 =	vadd.s32 v1, v9  }
0x133: {  	[tilespmem:$0x14150] =	vst v4;
	v4 =	vadd.s32 v1, v5  }
0x134: {  	[tilespmem:$0x14160] =	vst v4;
	v4 =	vadd.s32 v1, v63  }
0x135: {  	[tilespmem:$0x14170] =	vst v4  }
0x136: {  	[tilespmem:s30], [sflag:$0x1] =	stream.indirect.gather [hbm4b:s18+s8], $0x80, s9, s8, $0xb8;
	[tilespmem:$0x1C380] =	vst v63  }
.Ltmp12:
0x137: {  	_ = 	snop;
	(pc) =	sbr.rel .LBB2_16-.Ltmp12, $4  }
0x138: {  	s26 =	simm.s32 $0x14180;
	s25 =	rddreg [dreg:$0x4]  }
0x139: {  	[tilespmem:s26], [sflag:$0x4] =	stream.linear.gather [hbm4b:s25+s6], $0x80, $0x38;
	[tilespmem:$0x1C380] =	vst v63  }
0x13a: {  	s29 =	rddreg [dreg:$0x5];
	s25 =	stileid.u32  }
0x13b: {  	[tilespmem:s11], [sflag:$0x4] =	stream.linear.gather [hbm4b:s29+s6], $0x80, $0x38;
	[tilespmem:$0x1C380] =	vst v63  }
.LBB2_21:
0x13c: {  	s26 =	sadd.s32 s6, s3  }
0x13d: {  	s29 =	sadd.s32 s6, s4;
	s26 =	sadd.s32 $0x200, s26  }
0x13e: {  	[tilespmem:s15], [sflag:$0x3] =	stream.linear.gather [hbm4b:s26+s1], $0x80, $0x38;
	[tilespmem:$0x1C380] =	vst v63  }
0x13f: {  	s26 =	sadd.s32 $0x200, s29  }
0x140: {  	[tilespmem:s2], [sflag:$0x3] =	stream.linear.gather [hbm4b:s26+s1], $0x80, $0x38;
	[tilespmem:$0x1C380] =	vst v63  }
0x141: {  	_ =	swait.ge [sflag:s7], $0x80  }
0x142: {  	[sflag:s7] =	ssyncset.done $0x0  }
0x143: {  	[sflag:s7] =	ssyncadd.s32 $0xFFFFFF80  }
0x144: {  	_ =	swait.ge [sflag:s7], $0x80  }
0x145: {  	[sflag:s7] =	ssyncset.done $0x0  }
0x146: {  	[sflag:s7] =	ssyncadd.s32 $0xFFFFFF80  }
0x147: {  	v4 =	vld [tilespmem:$0x14000]  }
0x148: {  	v5 =	vld [tilespmem:$0x14010]  }
0x149: {  	v6 =	vld [tilespmem:$0x14020]  }
0x14a: {  	v7 =	vld [tilespmem:$0x14030]  }
0x14b: {  	v8 =	vld [tilespmem:$0x14040]  }
0x14c: {  	v9 =	vld [tilespmem:$0x14050];
	v4 =	vadd.s32 v1, v4  }
0x14d: {  	[tilespmem:$0x14100] =	vst v4;
	v4 =	vadd.s32 v1, v5;
	v5 =	vld [tilespmem:$0x14060]  }
0x14e: {  	v63 =	vld [tilespmem:$0x14070];
	[tilespmem:$0x14110] =	vst v4;
	v4 =	vadd.s32 v1, v6  }
0x14f: {  	[tilespmem:$0x14120] =	vst v4;
	v4 =	vadd.s32 v1, v7  }
0x150: {  	[tilespmem:$0x14130] =	vst v4;
	v4 =	vadd.s32 v1, v8  }
0x151: {  	[tilespmem:$0x14140] =	vst v4;
	v4 =	vadd.s32 v1, v9  }
0x152: {  	[tilespmem:$0x14150] =	vst v4;
	v4 =	vadd.s32 v1, v5  }
0x153: {  	[tilespmem:$0x14160] =	vst v4;
	v4 =	vadd.s32 v1, v63  }
0x154: {  	[tilespmem:$0x14170] =	vst v4  }
0x155: {  	[tilespmem:s30], [sflag:$0x1] =	stream.indirect.gather [hbm4b:s18+s8], $0x80, s9, s8, $0xb8;
	[tilespmem:$0x1C380] =	vst v63  }
.LBB2_23:
0x156: {  	_ =	swait.ge [sflag:s17], $0x4000  }
0x157: {  	[sflag:s17] =	ssyncset.done $0x0  }
0x158: {  	[sflag:s17] =	ssyncadd.s32 $0xFFFFC000  }
0x159: {  	[spmem:s0] =	stream.indirect.scatter.add.f32 [tilespmem:s16], [sflag:$0x5], $0x80, s11, s8, $0xb8;
	[tilespmem:$0x1C380] =	vst v63  }
0x15a: {  	p0 =	sgt.u32 s25, $0x4B1;
	_ =	swait.ge [sflag:s31], $0x4000  }
0x15b: {  	s26 =	sadd.s32 @!p0 s6, s3;
	s28 =	simm.s32 @!p0 $0x0;
	[sflag:s31] =	ssyncset.done $0x0  }
0x15c: {  	s29 =	simm.s32 @!p0 $0x14180;
	s26 =	sadd.s32 @!p0 $0x300, s26;
	[sflag:s31] =	ssyncadd.s32 $0xFFFFC000  }
0x15d: {  	[tilespmem:s29], [sflag:$0x4] =	stream.linear.gather @!p0 [hbm4b:s26+s28], $0x80, $0x38;
	[tilespmem:$0x1C380] =	vst v63  }
0x15e: {  	s26 =	sadd.s32 @!p0 s6, s4  }
0x15f: {  	s29 =	simm.s32 @!p0 $0x14200;
	s26 =	sadd.s32 @!p0 $0x300, s26  }
0x160: {  	[tilespmem:s29], [sflag:$0x4] =	stream.linear.gather @!p0 [hbm4b:s26+s28], $0x80, $0x38;
	[tilespmem:$0x1C380] =	vst v63  }
.LBB2_24:
0x161: {  	s6 =	sadd.s32 $0x200, s6  }
0x162: {  	p0 =	sne.s32 s6, $0x5000  }
.Ltmp13:
0x163: {  	_ = 	snop;
	(pc) =	sbr.rel @!p0 .LBB2_25-.Ltmp13, $2  }
0x164: {  	_ =	sdelay $0x2  }
0x165: {  	s25 =	sadd.s32 $0x20, s25  }
.LBB2_16:
0x166: {  	p0 =	slt.u32 s25, $0x4D2  }
.Ltmp14:
0x167: {  	_ = 	snop;
	(pc) =	sbr.rel @!p0 .LBB2_17-.Ltmp14, $1  }
0x168: {  	_ =	sdelay $0x3  }
0x169: {  	_ =	swait.ge [sflag:s12], $0x80  }
0x16a: {  	[sflag:s12] =	ssyncset.done $0x0  }
0x16b: {  	[sflag:s12] =	ssyncadd.s32 $0xFFFFFF80  }
0x16c: {  	_ =	swait.ge [sflag:s12], $0x80  }
0x16d: {  	[sflag:s12] =	ssyncset.done $0x0  }
0x16e: {  	[sflag:s12] =	ssyncadd.s32 $0xFFFFFF80  }
0x16f: {  	v4 =	vld [tilespmem:$0x14180]  }
0x170: {  	v5 =	vld [tilespmem:$0x14190]  }
0x171: {  	v6 =	vld [tilespmem:$0x141A0]  }
0x172: {  	v7 =	vld [tilespmem:$0x141B0]  }
0x173: {  	v8 =	vld [tilespmem:$0x141C0]  }
0x174: {  	v9 =	vld [tilespmem:$0x141D0];
	v4 =	vadd.s32 v1, v4  }
0x175: {  	[tilespmem:$0x14280] =	vst v4;
	v4 =	vadd.s32 v1, v5;
	v5 =	vld [tilespmem:$0x141E0]  }
0x176: {  	v63 =	vld [tilespmem:$0x141F0];
	[tilespmem:$0x14290] =	vst v4;
	v4 =	vadd.s32 v1, v6  }
0x177: {  	[tilespmem:$0x142A0] =	vst v4;
	v4 =	vadd.s32 v1, v7  }
0x178: {  	[tilespmem:$0x142B0] =	vst v4;
	v4 =	vadd.s32 v1, v8  }
0x179: {  	[tilespmem:$0x142C0] =	vst v4;
	v4 =	vadd.s32 v1, v9  }
0x17a: {  	[tilespmem:$0x142D0] =	vst v4;
	v4 =	vadd.s32 v1, v5  }
0x17b: {  	[tilespmem:$0x142E0] =	vst v4;
	v4 =	vadd.s32 v1, v63  }
.Ltmp15:
0x17c: {  	[tilespmem:$0x142F0] =	vst v4;
	(pc) =	sbr.rel .LBB2_20-.Ltmp15, $4  }
0x17d: {  	_ =	swait.ge [sflag:s13], $0x4000  }
0x17e: {  	[sflag:s13] =	ssyncset.done $0x0  }
0x17f: {  	[sflag:s13] =	ssyncadd.s32 $0xFFFFC000  }
0x180: {  	[tilespmem:s16], [sflag:$0x2] =	stream.indirect.gather [hbm4b:s18+s8], $0x80, s14, s8, $0xb8;
	[tilespmem:$0x1C380] =	vst v63  }
.LBB2_17:
0x181: {  	p0 =	sgt.u32 s25, $0x4E1  }
.Ltmp16:
0x182: {  	_ = 	snop;
	(pc) =	sbr.rel @p0 .LBB2_24-.Ltmp16, $1  }
0x183: {  	_ =	sdelay $0x3  }
0x184: {  	_ =	swait.ge [sflag:s13], $0x4000  }
0x185: {  	[sflag:s13] =	ssyncset.done $0x0  }
0x186: {  	[sflag:s13] =	ssyncadd.s32 $0xFFFFC000  }
.LBB2_20:
0x187: {  	p0 =	sgt.u32 s25, $0x4C1  }
.Ltmp17:
0x188: {  	_ = 	snop;
	(pc) =	sbr.rel @!p0 .LBB2_21-.Ltmp17, $4  }
0x189: {  	[spmem:s0] =	stream.indirect.scatter.add.f32 [tilespmem:s30], [sflag:$0x5], $0x80, s2, s8, $0xb8;
	[tilespmem:$0x1C380] =	vst v63  }
0x18a: {  	_ =	swait.ge [sflag:s31], $0x4000  }
0x18b: {  	[sflag:s31] =	ssyncset.done $0x0  }
0x18c: {  	[sflag:s31] =	ssyncadd.s32 $0xFFFFC000  }
0x18d: {  	p0 =	sgt.u32 s25, $0x4D1  }
.Ltmp18:
0x18e: {  	_ = 	snop;
	(pc) =	sbr.rel @p0 .LBB2_24-.Ltmp18, $4  }
.Ltmp19:
0x18f: {  	_ = 	snop;
	(pc) =	sbr.rel @!p0 .LBB2_23-.Ltmp19, $4  }
0x190: {  	_ = 	snop  }
0x191: {  	_ = 	snop  }
0x192: {  	_ = 	snop  }
0x193: {  	_ = 	snop  }
.LBB2_26:
0x194: {  	_ =	sfence.sel $0x180000  }
0x195: {  	[bflag:$0x0] =	sbarrier.arrive $0xFFFF  }
0x196: {  	_ =	strace $0x9000004A  }
0x197: {  	s0 =	stileid.u32;
	[bflag:$0x2] =	sbarrier.arrive $0xFFFF  }
0x198: {  	p0 =	sne.s32 s0, $0x0;
	s0 =	rddreg [dreg:$0x3]  }
0x199: {  	s0 =	sadd.s32 @!p0 $0x100000, s0  }
0x19a: {  	[sflag:s0] =	ssyncadd.tile.s32 @!p0 $0x1;
	_ =	shalt  }
.Lfunc_end2:
_tile_overlayer_lowered:
.L_overlay_start_2:
0x19b: {  	(tag) =	ssettag $0x2  }
0x19c: {  	s0 =	rddreg [dreg:$0x0];
	s2 =	stileid.u32  }
0x19d: {  	s1 =	rddreg [dreg:$0x1];
	p0 =	sne.s32 s2, $0x0  }
0x19e: {  	s3 =	rddreg [dreg:$0x2];
	[bflag:$0x3] =	sbarrier.arrive $0xFFFF;
	s2 =	simm.s32 @!p0 $0x1C05  }
0x19f: {  	[timem:s3], [sflag:s2] =	dma.local @!p0 [hbm:s0], s1  }
0x1a0: {  	s0 =	simm.s32 @!p0 $0x5  }
0x1a1: {  	_ =	swait.ge @!p0 [sflag:s0], s1  }
0x1a2: {  	s1 =	ssub.s32 @!p0 $0x0, s1;
	[sflag:s0] =	ssyncset.done @!p0 $0x0  }
0x1a3: {  	[sflag:s0] =	ssyncadd.s32 @!p0 s1  }
0x1a4: {  	[bflag:$0x3] =	sbarrier.arrive $0xFFFF  }
0x1a5: {  	_ =	shalt  }

</sc_bundles>
